<compile_context>
chip_gen: v7x
topology: tpu7x:2x2x1
jax: 0.10.2.dev20260603
libtpu: 0.0.44.dev20260713+nightly
codegen_flags: <defaults>
</compile_context>

<pallas_src>
import functools

import jax
import jax.numpy as jnp
from jax import lax
from jax.experimental import pallas as pl
from jax.experimental.pallas import tpu as pltpu
from jax.experimental.pallas import tpu_sc as plsc

_N = 10000
_E = 320000
_H = 32

_NC = 2
_NS = 16
_NW = _NC * _NS
_CH = 128
_G = 8
_K = 80
_EPAD = _NW * _K * _CH
_NPAD = 10240
_RPT = _NPAD // _NS

_mesh = plsc.VectorSubcoreMesh(core_axis_name="c", subcore_axis_name="s")



@functools.partial(
    pl.kernel,
    out_type=jax.ShapeDtypeStruct((_NC, _NPAD), jnp.float32),
    mesh=_mesh,
    scratch_types=[
        pltpu.VMEM((_K, _CH), jnp.int32),
        pltpu.VMEM((_CH,), jnp.float32),
        pltpu.VMEM_SHARED((_NPAD,), jnp.float32),
    ],
)
def _sc_degree(dst_hbm, zero_hbm, out_hbm, dst_v, ones_v, acc_sh):
    c = lax.axis_index("c")
    s = lax.axis_index("s")
    wid = s * _NC + c
    pltpu.sync_copy(dst_hbm.at[wid], dst_v)
    for i in range(_CH // 16):
        ones_v[pl.ds(i * 16, 16)] = jnp.ones((16,), jnp.float32)
    pltpu.sync_copy(zero_hbm.at[pl.ds(s * _RPT, _RPT)],
                    acc_sh.at[pl.ds(s * _RPT, _RPT)])
    plsc.subcore_barrier()

    def body(j, carry):
        pltpu.sync_copy(ones_v, acc_sh.at[dst_v.at[j]], add=True)
        return carry

    lax.fori_loop(0, _K, body, 0)
    plsc.subcore_barrier()
    pltpu.sync_copy(acc_sh.at[pl.ds(s * _RPT, _RPT)],
                    out_hbm.at[c, pl.ds(s * _RPT, _RPT)])


@functools.partial(
    pl.kernel,
    out_type=jax.ShapeDtypeStruct((_NC, _NPAD, _H), jnp.float32),
    mesh=_mesh,
    scratch_types=[
        pltpu.VMEM((_K, _CH), jnp.int32),
        pltpu.VMEM((_K, _CH), jnp.int32),
        pltpu.VMEM((_CH, _H), jnp.float32),
        pltpu.VMEM((_CH, _H), jnp.float32),
        pltpu.VMEM((_CH, _H), jnp.float32),
        pltpu.VMEM((_CH, _H), jnp.float32),
        pltpu.VMEM((_CH, _H), jnp.float32),
        pltpu.VMEM((_CH, _H), jnp.float32),
        pltpu.VMEM((_CH, _H), jnp.float32),
        pltpu.VMEM((_CH, _H), jnp.float32),
        pltpu.VMEM_SHARED((_NPAD, _H), jnp.float32),
        pltpu.SemaphoreType.DMA,
        pltpu.SemaphoreType.DMA,
        pltpu.SemaphoreType.DMA,
        pltpu.SemaphoreType.DMA,
        pltpu.SemaphoreType.DMA,
        pltpu.SemaphoreType.DMA,
        pltpu.SemaphoreType.DMA,
        pltpu.SemaphoreType.DMA,
        pltpu.SemaphoreType.DMA,
        pltpu.SemaphoreType.DMA,
        pltpu.SemaphoreType.DMA,
        pltpu.SemaphoreType.DMA,
        pltpu.SemaphoreType.DMA,
        pltpu.SemaphoreType.DMA,
        pltpu.SemaphoreType.DMA,
        pltpu.SemaphoreType.DMA,
    ],
    compiler_params=pltpu.CompilerParams(use_tc_tiling_on_sc=False),
)
def _sc_scatter(hs_hbm, src_hbm, dst_hbm, zero_hbm, out_hbm,
                src_v, dst_v, r0, r1, r2, r3, r4, r5, r6, r7, acc_sh,
                g0, g1, g2, g3, g4, g5, g6, g7,
                t0, t1, t2, t3, t4, t5, t6, t7):
    c = lax.axis_index("c")
    s = lax.axis_index("s")
    wid = s * _NC + c
    pltpu.sync_copy(src_hbm.at[wid], src_v)
    pltpu.sync_copy(dst_hbm.at[wid], dst_v)
    pltpu.sync_copy(zero_hbm.at[pl.ds(s * _RPT, _RPT)],
                    acc_sh.at[pl.ds(s * _RPT, _RPT)])
    plsc.subcore_barrier()

    bufs = (r0, r1, r2, r3, r4, r5, r6, r7)
    sems = (g0, g1, g2, g3, g4, g5, g6, g7)
    ssems = (t0, t1, t2, t3, t4, t5, t6, t7)

    def body(g, carry):
        hnds = [
            pltpu.async_copy(
                hs_hbm.at[src_v.at[g * _G + b]], bufs[b], sems[b])
            for b in range(_G)
        ]
        shnds = []
        for b in range(_G):
            hnds[b].wait()
            shnds.append(pltpu.async_copy(
                bufs[b], acc_sh.at[dst_v.at[g * _G + b]], ssems[b],
                add=True))
        for b in range(_G):
            shnds[b].wait()
        return carry

    lax.fori_loop(0, _K // _G, body, 0)
    plsc.subcore_barrier()
    pltpu.sync_copy(acc_sh.at[pl.ds(s * _RPT, _RPT)],
                    out_hbm.at[c, pl.ds(s * _RPT, _RPT)])



def _dinv_body(c0_ref, c1_ref, o_ref):
    deg = c0_ref[...] + c1_ref[...] + 1.0
    o_ref[...] = lax.rsqrt(deg)


_PK = _N * _H // 128
_PKPAD = _NPAD * _H // 128


def _dense1_body(x_ref, w_ref, dinv_ref, o_ref):
    hw = jnp.dot(x_ref[...], w_ref[...], preferred_element_type=jnp.float32)
    o_ref[...] = dinv_ref[...] * hw


def _combine_body(p_ref, hs_ref, dinv_ref, b_ref, w_ref, o_ref):
    agg = p_ref[0, :_PK] + p_ref[1, :_PK] + hs_ref[...]
    h = jnp.maximum(dinv_ref[...] * agg + b_ref[...], 0.0)
    o_ref[...] = dinv_ref[...] * jnp.dot(
        h, w_ref[...], preferred_element_type=jnp.float32)


def _final_body(p_ref, hs_ref, dinv_ref, b_ref, o_ref):
    h = dinv_ref[...] * (p_ref[0, :_N] + p_ref[1, :_N] + hs_ref[...]) + b_ref[...]
    m = jnp.max(h, axis=1, keepdims=True)
    e = jnp.exp(h - m)
    lse = jnp.log(jnp.sum(e, axis=1, keepdims=True)) + m
    o_ref[...] = h - lse


def _tc(body, out_shape, *ins):
    if isinstance(out_shape, tuple) and isinstance(out_shape[0], tuple):
        os = tuple(jax.ShapeDtypeStruct(s, jnp.float32) for s in out_shape)
    else:
        os = jax.ShapeDtypeStruct(out_shape, jnp.float32)
    return pl.pallas_call(body, out_shape=os)(*ins)



def kernel(x, edge_index, W1, b1, W2, b2, W3, b3):
    src = edge_index[0]
    dst = edge_index[1]
    pad = _EPAD - _E
    src_pad = jnp.arange(pad, dtype=jnp.int32) % _N
    src_p = jnp.concatenate(
        [src, src_pad]).reshape(_K, _NW, _CH).transpose(1, 0, 2)
    dst_pad = jnp.full((pad,), _N, jnp.int32)
    dst_p = jnp.concatenate(
        [dst, dst_pad]).reshape(_K, _NW, _CH).transpose(1, 0, 2)
    zero1 = jnp.zeros((_NPAD,), jnp.float32)
    zero2 = jnp.zeros((_NPAD, _H), jnp.float32)

    cnt = _sc_degree(dst_p, zero1)
    dinv2d = _tc(_dinv_body, (_NPAD // 128, 128),
                 cnt[0].reshape(_NPAD // 128, 128),
                 cnt[1].reshape(_NPAD // 128, 128))
    dinv_flat = dinv2d.reshape(_NPAD)
    dinv = dinv_flat[:_N, None]
    dinv_pk = jnp.repeat(dinv_flat, _H).reshape(_PKPAD, 128)[:_PK]
    blk = jax.scipy.linalg.block_diag
    rep = 128 // _H
    W2b = blk(*([W2] * rep))
    W3b = blk(*([W3] * rep))
    bt1 = jnp.tile(b1, rep)[None, :]
    bt2 = jnp.tile(b2, rep)[None, :]

    hs1 = _tc(_dense1_body, (_N, _H), x, W1, dinv)
    p = _sc_scatter(hs1, src_p, dst_p, zero2)
    hs2 = _tc(_combine_body, (_PK, 128),
              p.reshape(2, _PKPAD, 128), hs1.reshape(_PK, 128), dinv_pk,
              bt1, W2b)
    p = _sc_scatter(hs2.reshape(_N, _H), src_p, dst_p, zero2)
    hs3 = _tc(_combine_body, (_PK, 128),
              p.reshape(2, _PKPAD, 128), hs2, dinv_pk, bt2, W3b)
    p = _sc_scatter(hs3.reshape(_N, _H), src_p, dst_p, zero2)
    return _tc(_final_body, (_N, _H),
               p, hs3.reshape(_N, _H), dinv, b3[None, :])

# --- scband reference (transcript-rebuilt; emitter-appended) ---
"""Pipeline reference for scband-gcn-88227218195278 (READ-ONLY COPY).

The authoritative reference and input builder live on the scoring server;
editing this copy changes nothing except your own understanding.
"""

import jax, jax.numpy as jnp
import numpy as np

N = 10000
E = 320000
D_IN = 128
H = 32
D_OUT = 32


def setup_inputs(seed: int = 0) -> dict:
    key = jax.random.key(seed)
    ks = jax.random.split(key, 8)
    x = jax.random.normal(ks[0], (N, D_IN), dtype=jnp.float32)
    edge_index = jax.random.randint(ks[1], (2, E), 0, N, dtype=jnp.int32)
    W1 = jax.random.normal(ks[2], (D_IN, H), dtype=jnp.float32) * (1.0 / np.sqrt(D_IN))
    b1 = jnp.zeros((H,), dtype=jnp.float32)
    W2 = jax.random.normal(ks[3], (H, H), dtype=jnp.float32) * (1.0 / np.sqrt(H))
    b2 = jnp.zeros((H,), dtype=jnp.float32)
    W3 = jax.random.normal(ks[4], (H, D_OUT), dtype=jnp.float32) * (1.0 / np.sqrt(H))
    b3 = jnp.zeros((D_OUT,), dtype=jnp.float32)
    return {"x": x, "edge_index": edge_index, "W1": W1, "b1": b1, "W2": W2, "b2": b2, "W3": W3, "b3": b3}


def _gcn_conv(h, edge_index, W, b, num_nodes):
    # PyG GCNConv: add self-loops, symmetric normalization, linear transform, scatter-add aggregation
    loop = jnp.arange(num_nodes, dtype=edge_index.dtype)
    src = jnp.concatenate([edge_index[0], loop])
    dst = jnp.concatenate([edge_index[1], loop])
    deg = jnp.zeros((num_nodes,), dtype=h.dtype).at[dst].add(1.0)
    deg_inv_sqrt = jnp.where(deg > 0, jax.lax.rsqrt(jnp.maximum(deg, 1e-12)), 0.0)
    norm = deg_inv_sqrt[src] * deg_inv_sqrt[dst]
    hw = h @ W
    msgs = hw[src] * norm[:, None]
    out = jnp.zeros((num_nodes, W.shape[1]), dtype=h.dtype).at[dst].add(msgs)
    return out + b


def reference(x, edge_index, W1, b1, W2, b2, W3, b3):
    num_nodes = x.shape[0]
    h = _gcn_conv(x, edge_index, W1, b1, num_nodes)
    h = jax.nn.relu(h)
    # F.dropout with training=False (eval mode) is identity
    h = _gcn_conv(h, edge_index, W2, b2, num_nodes)
    h = jax.nn.relu(h)
    h = _gcn_conv(h, edge_index, W3, b3, num_nodes)
    return jax.nn.log_softmax(h, axis=1)

if __name__ == "__main__":
    import jax
    _d = setup_inputs()
    print(jax.jit(kernel)(*tuple(_d.values())))

</pallas_src>

<mosaic_0001>
#map = affine_map<(d0, d1) -> (0, 0)>
#map1 = affine_map<(d0, d1) -> (0, 0, 0)>
module attributes {stable_mosaic.version = 14 : i64} {
  func.func @_sc_scatter(%arg0: i32, %arg1: i32, %arg2: memref<10000x32xf32, #tpu.memory_space<hbm>>, %arg3: memref<32x80x128xi32, #tpu.memory_space<hbm>>, %arg4: memref<32x80x128xi32, #tpu.memory_space<hbm>>, %arg5: memref<10240x32xf32, #tpu.memory_space<hbm>>, %arg6: memref<2x10240x32xf32, #tpu.memory_space<hbm>>, %arg7: memref<80x128xi32, #tpu.memory_space<vmem>>, %arg8: memref<80x128xi32, #tpu.memory_space<vmem>>, %arg9: memref<128x32xf32, #tpu.memory_space<vmem>>, %arg10: memref<128x32xf32, #tpu.memory_space<vmem>>, %arg11: memref<128x32xf32, #tpu.memory_space<vmem>>, %arg12: memref<128x32xf32, #tpu.memory_space<vmem>>, %arg13: memref<128x32xf32, #tpu.memory_space<vmem>>, %arg14: memref<128x32xf32, #tpu.memory_space<vmem>>, %arg15: memref<128x32xf32, #tpu.memory_space<vmem>>, %arg16: memref<128x32xf32, #tpu.memory_space<vmem>>, %arg17: memref<10240x32xf32, #tpu.memory_space<vmem_shared>>, %arg18: memref<!tpu.dma_semaphore, #tpu.memory_space<semaphore_mem>>, %arg19: memref<!tpu.dma_semaphore, #tpu.memory_space<semaphore_mem>>, %arg20: memref<!tpu.dma_semaphore, #tpu.memory_space<semaphore_mem>>, %arg21: memref<!tpu.dma_semaphore, #tpu.memory_space<semaphore_mem>>, %arg22: memref<!tpu.dma_semaphore, #tpu.memory_space<semaphore_mem>>, %arg23: memref<!tpu.dma_semaphore, #tpu.memory_space<semaphore_mem>>, %arg24: memref<!tpu.dma_semaphore, #tpu.memory_space<semaphore_mem>>, %arg25: memref<!tpu.dma_semaphore, #tpu.memory_space<semaphore_mem>>, %arg26: memref<!tpu.dma_semaphore, #tpu.memory_space<semaphore_mem>>, %arg27: memref<!tpu.dma_semaphore, #tpu.memory_space<semaphore_mem>>, %arg28: memref<!tpu.dma_semaphore, #tpu.memory_space<semaphore_mem>>, %arg29: memref<!tpu.dma_semaphore, #tpu.memory_space<semaphore_mem>>, %arg30: memref<!tpu.dma_semaphore, #tpu.memory_space<semaphore_mem>>, %arg31: memref<!tpu.dma_semaphore, #tpu.memory_space<semaphore_mem>>, %arg32: memref<!tpu.dma_semaphore, #tpu.memory_space<semaphore_mem>>, %arg33: memref<!tpu.dma_semaphore, #tpu.memory_space<semaphore_mem>>) attributes {dimension_semantics = [#tpu.dimension_semantics<core_parallel>, #tpu.dimension_semantics<subcore_parallel>], iteration_bounds = array<i64: 2, 16>, scalar_prefetch = 0 : i64, scratch_operands = 27 : i64, tpu.core_type = #tpu.core_type<sc_vector_subcore>, window_params = [{transform_indices = #map}, {transform_indices = #map1}, {transform_indices = #map1}, {transform_indices = #map}, {transform_indices = #map1}]} {
    %mul3A = arith.constant 2 : i32
    %mul3A_0 = arith.muli %arg1, %mul3A : i32
    %add3A = arith.addi %mul3A_0, %arg0 : i32
    "tpu.region"() ({
      %run_scoped3A = tpu.sem_alloc : memref<!tpu.dma_semaphore, #tpu.memory_space<semaphore_mem>>
      %dma_start3A = arith.constant 0 : i32
      %dma_start3A_15 = arith.constant 0 : i32
      %dma_start3A_16 = tpu.memref_slice %arg3[%add3A, %dma_start3A, %dma_start3A_15] : memref<32x80x128xi32, #tpu.memory_space<hbm>> -> memref<1x80x128xi32, #tpu.memory_space<hbm>>
      %dma_start3A_17 = tpu.memref_squeeze %dma_start3A_16 : memref<1x80x128xi32, #tpu.memory_space<hbm>> -> memref<80x128xi32, #tpu.memory_space<hbm>>
      %dma_start3A_18 = arith.constant 0 : i32
      %dma_start3A_19 = arith.constant 0 : i32
      %dma_start3A_20 = tpu.memref_slice %arg3[%add3A, %dma_start3A_18, %dma_start3A_19] : memref<32x80x128xi32, #tpu.memory_space<hbm>> -> memref<1x80x128xi32, #tpu.memory_space<hbm>>
      %dma_start3A_21 = tpu.memref_squeeze %dma_start3A_20 : memref<1x80x128xi32, #tpu.memory_space<hbm>> -> memref<80x128xi32, #tpu.memory_space<hbm>>
      tpu.enqueue_dma source(%dma_start3A_21 : memref<80x128xi32, #tpu.memory_space<hbm>>) target(%arg7 : memref<80x128xi32, #tpu.memory_space<vmem>>) target_semaphore(%run_scoped3A : memref<!tpu.dma_semaphore, #tpu.memory_space<semaphore_mem>>)
      %dma_wait3A = arith.constant 0 : i32
      %dma_wait3A_22 = arith.constant 0 : i32
      %dma_wait3A_23 = tpu.memref_slice %arg3[%add3A, %dma_wait3A, %dma_wait3A_22] : memref<32x80x128xi32, #tpu.memory_space<hbm>> -> memref<1x80x128xi32, #tpu.memory_space<hbm>>
      %dma_wait3A_24 = tpu.memref_squeeze %dma_wait3A_23 : memref<1x80x128xi32, #tpu.memory_space<hbm>> -> memref<80x128xi32, #tpu.memory_space<hbm>>
      %dma_wait3A_25 = arith.constant 0 : i32
      %dma_wait3A_26 = arith.constant 0 : i32
      %dma_wait3A_27 = tpu.memref_slice %arg3[%add3A, %dma_wait3A_25, %dma_wait3A_26] : memref<32x80x128xi32, #tpu.memory_space<hbm>> -> memref<1x80x128xi32, #tpu.memory_space<hbm>>
      %dma_wait3A_28 = tpu.memref_squeeze %dma_wait3A_27 : memref<1x80x128xi32, #tpu.memory_space<hbm>> -> memref<80x128xi32, #tpu.memory_space<hbm>>
      tpu.wait_dma2 semaphore(%run_scoped3A : memref<!tpu.dma_semaphore, #tpu.memory_space<semaphore_mem>>) src(%dma_wait3A_28 : memref<80x128xi32, #tpu.memory_space<hbm>>) dst(%arg7 : memref<80x128xi32, #tpu.memory_space<vmem>>)
      tpu.yield
    }) : () -> ()
    "tpu.region"() ({
      %run_scoped3A = tpu.sem_alloc : memref<!tpu.dma_semaphore, #tpu.memory_space<semaphore_mem>>
      %dma_start3A = arith.constant 0 : i32
      %dma_start3A_15 = arith.constant 0 : i32
      %dma_start3A_16 = tpu.memref_slice %arg4[%add3A, %dma_start3A, %dma_start3A_15] : memref<32x80x128xi32, #tpu.memory_space<hbm>> -> memref<1x80x128xi32, #tpu.memory_space<hbm>>
      %dma_start3A_17 = tpu.memref_squeeze %dma_start3A_16 : memref<1x80x128xi32, #tpu.memory_space<hbm>> -> memref<80x128xi32, #tpu.memory_space<hbm>>
      %dma_start3A_18 = arith.constant 0 : i32
      %dma_start3A_19 = arith.constant 0 : i32
      %dma_start3A_20 = tpu.memref_slice %arg4[%add3A, %dma_start3A_18, %dma_start3A_19] : memref<32x80x128xi32, #tpu.memory_space<hbm>> -> memref<1x80x128xi32, #tpu.memory_space<hbm>>
      %dma_start3A_21 = tpu.memref_squeeze %dma_start3A_20 : memref<1x80x128xi32, #tpu.memory_space<hbm>> -> memref<80x128xi32, #tpu.memory_space<hbm>>
      tpu.enqueue_dma source(%dma_start3A_21 : memref<80x128xi32, #tpu.memory_space<hbm>>) target(%arg8 : memref<80x128xi32, #tpu.memory_space<vmem>>) target_semaphore(%run_scoped3A : memref<!tpu.dma_semaphore, #tpu.memory_space<semaphore_mem>>)
      %dma_wait3A = arith.constant 0 : i32
      %dma_wait3A_22 = arith.constant 0 : i32
      %dma_wait3A_23 = tpu.memref_slice %arg4[%add3A, %dma_wait3A, %dma_wait3A_22] : memref<32x80x128xi32, #tpu.memory_space<hbm>> -> memref<1x80x128xi32, #tpu.memory_space<hbm>>
      %dma_wait3A_24 = tpu.memref_squeeze %dma_wait3A_23 : memref<1x80x128xi32, #tpu.memory_space<hbm>> -> memref<80x128xi32, #tpu.memory_space<hbm>>
      %dma_wait3A_25 = arith.constant 0 : i32
      %dma_wait3A_26 = arith.constant 0 : i32
      %dma_wait3A_27 = tpu.memref_slice %arg4[%add3A, %dma_wait3A_25, %dma_wait3A_26] : memref<32x80x128xi32, #tpu.memory_space<hbm>> -> memref<1x80x128xi32, #tpu.memory_space<hbm>>
      %dma_wait3A_28 = tpu.memref_squeeze %dma_wait3A_27 : memref<1x80x128xi32, #tpu.memory_space<hbm>> -> memref<80x128xi32, #tpu.memory_space<hbm>>
      tpu.wait_dma2 semaphore(%run_scoped3A : memref<!tpu.dma_semaphore, #tpu.memory_space<semaphore_mem>>) src(%dma_wait3A_28 : memref<80x128xi32, #tpu.memory_space<hbm>>) dst(%arg8 : memref<80x128xi32, #tpu.memory_space<vmem>>)
      tpu.yield
    }) : () -> ()
    %mul3A_1 = arith.constant 640 : i32
    %mul3A_2 = arith.muli %arg1, %mul3A_1 : i32
    %mul3A_3 = arith.constant 640 : i32
    %mul3A_4 = arith.muli %arg1, %mul3A_3 : i32
    "tpu.region"() ({
      %run_scoped3A = tpu.sem_alloc : memref<!tpu.dma_semaphore, #tpu.memory_space<semaphore_mem>>
      %dma_start3A = arith.constant 0 : i32
      %dma_start3A_15 = tpu.memref_slice %arg17[%mul3A_4, %dma_start3A] : memref<10240x32xf32, #tpu.memory_space<vmem_shared>> -> memref<640x32xf32, #tpu.memory_space<vmem_shared>>
      %dma_start3A_16 = arith.constant 0 : i32
      %dma_start3A_17 = tpu.memref_slice %arg5[%mul3A_2, %dma_start3A_16] : memref<10240x32xf32, #tpu.memory_space<hbm>> -> memref<640x32xf32, #tpu.memory_space<hbm>>
      tpu.enqueue_dma source(%dma_start3A_17 : memref<640x32xf32, #tpu.memory_space<hbm>>) target(%dma_start3A_15 : memref<640x32xf32, #tpu.memory_space<vmem_shared>>) target_semaphore(%run_scoped3A : memref<!tpu.dma_semaphore, #tpu.memory_space<semaphore_mem>>)
      %dma_wait3A = arith.constant 0 : i32
      %dma_wait3A_18 = tpu.memref_slice %arg17[%mul3A_4, %dma_wait3A] : memref<10240x32xf32, #tpu.memory_space<vmem_shared>> -> memref<640x32xf32, #tpu.memory_space<vmem_shared>>
      %dma_wait3A_19 = arith.constant 0 : i32
      %dma_wait3A_20 = tpu.memref_slice %arg5[%mul3A_2, %dma_wait3A_19] : memref<10240x32xf32, #tpu.memory_space<hbm>> -> memref<640x32xf32, #tpu.memory_space<hbm>>
      tpu.wait_dma2 semaphore(%run_scoped3A : memref<!tpu.dma_semaphore, #tpu.memory_space<semaphore_mem>>) src(%dma_wait3A_20 : memref<640x32xf32, #tpu.memory_space<hbm>>) dst(%dma_wait3A_18 : memref<640x32xf32, #tpu.memory_space<vmem_shared>>)
      tpu.yield
    }) : () -> ()
    %barrier3A = arith.constant 0 : index
    tpu.barrier barrier_id(%barrier3A)
    %scan3A = arith.constant 0 : i32
    %scan3A_5 = arith.constant 0 : i32
    %scan3A_6 = arith.constant 10 : i32
    %scan3A_7 = arith.addi %scan3A_5, %scan3A_6 : i32
    %scan3A_8 = arith.constant 1 : i32
    scf.for %scan3A_15 = %scan3A_5 to %scan3A_7 step %scan3A_8  : i32 {
      %mul3A_16 = arith.constant 8 : i32
      %mul3A_17 = arith.muli %scan3A_15, %mul3A_16 : i32
      %add3A_18 = arith.constant 0 : i32
      %add3A_19 = arith.addi %mul3A_17, %add3A_18 : i32
      %dma_start3A = arith.constant 0 : i32
      %dma_start3A_20 = tpu.memref_slice %arg7[%add3A_19, %dma_start3A] : memref<80x128xi32, #tpu.memory_space<vmem>> -> memref<1x128xi32, #tpu.memory_space<vmem>>
      %dma_start3A_21 = tpu.memref_squeeze %dma_start3A_20 : memref<1x128xi32, #tpu.memory_space<vmem>> -> memref<128xi32, #tpu.memory_space<vmem>>
      %dma_start3A_22 = arith.constant 0 : i32
      %dma_start3A_23 = arith.constant 0 : i32
      %dma_start3A_24 = tpu.memref_slice %arg2[%dma_start3A_22, %dma_start3A_23] : memref<10000x32xf32, #tpu.memory_space<hbm>> -> memref<10000x32xf32, #tpu.memory_space<hbm>>
      tpu.enqueue_indirect_dma source(%dma_start3A_24 : memref<10000x32xf32, #tpu.memory_space<hbm>>) target(%arg9 : memref<128x32xf32, #tpu.memory_space<vmem>>) offsets(%dma_start3A_21 : memref<128xi32, #tpu.memory_space<vmem>>) semaphore(%arg18 : memref<!tpu.dma_semaphore, #tpu.memory_space<semaphore_mem>>)
      %mul3A_25 = arith.constant 8 : i32
      %mul3A_26 = arith.muli %scan3A_15, %mul3A_25 : i32
      %add3A_27 = arith.constant 1 : i32
      %add3A_28 = arith.addi %mul3A_26, %add3A_27 : i32
      %dma_start3A_29 = arith.constant 0 : i32
      %dma_start3A_30 = tpu.memref_slice %arg7[%add3A_28, %dma_start3A_29] : memref<80x128xi32, #tpu.memory_space<vmem>> -> memref<1x128xi32, #tpu.memory_space<vmem>>
      %dma_start3A_31 = tpu.memref_squeeze %dma_start3A_30 : memref<1x128xi32, #tpu.memory_space<vmem>> -> memref<128xi32, #tpu.memory_space<vmem>>
      %dma_start3A_32 = arith.constant 0 : i32
      %dma_start3A_33 = arith.constant 0 : i32
      %dma_start3A_34 = tpu.memref_slice %arg2[%dma_start3A_32, %dma_start3A_33] : memref<10000x32xf32, #tpu.memory_space<hbm>> -> memref<10000x32xf32, #tpu.memory_space<hbm>>
      tpu.enqueue_indirect_dma source(%dma_start3A_34 : memref<10000x32xf32, #tpu.memory_space<hbm>>) target(%arg10 : memref<128x32xf32, #tpu.memory_space<vmem>>) offsets(%dma_start3A_31 : memref<128xi32, #tpu.memory_space<vmem>>) semaphore(%arg19 : memref<!tpu.dma_semaphore, #tpu.memory_space<semaphore_mem>>)
      %mul3A_35 = arith.constant 8 : i32
      %mul3A_36 = arith.muli %scan3A_15, %mul3A_35 : i32
      %add3A_37 = arith.constant 2 : i32
      %add3A_38 = arith.addi %mul3A_36, %add3A_37 : i32
      %dma_start3A_39 = arith.constant 0 : i32
      %dma_start3A_40 = tpu.memref_slice %arg7[%add3A_38, %dma_start3A_39] : memref<80x128xi32, #tpu.memory_space<vmem>> -> memref<1x128xi32, #tpu.memory_space<vmem>>
      %dma_start3A_41 = tpu.memref_squeeze %dma_start3A_40 : memref<1x128xi32, #tpu.memory_space<vmem>> -> memref<128xi32, #tpu.memory_space<vmem>>
      %dma_start3A_42 = arith.constant 0 : i32
      %dma_start3A_43 = arith.constant 0 : i32
      %dma_start3A_44 = tpu.memref_slice %arg2[%dma_start3A_42, %dma_start3A_43] : memref<10000x32xf32, #tpu.memory_space<hbm>> -> memref<10000x32xf32, #tpu.memory_space<hbm>>
      tpu.enqueue_indirect_dma source(%dma_start3A_44 : memref<10000x32xf32, #tpu.memory_space<hbm>>) target(%arg11 : memref<128x32xf32, #tpu.memory_space<vmem>>) offsets(%dma_start3A_41 : memref<128xi32, #tpu.memory_space<vmem>>) semaphore(%arg20 : memref<!tpu.dma_semaphore, #tpu.memory_space<semaphore_mem>>)
      %mul3A_45 = arith.constant 8 : i32
      %mul3A_46 = arith.muli %scan3A_15, %mul3A_45 : i32
      %add3A_47 = arith.constant 3 : i32
      %add3A_48 = arith.addi %mul3A_46, %add3A_47 : i32
      %dma_start3A_49 = arith.constant 0 : i32
      %dma_start3A_50 = tpu.memref_slice %arg7[%add3A_48, %dma_start3A_49] : memref<80x128xi32, #tpu.memory_space<vmem>> -> memref<1x128xi32, #tpu.memory_space<vmem>>
      %dma_start3A_51 = tpu.memref_squeeze %dma_start3A_50 : memref<1x128xi32, #tpu.memory_space<vmem>> -> memref<128xi32, #tpu.memory_space<vmem>>
      %dma_start3A_52 = arith.constant 0 : i32
      %dma_start3A_53 = arith.constant 0 : i32
      %dma_start3A_54 = tpu.memref_slice %arg2[%dma_start3A_52, %dma_start3A_53] : memref<10000x32xf32, #tpu.memory_space<hbm>> -> memref<10000x32xf32, #tpu.memory_space<hbm>>
      tpu.enqueue_indirect_dma source(%dma_start3A_54 : memref<10000x32xf32, #tpu.memory_space<hbm>>) target(%arg12 : memref<128x32xf32, #tpu.memory_space<vmem>>) offsets(%dma_start3A_51 : memref<128xi32, #tpu.memory_space<vmem>>) semaphore(%arg21 : memref<!tpu.dma_semaphore, #tpu.memory_space<semaphore_mem>>)
      %mul3A_55 = arith.constant 8 : i32
      %mul3A_56 = arith.muli %scan3A_15, %mul3A_55 : i32
      %add3A_57 = arith.constant 4 : i32
      %add3A_58 = arith.addi %mul3A_56, %add3A_57 : i32
      %dma_start3A_59 = arith.constant 0 : i32
      %dma_start3A_60 = tpu.memref_slice %arg7[%add3A_58, %dma_start3A_59] : memref<80x128xi32, #tpu.memory_space<vmem>> -> memref<1x128xi32, #tpu.memory_space<vmem>>
      %dma_start3A_61 = tpu.memref_squeeze %dma_start3A_60 : memref<1x128xi32, #tpu.memory_space<vmem>> -> memref<128xi32, #tpu.memory_space<vmem>>
      %dma_start3A_62 = arith.constant 0 : i32
      %dma_start3A_63 = arith.constant 0 : i32
      %dma_start3A_64 = tpu.memref_slice %arg2[%dma_start3A_62, %dma_start3A_63] : memref<10000x32xf32, #tpu.memory_space<hbm>> -> memref<10000x32xf32, #tpu.memory_space<hbm>>
      tpu.enqueue_indirect_dma source(%dma_start3A_64 : memref<10000x32xf32, #tpu.memory_space<hbm>>) target(%arg13 : memref<128x32xf32, #tpu.memory_space<vmem>>) offsets(%dma_start3A_61 : memref<128xi32, #tpu.memory_space<vmem>>) semaphore(%arg22 : memref<!tpu.dma_semaphore, #tpu.memory_space<semaphore_mem>>)
      %mul3A_65 = arith.constant 8 : i32
      %mul3A_66 = arith.muli %scan3A_15, %mul3A_65 : i32
      %add3A_67 = arith.constant 5 : i32
      %add3A_68 = arith.addi %mul3A_66, %add3A_67 : i32
      %dma_start3A_69 = arith.constant 0 : i32
      %dma_start3A_70 = tpu.memref_slice %arg7[%add3A_68, %dma_start3A_69] : memref<80x128xi32, #tpu.memory_space<vmem>> -> memref<1x128xi32, #tpu.memory_space<vmem>>
      %dma_start3A_71 = tpu.memref_squeeze %dma_start3A_70 : memref<1x128xi32, #tpu.memory_space<vmem>> -> memref<128xi32, #tpu.memory_space<vmem>>
      %dma_start3A_72 = arith.constant 0 : i32
      %dma_start3A_73 = arith.constant 0 : i32
      %dma_start3A_74 = tpu.memref_slice %arg2[%dma_start3A_72, %dma_start3A_73] : memref<10000x32xf32, #tpu.memory_space<hbm>> -> memref<10000x32xf32, #tpu.memory_space<hbm>>
      tpu.enqueue_indirect_dma source(%dma_start3A_74 : memref<10000x32xf32, #tpu.memory_space<hbm>>) target(%arg14 : memref<128x32xf32, #tpu.memory_space<vmem>>) offsets(%dma_start3A_71 : memref<128xi32, #tpu.memory_space<vmem>>) semaphore(%arg23 : memref<!tpu.dma_semaphore, #tpu.memory_space<semaphore_mem>>)
      %mul3A_75 = arith.constant 8 : i32
      %mul3A_76 = arith.muli %scan3A_15, %mul3A_75 : i32
      %add3A_77 = arith.constant 6 : i32
      %add3A_78 = arith.addi %mul3A_76, %add3A_77 : i32
      %dma_start3A_79 = arith.constant 0 : i32
      %dma_start3A_80 = tpu.memref_slice %arg7[%add3A_78, %dma_start3A_79] : memref<80x128xi32, #tpu.memory_space<vmem>> -> memref<1x128xi32, #tpu.memory_space<vmem>>
      %dma_start3A_81 = tpu.memref_squeeze %dma_start3A_80 : memref<1x128xi32, #tpu.memory_space<vmem>> -> memref<128xi32, #tpu.memory_space<vmem>>
      %dma_start3A_82 = arith.constant 0 : i32
      %dma_start3A_83 = arith.constant 0 : i32
      %dma_start3A_84 = tpu.memref_slice %arg2[%dma_start3A_82, %dma_start3A_83] : memref<10000x32xf32, #tpu.memory_space<hbm>> -> memref<10000x32xf32, #tpu.memory_space<hbm>>
      tpu.enqueue_indirect_dma source(%dma_start3A_84 : memref<10000x32xf32, #tpu.memory_space<hbm>>) target(%arg15 : memref<128x32xf32, #tpu.memory_space<vmem>>) offsets(%dma_start3A_81 : memref<128xi32, #tpu.memory_space<vmem>>) semaphore(%arg24 : memref<!tpu.dma_semaphore, #tpu.memory_space<semaphore_mem>>)
      %mul3A_85 = arith.constant 8 : i32
      %mul3A_86 = arith.muli %scan3A_15, %mul3A_85 : i32
      %add3A_87 = arith.constant 7 : i32
      %add3A_88 = arith.addi %mul3A_86, %add3A_87 : i32
      %dma_start3A_89 = arith.constant 0 : i32
      %dma_start3A_90 = tpu.memref_slice %arg7[%add3A_88, %dma_start3A_89] : memref<80x128xi32, #tpu.memory_space<vmem>> -> memref<1x128xi32, #tpu.memory_space<vmem>>
      %dma_start3A_91 = tpu.memref_squeeze %dma_start3A_90 : memref<1x128xi32, #tpu.memory_space<vmem>> -> memref<128xi32, #tpu.memory_space<vmem>>
      %dma_start3A_92 = arith.constant 0 : i32
      %dma_start3A_93 = arith.constant 0 : i32
      %dma_start3A_94 = tpu.memref_slice %arg2[%dma_start3A_92, %dma_start3A_93] : memref<10000x32xf32, #tpu.memory_space<hbm>> -> memref<10000x32xf32, #tpu.memory_space<hbm>>
      tpu.enqueue_indirect_dma source(%dma_start3A_94 : memref<10000x32xf32, #tpu.memory_space<hbm>>) target(%arg16 : memref<128x32xf32, #tpu.memory_space<vmem>>) offsets(%dma_start3A_91 : memref<128xi32, #tpu.memory_space<vmem>>) semaphore(%arg25 : memref<!tpu.dma_semaphore, #tpu.memory_space<semaphore_mem>>)
      %dma_wait3A = arith.constant 0 : i32
      %dma_wait3A_95 = tpu.memref_slice %arg7[%add3A_19, %dma_wait3A] : memref<80x128xi32, #tpu.memory_space<vmem>> -> memref<1x128xi32, #tpu.memory_space<vmem>>
      %dma_wait3A_96 = tpu.memref_squeeze %dma_wait3A_95 : memref<1x128xi32, #tpu.memory_space<vmem>> -> memref<128xi32, #tpu.memory_space<vmem>>
      %dma_wait3A_97 = arith.constant 0 : i32
      %dma_wait3A_98 = arith.constant 0 : i32
      %dma_wait3A_99 = tpu.memref_slice %arg2[%dma_wait3A_97, %dma_wait3A_98] : memref<10000x32xf32, #tpu.memory_space<hbm>> -> memref<10000x32xf32, #tpu.memory_space<hbm>>
      tpu.wait_indirect_dma semaphore(%arg18 : memref<!tpu.dma_semaphore, #tpu.memory_space<semaphore_mem>>) src(%dma_wait3A_99 : memref<10000x32xf32, #tpu.memory_space<hbm>>) dst(%arg9 : memref<128x32xf32, #tpu.memory_space<vmem>>)
      %mul3A_100 = arith.constant 8 : i32
      %mul3A_101 = arith.muli %scan3A_15, %mul3A_100 : i32
      %add3A_102 = arith.constant 0 : i32
      %add3A_103 = arith.addi %mul3A_101, %add3A_102 : i32
      %dma_start3A_104 = arith.constant 0 : i32
      %dma_start3A_105 = tpu.memref_slice %arg8[%add3A_103, %dma_start3A_104] : memref<80x128xi32, #tpu.memory_space<vmem>> -> memref<1x128xi32, #tpu.memory_space<vmem>>
      %dma_start3A_106 = tpu.memref_squeeze %dma_start3A_105 : memref<1x128xi32, #tpu.memory_space<vmem>> -> memref<128xi32, #tpu.memory_space<vmem>>
      %dma_start3A_107 = arith.constant 0 : i32
      %dma_start3A_108 = arith.constant 0 : i32
      %dma_start3A_109 = tpu.memref_slice %arg17[%dma_start3A_107, %dma_start3A_108] : memref<10240x32xf32, #tpu.memory_space<vmem_shared>> -> memref<10240x32xf32, #tpu.memory_space<vmem_shared>>
      tpu.enqueue_indirect_dma source(%arg9 : memref<128x32xf32, #tpu.memory_space<vmem>>) target(%dma_start3A_109 : memref<10240x32xf32, #tpu.memory_space<vmem_shared>>) offsets(%dma_start3A_106 : memref<128xi32, #tpu.memory_space<vmem>>) semaphore(%arg26 : memref<!tpu.dma_semaphore, #tpu.memory_space<semaphore_mem>>) {add = true}
      %dma_wait3A_110 = arith.constant 0 : i32
      %dma_wait3A_111 = tpu.memref_slice %arg7[%add3A_28, %dma_wait3A_110] : memref<80x128xi32, #tpu.memory_space<vmem>> -> memref<1x128xi32, #tpu.memory_space<vmem>>
      %dma_wait3A_112 = tpu.memref_squeeze %dma_wait3A_111 : memref<1x128xi32, #tpu.memory_space<vmem>> -> memref<128xi32, #tpu.memory_space<vmem>>
      %dma_wait3A_113 = arith.constant 0 : i32
      %dma_wait3A_114 = arith.constant 0 : i32
      %dma_wait3A_115 = tpu.memref_slice %arg2[%dma_wait3A_113, %dma_wait3A_114] : memref<10000x32xf32, #tpu.memory_space<hbm>> -> memref<10000x32xf32, #tpu.memory_space<hbm>>
      tpu.wait_indirect_dma semaphore(%arg19 : memref<!tpu.dma_semaphore, #tpu.memory_space<semaphore_mem>>) src(%dma_wait3A_115 : memref<10000x32xf32, #tpu.memory_space<hbm>>) dst(%arg10 : memref<128x32xf32, #tpu.memory_space<vmem>>)
      %mul3A_116 = arith.constant 8 : i32
      %mul3A_117 = arith.muli %scan3A_15, %mul3A_116 : i32
      %add3A_118 = arith.constant 1 : i32
      %add3A_119 = arith.addi %mul3A_117, %add3A_118 : i32
      %dma_start3A_120 = arith.constant 0 : i32
      %dma_start3A_121 = tpu.memref_slice %arg8[%add3A_119, %dma_start3A_120] : memref<80x128xi32, #tpu.memory_space<vmem>> -> memref<1x128xi32, #tpu.memory_space<vmem>>
      %dma_start3A_122 = tpu.memref_squeeze %dma_start3A_121 : memref<1x128xi32, #tpu.memory_space<vmem>> -> memref<128xi32, #tpu.memory_space<vmem>>
      %dma_start3A_123 = arith.constant 0 : i32
      %dma_start3A_124 = arith.constant 0 : i32
      %dma_start3A_125 = tpu.memref_slice %arg17[%dma_start3A_123, %dma_start3A_124] : memref<10240x32xf32, #tpu.memory_space<vmem_shared>> -> memref<10240x32xf32, #tpu.memory_space<vmem_shared>>
      tpu.enqueue_indirect_dma source(%arg10 : memref<128x32xf32, #tpu.memory_space<vmem>>) target(%dma_start3A_125 : memref<10240x32xf32, #tpu.memory_space<vmem_shared>>) offsets(%dma_start3A_122 : memref<128xi32, #tpu.memory_space<vmem>>) semaphore(%arg27 : memref<!tpu.dma_semaphore, #tpu.memory_space<semaphore_mem>>) {add = true}
      %dma_wait3A_126 = arith.constant 0 : i32
      %dma_wait3A_127 = tpu.memref_slice %arg7[%add3A_38, %dma_wait3A_126] : memref<80x128xi32, #tpu.memory_space<vmem>> -> memref<1x128xi32, #tpu.memory_space<vmem>>
      %dma_wait3A_128 = tpu.memref_squeeze %dma_wait3A_127 : memref<1x128xi32, #tpu.memory_space<vmem>> -> memref<128xi32, #tpu.memory_space<vmem>>
      %dma_wait3A_129 = arith.constant 0 : i32
      %dma_wait3A_130 = arith.constant 0 : i32
      %dma_wait3A_131 = tpu.memref_slice %arg2[%dma_wait3A_129, %dma_wait3A_130] : memref<10000x32xf32, #tpu.memory_space<hbm>> -> memref<10000x32xf32, #tpu.memory_space<hbm>>
      tpu.wait_indirect_dma semaphore(%arg20 : memref<!tpu.dma_semaphore, #tpu.memory_space<semaphore_mem>>) src(%dma_wait3A_131 : memref<10000x32xf32, #tpu.memory_space<hbm>>) dst(%arg11 : memref<128x32xf32, #tpu.memory_space<vmem>>)
      %mul3A_132 = arith.constant 8 : i32
      %mul3A_133 = arith.muli %scan3A_15, %mul3A_132 : i32
      %add3A_134 = arith.constant 2 : i32
      %add3A_135 = arith.addi %mul3A_133, %add3A_134 : i32
      %dma_start3A_136 = arith.constant 0 : i32
      %dma_start3A_137 = tpu.memref_slice %arg8[%add3A_135, %dma_start3A_136] : memref<80x128xi32, #tpu.memory_space<vmem>> -> memref<1x128xi32, #tpu.memory_space<vmem>>
      %dma_start3A_138 = tpu.memref_squeeze %dma_start3A_137 : memref<1x128xi32, #tpu.memory_space<vmem>> -> memref<128xi32, #tpu.memory_space<vmem>>
      %dma_start3A_139 = arith.constant 0 : i32
      %dma_start3A_140 = arith.constant 0 : i32
      %dma_start3A_141 = tpu.memref_slice %arg17[%dma_start3A_139, %dma_start3A_140] : memref<10240x32xf32, #tpu.memory_space<vmem_shared>> -> memref<10240x32xf32, #tpu.memory_space<vmem_shared>>
      tpu.enqueue_indirect_dma source(%arg11 : memref<128x32xf32, #tpu.memory_space<vmem>>) target(%dma_start3A_141 : memref<10240x32xf32, #tpu.memory_space<vmem_shared>>) offsets(%dma_start3A_138 : memref<128xi32, #tpu.memory_space<vmem>>) semaphore(%arg28 : memref<!tpu.dma_semaphore, #tpu.memory_space<semaphore_mem>>) {add = true}
      %dma_wait3A_142 = arith.constant 0 : i32
      %dma_wait3A_143 = tpu.memref_slice %arg7[%add3A_48, %dma_wait3A_142] : memref<80x128xi32, #tpu.memory_space<vmem>> -> memref<1x128xi32, #tpu.memory_space<vmem>>
      %dma_wait3A_144 = tpu.memref_squeeze %dma_wait3A_143 : memref<1x128xi32, #tpu.memory_space<vmem>> -> memref<128xi32, #tpu.memory_space<vmem>>
      %dma_wait3A_145 = arith.constant 0 : i32
      %dma_wait3A_146 = arith.constant 0 : i32
      %dma_wait3A_147 = tpu.memref_slice %arg2[%dma_wait3A_145, %dma_wait3A_146] : memref<10000x32xf32, #tpu.memory_space<hbm>> -> memref<10000x32xf32, #tpu.memory_space<hbm>>
      tpu.wait_indirect_dma semaphore(%arg21 : memref<!tpu.dma_semaphore, #tpu.memory_space<semaphore_mem>>) src(%dma_wait3A_147 : memref<10000x32xf32, #tpu.memory_space<hbm>>) dst(%arg12 : memref<128x32xf32, #tpu.memory_space<vmem>>)
      %mul3A_148 = arith.constant 8 : i32
      %mul3A_149 = arith.muli %scan3A_15, %mul3A_148 : i32
      %add3A_150 = arith.constant 3 : i32
      %add3A_151 = arith.addi %mul3A_149, %add3A_150 : i32
      %dma_start3A_152 = arith.constant 0 : i32
      %dma_start3A_153 = tpu.memref_slice %arg8[%add3A_151, %dma_start3A_152] : memref<80x128xi32, #tpu.memory_space<vmem>> -> memref<1x128xi32, #tpu.memory_space<vmem>>
      %dma_start3A_154 = tpu.memref_squeeze %dma_start3A_153 : memref<1x128xi32, #tpu.memory_space<vmem>> -> memref<128xi32, #tpu.memory_space<vmem>>
      %dma_start3A_155 = arith.constant 0 : i32
      %dma_start3A_156 = arith.constant 0 : i32
      %dma_start3A_157 = tpu.memref_slice %arg17[%dma_start3A_155, %dma_start3A_156] : memref<10240x32xf32, #tpu.memory_space<vmem_shared>> -> memref<10240x32xf32, #tpu.memory_space<vmem_shared>>
      tpu.enqueue_indirect_dma source(%arg12 : memref<128x32xf32, #tpu.memory_space<vmem>>) target(%dma_start3A_157 : memref<10240x32xf32, #tpu.memory_space<vmem_shared>>) offsets(%dma_start3A_154 : memref<128xi32, #tpu.memory_space<vmem>>) semaphore(%arg29 : memref<!tpu.dma_semaphore, #tpu.memory_space<semaphore_mem>>) {add = true}
      %dma_wait3A_158 = arith.constant 0 : i32
      %dma_wait3A_159 = tpu.memref_slice %arg7[%add3A_58, %dma_wait3A_158] : memref<80x128xi32, #tpu.memory_space<vmem>> -> memref<1x128xi32, #tpu.memory_space<vmem>>
      %dma_wait3A_160 = tpu.memref_squeeze %dma_wait3A_159 : memref<1x128xi32, #tpu.memory_space<vmem>> -> memref<128xi32, #tpu.memory_space<vmem>>
      %dma_wait3A_161 = arith.constant 0 : i32
      %dma_wait3A_162 = arith.constant 0 : i32
      %dma_wait3A_163 = tpu.memref_slice %arg2[%dma_wait3A_161, %dma_wait3A_162] : memref<10000x32xf32, #tpu.memory_space<hbm>> -> memref<10000x32xf32, #tpu.memory_space<hbm>>
      tpu.wait_indirect_dma semaphore(%arg22 : memref<!tpu.dma_semaphore, #tpu.memory_space<semaphore_mem>>) src(%dma_wait3A_163 : memref<10000x32xf32, #tpu.memory_space<hbm>>) dst(%arg13 : memref<128x32xf32, #tpu.memory_space<vmem>>)
      %mul3A_164 = arith.constant 8 : i32
      %mul3A_165 = arith.muli %scan3A_15, %mul3A_164 : i32
      %add3A_166 = arith.constant 4 : i32
      %add3A_167 = arith.addi %mul3A_165, %add3A_166 : i32
      %dma_start3A_168 = arith.constant 0 : i32
      %dma_start3A_169 = tpu.memref_slice %arg8[%add3A_167, %dma_start3A_168] : memref<80x128xi32, #tpu.memory_space<vmem>> -> memref<1x128xi32, #tpu.memory_space<vmem>>
      %dma_start3A_170 = tpu.memref_squeeze %dma_start3A_169 : memref<1x128xi32, #tpu.memory_space<vmem>> -> memref<128xi32, #tpu.memory_space<vmem>>
      %dma_start3A_171 = arith.constant 0 : i32
      %dma_start3A_172 = arith.constant 0 : i32
      %dma_start3A_173 = tpu.memref_slice %arg17[%dma_start3A_171, %dma_start3A_172] : memref<10240x32xf32, #tpu.memory_space<vmem_shared>> -> memref<10240x32xf32, #tpu.memory_space<vmem_shared>>
      tpu.enqueue_indirect_dma source(%arg13 : memref<128x32xf32, #tpu.memory_space<vmem>>) target(%dma_start3A_173 : memref<10240x32xf32, #tpu.memory_space<vmem_shared>>) offsets(%dma_start3A_170 : memref<128xi32, #tpu.memory_space<vmem>>) semaphore(%arg30 : memref<!tpu.dma_semaphore, #tpu.memory_space<semaphore_mem>>) {add = true}
      %dma_wait3A_174 = arith.constant 0 : i32
      %dma_wait3A_175 = tpu.memref_slice %arg7[%add3A_68, %dma_wait3A_174] : memref<80x128xi32, #tpu.memory_space<vmem>> -> memref<1x128xi32, #tpu.memory_space<vmem>>
      %dma_wait3A_176 = tpu.memref_squeeze %dma_wait3A_175 : memref<1x128xi32, #tpu.memory_space<vmem>> -> memref<128xi32, #tpu.memory_space<vmem>>
      %dma_wait3A_177 = arith.constant 0 : i32
      %dma_wait3A_178 = arith.constant 0 : i32
      %dma_wait3A_179 = tpu.memref_slice %arg2[%dma_wait3A_177, %dma_wait3A_178] : memref<10000x32xf32, #tpu.memory_space<hbm>> -> memref<10000x32xf32, #tpu.memory_space<hbm>>
      tpu.wait_indirect_dma semaphore(%arg23 : memref<!tpu.dma_semaphore, #tpu.memory_space<semaphore_mem>>) src(%dma_wait3A_179 : memref<10000x32xf32, #tpu.memory_space<hbm>>) dst(%arg14 : memref<128x32xf32, #tpu.memory_space<vmem>>)
      %mul3A_180 = arith.constant 8 : i32
      %mul3A_181 = arith.muli %scan3A_15, %mul3A_180 : i32
      %add3A_182 = arith.constant 5 : i32
      %add3A_183 = arith.addi %mul3A_181, %add3A_182 : i32
      %dma_start3A_184 = arith.constant 0 : i32
      %dma_start3A_185 = tpu.memref_slice %arg8[%add3A_183, %dma_start3A_184] : memref<80x128xi32, #tpu.memory_space<vmem>> -> memref<1x128xi32, #tpu.memory_space<vmem>>
      %dma_start3A_186 = tpu.memref_squeeze %dma_start3A_185 : memref<1x128xi32, #tpu.memory_space<vmem>> -> memref<128xi32, #tpu.memory_space<vmem>>
      %dma_start3A_187 = arith.constant 0 : i32
      %dma_start3A_188 = arith.constant 0 : i32
      %dma_start3A_189 = tpu.memref_slice %arg17[%dma_start3A_187, %dma_start3A_188] : memref<10240x32xf32, #tpu.memory_space<vmem_shared>> -> memref<10240x32xf32, #tpu.memory_space<vmem_shared>>
      tpu.enqueue_indirect_dma source(%arg14 : memref<128x32xf32, #tpu.memory_space<vmem>>) target(%dma_start3A_189 : memref<10240x32xf32, #tpu.memory_space<vmem_shared>>) offsets(%dma_start3A_186 : memref<128xi32, #tpu.memory_space<vmem>>) semaphore(%arg31 : memref<!tpu.dma_semaphore, #tpu.memory_space<semaphore_mem>>) {add = true}
      %dma_wait3A_190 = arith.constant 0 : i32
      %dma_wait3A_191 = tpu.memref_slice %arg7[%add3A_78, %dma_wait3A_190] : memref<80x128xi32, #tpu.memory_space<vmem>> -> memref<1x128xi32, #tpu.memory_space<vmem>>
      %dma_wait3A_192 = tpu.memref_squeeze %dma_wait3A_191 : memref<1x128xi32, #tpu.memory_space<vmem>> -> memref<128xi32, #tpu.memory_space<vmem>>
      %dma_wait3A_193 = arith.constant 0 : i32
      %dma_wait3A_194 = arith.constant 0 : i32
      %dma_wait3A_195 = tpu.memref_slice %arg2[%dma_wait3A_193, %dma_wait3A_194] : memref<10000x32xf32, #tpu.memory_space<hbm>> -> memref<10000x32xf32, #tpu.memory_space<hbm>>
      tpu.wait_indirect_dma semaphore(%arg24 : memref<!tpu.dma_semaphore, #tpu.memory_space<semaphore_mem>>) src(%dma_wait3A_195 : memref<10000x32xf32, #tpu.memory_space<hbm>>) dst(%arg15 : memref<128x32xf32, #tpu.memory_space<vmem>>)
      %mul3A_196 = arith.constant 8 : i32
      %mul3A_197 = arith.muli %scan3A_15, %mul3A_196 : i32
      %add3A_198 = arith.constant 6 : i32
      %add3A_199 = arith.addi %mul3A_197, %add3A_198 : i32
      %dma_start3A_200 = arith.constant 0 : i32
      %dma_start3A_201 = tpu.memref_slice %arg8[%add3A_199, %dma_start3A_200] : memref<80x128xi32, #tpu.memory_space<vmem>> -> memref<1x128xi32, #tpu.memory_space<vmem>>
      %dma_start3A_202 = tpu.memref_squeeze %dma_start3A_201 : memref<1x128xi32, #tpu.memory_space<vmem>> -> memref<128xi32, #tpu.memory_space<vmem>>
      %dma_start3A_203 = arith.constant 0 : i32
      %dma_start3A_204 = arith.constant 0 : i32
      %dma_start3A_205 = tpu.memref_slice %arg17[%dma_start3A_203, %dma_start3A_204] : memref<10240x32xf32, #tpu.memory_space<vmem_shared>> -> memref<10240x32xf32, #tpu.memory_space<vmem_shared>>
      tpu.enqueue_indirect_dma source(%arg15 : memref<128x32xf32, #tpu.memory_space<vmem>>) target(%dma_start3A_205 : memref<10240x32xf32, #tpu.memory_space<vmem_shared>>) offsets(%dma_start3A_202 : memref<128xi32, #tpu.memory_space<vmem>>) semaphore(%arg32 : memref<!tpu.dma_semaphore, #tpu.memory_space<semaphore_mem>>) {add = true}
      %dma_wait3A_206 = arith.constant 0 : i32
      %dma_wait3A_207 = tpu.memref_slice %arg7[%add3A_88, %dma_wait3A_206] : memref<80x128xi32, #tpu.memory_space<vmem>> -> memref<1x128xi32, #tpu.memory_space<vmem>>
      %dma_wait3A_208 = tpu.memref_squeeze %dma_wait3A_207 : memref<1x128xi32, #tpu.memory_space<vmem>> -> memref<128xi32, #tpu.memory_space<vmem>>
      %dma_wait3A_209 = arith.constant 0 : i32
      %dma_wait3A_210 = arith.constant 0 : i32
      %dma_wait3A_211 = tpu.memref_slice %arg2[%dma_wait3A_209, %dma_wait3A_210] : memref<10000x32xf32, #tpu.memory_space<hbm>> -> memref<10000x32xf32, #tpu.memory_space<hbm>>
      tpu.wait_indirect_dma semaphore(%arg25 : memref<!tpu.dma_semaphore, #tpu.memory_space<semaphore_mem>>) src(%dma_wait3A_211 : memref<10000x32xf32, #tpu.memory_space<hbm>>) dst(%arg16 : memref<128x32xf32, #tpu.memory_space<vmem>>)
      %mul3A_212 = arith.constant 8 : i32
      %mul3A_213 = arith.muli %scan3A_15, %mul3A_212 : i32
      %add3A_214 = arith.constant 7 : i32
      %add3A_215 = arith.addi %mul3A_213, %add3A_214 : i32
      %dma_start3A_216 = arith.constant 0 : i32
      %dma_start3A_217 = tpu.memref_slice %arg8[%add3A_215, %dma_start3A_216] : memref<80x128xi32, #tpu.memory_space<vmem>> -> memref<1x128xi32, #tpu.memory_space<vmem>>
      %dma_start3A_218 = tpu.memref_squeeze %dma_start3A_217 : memref<1x128xi32, #tpu.memory_space<vmem>> -> memref<128xi32, #tpu.memory_space<vmem>>
      %dma_start3A_219 = arith.constant 0 : i32
      %dma_start3A_220 = arith.constant 0 : i32
      %dma_start3A_221 = tpu.memref_slice %arg17[%dma_start3A_219, %dma_start3A_220] : memref<10240x32xf32, #tpu.memory_space<vmem_shared>> -> memref<10240x32xf32, #tpu.memory_space<vmem_shared>>
      tpu.enqueue_indirect_dma source(%arg16 : memref<128x32xf32, #tpu.memory_space<vmem>>) target(%dma_start3A_221 : memref<10240x32xf32, #tpu.memory_space<vmem_shared>>) offsets(%dma_start3A_218 : memref<128xi32, #tpu.memory_space<vmem>>) semaphore(%arg33 : memref<!tpu.dma_semaphore, #tpu.memory_space<semaphore_mem>>) {add = true}
      %dma_wait3A_222 = arith.constant 0 : i32
      %dma_wait3A_223 = tpu.memref_slice %arg8[%add3A_103, %dma_wait3A_222] : memref<80x128xi32, #tpu.memory_space<vmem>> -> memref<1x128xi32, #tpu.memory_space<vmem>>
      %dma_wait3A_224 = tpu.memref_squeeze %dma_wait3A_223 : memref<1x128xi32, #tpu.memory_space<vmem>> -> memref<128xi32, #tpu.memory_space<vmem>>
      %dma_wait3A_225 = arith.constant 0 : i32
      %dma_wait3A_226 = arith.constant 0 : i32
      %dma_wait3A_227 = tpu.memref_slice %arg17[%dma_wait3A_225, %dma_wait3A_226] : memref<10240x32xf32, #tpu.memory_space<vmem_shared>> -> memref<10240x32xf32, #tpu.memory_space<vmem_shared>>
      tpu.wait_indirect_dma semaphore(%arg26 : memref<!tpu.dma_semaphore, #tpu.memory_space<semaphore_mem>>) src(%arg9 : memref<128x32xf32, #tpu.memory_space<vmem>>) dst(%dma_wait3A_227 : memref<10240x32xf32, #tpu.memory_space<vmem_shared>>)
      %dma_wait3A_228 = arith.constant 0 : i32
      %dma_wait3A_229 = tpu.memref_slice %arg8[%add3A_119, %dma_wait3A_228] : memref<80x128xi32, #tpu.memory_space<vmem>> -> memref<1x128xi32, #tpu.memory_space<vmem>>
      %dma_wait3A_230 = tpu.memref_squeeze %dma_wait3A_229 : memref<1x128xi32, #tpu.memory_space<vmem>> -> memref<128xi32, #tpu.memory_space<vmem>>
      %dma_wait3A_231 = arith.constant 0 : i32
      %dma_wait3A_232 = arith.constant 0 : i32
      %dma_wait3A_233 = tpu.memref_slice %arg17[%dma_wait3A_231, %dma_wait3A_232] : memref<10240x32xf32, #tpu.memory_space<vmem_shared>> -> memref<10240x32xf32, #tpu.memory_space<vmem_shared>>
      tpu.wait_indirect_dma semaphore(%arg27 : memref<!tpu.dma_semaphore, #tpu.memory_space<semaphore_mem>>) src(%arg10 : memref<128x32xf32, #tpu.memory_space<vmem>>) dst(%dma_wait3A_233 : memref<10240x32xf32, #tpu.memory_space<vmem_shared>>)
      %dma_wait3A_234 = arith.constant 0 : i32
      %dma_wait3A_235 = tpu.memref_slice %arg8[%add3A_135, %dma_wait3A_234] : memref<80x128xi32, #tpu.memory_space<vmem>> -> memref<1x128xi32, #tpu.memory_space<vmem>>
      %dma_wait3A_236 = tpu.memref_squeeze %dma_wait3A_235 : memref<1x128xi32, #tpu.memory_space<vmem>> -> memref<128xi32, #tpu.memory_space<vmem>>
      %dma_wait3A_237 = arith.constant 0 : i32
      %dma_wait3A_238 = arith.constant 0 : i32
      %dma_wait3A_239 = tpu.memref_slice %arg17[%dma_wait3A_237, %dma_wait3A_238] : memref<10240x32xf32, #tpu.memory_space<vmem_shared>> -> memref<10240x32xf32, #tpu.memory_space<vmem_shared>>
      tpu.wait_indirect_dma semaphore(%arg28 : memref<!tpu.dma_semaphore, #tpu.memory_space<semaphore_mem>>) src(%arg11 : memref<128x32xf32, #tpu.memory_space<vmem>>) dst(%dma_wait3A_239 : memref<10240x32xf32, #tpu.memory_space<vmem_shared>>)
      %dma_wait3A_240 = arith.constant 0 : i32
      %dma_wait3A_241 = tpu.memref_slice %arg8[%add3A_151, %dma_wait3A_240] : memref<80x128xi32, #tpu.memory_space<vmem>> -> memref<1x128xi32, #tpu.memory_space<vmem>>
      %dma_wait3A_242 = tpu.memref_squeeze %dma_wait3A_241 : memref<1x128xi32, #tpu.memory_space<vmem>> -> memref<128xi32, #tpu.memory_space<vmem>>
      %dma_wait3A_243 = arith.constant 0 : i32
      %dma_wait3A_244 = arith.constant 0 : i32
      %dma_wait3A_245 = tpu.memref_slice %arg17[%dma_wait3A_243, %dma_wait3A_244] : memref<10240x32xf32, #tpu.memory_space<vmem_shared>> -> memref<10240x32xf32, #tpu.memory_space<vmem_shared>>
      tpu.wait_indirect_dma semaphore(%arg29 : memref<!tpu.dma_semaphore, #tpu.memory_space<semaphore_mem>>) src(%arg12 : memref<128x32xf32, #tpu.memory_space<vmem>>) dst(%dma_wait3A_245 : memref<10240x32xf32, #tpu.memory_space<vmem_shared>>)
      %dma_wait3A_246 = arith.constant 0 : i32
      %dma_wait3A_247 = tpu.memref_slice %arg8[%add3A_167, %dma_wait3A_246] : memref<80x128xi32, #tpu.memory_space<vmem>> -> memref<1x128xi32, #tpu.memory_space<vmem>>
      %dma_wait3A_248 = tpu.memref_squeeze %dma_wait3A_247 : memref<1x128xi32, #tpu.memory_space<vmem>> -> memref<128xi32, #tpu.memory_space<vmem>>
      %dma_wait3A_249 = arith.constant 0 : i32
      %dma_wait3A_250 = arith.constant 0 : i32
      %dma_wait3A_251 = tpu.memref_slice %arg17[%dma_wait3A_249, %dma_wait3A_250] : memref<10240x32xf32, #tpu.memory_space<vmem_shared>> -> memref<10240x32xf32, #tpu.memory_space<vmem_shared>>
      tpu.wait_indirect_dma semaphore(%arg30 : memref<!tpu.dma_semaphore, #tpu.memory_space<semaphore_mem>>) src(%arg13 : memref<128x32xf32, #tpu.memory_space<vmem>>) dst(%dma_wait3A_251 : memref<10240x32xf32, #tpu.memory_space<vmem_shared>>)
      %dma_wait3A_252 = arith.constant 0 : i32
      %dma_wait3A_253 = tpu.memref_slice %arg8[%add3A_183, %dma_wait3A_252] : memref<80x128xi32, #tpu.memory_space<vmem>> -> memref<1x128xi32, #tpu.memory_space<vmem>>
      %dma_wait3A_254 = tpu.memref_squeeze %dma_wait3A_253 : memref<1x128xi32, #tpu.memory_space<vmem>> -> memref<128xi32, #tpu.memory_space<vmem>>
      %dma_wait3A_255 = arith.constant 0 : i32
      %dma_wait3A_256 = arith.constant 0 : i32
      %dma_wait3A_257 = tpu.memref_slice %arg17[%dma_wait3A_255, %dma_wait3A_256] : memref<10240x32xf32, #tpu.memory_space<vmem_shared>> -> memref<10240x32xf32, #tpu.memory_space<vmem_shared>>
      tpu.wait_indirect_dma semaphore(%arg31 : memref<!tpu.dma_semaphore, #tpu.memory_space<semaphore_mem>>) src(%arg14 : memref<128x32xf32, #tpu.memory_space<vmem>>) dst(%dma_wait3A_257 : memref<10240x32xf32, #tpu.memory_space<vmem_shared>>)
      %dma_wait3A_258 = arith.constant 0 : i32
      %dma_wait3A_259 = tpu.memref_slice %arg8[%add3A_199, %dma_wait3A_258] : memref<80x128xi32, #tpu.memory_space<vmem>> -> memref<1x128xi32, #tpu.memory_space<vmem>>
      %dma_wait3A_260 = tpu.memref_squeeze %dma_wait3A_259 : memref<1x128xi32, #tpu.memory_space<vmem>> -> memref<128xi32, #tpu.memory_space<vmem>>
      %dma_wait3A_261 = arith.constant 0 : i32
      %dma_wait3A_262 = arith.constant 0 : i32
      %dma_wait3A_263 = tpu.memref_slice %arg17[%dma_wait3A_261, %dma_wait3A_262] : memref<10240x32xf32, #tpu.memory_space<vmem_shared>> -> memref<10240x32xf32, #tpu.memory_space<vmem_shared>>
      tpu.wait_indirect_dma semaphore(%arg32 : memref<!tpu.dma_semaphore, #tpu.memory_space<semaphore_mem>>) src(%arg15 : memref<128x32xf32, #tpu.memory_space<vmem>>) dst(%dma_wait3A_263 : memref<10240x32xf32, #tpu.memory_space<vmem_shared>>)
      %dma_wait3A_264 = arith.constant 0 : i32
      %dma_wait3A_265 = tpu.memref_slice %arg8[%add3A_215, %dma_wait3A_264] : memref<80x128xi32, #tpu.memory_space<vmem>> -> memref<1x128xi32, #tpu.memory_space<vmem>>
      %dma_wait3A_266 = tpu.memref_squeeze %dma_wait3A_265 : memref<1x128xi32, #tpu.memory_space<vmem>> -> memref<128xi32, #tpu.memory_space<vmem>>
      %dma_wait3A_267 = arith.constant 0 : i32
      %dma_wait3A_268 = arith.constant 0 : i32
      %dma_wait3A_269 = tpu.memref_slice %arg17[%dma_wait3A_267, %dma_wait3A_268] : memref<10240x32xf32, #tpu.memory_space<vmem_shared>> -> memref<10240x32xf32, #tpu.memory_space<vmem_shared>>
      tpu.wait_indirect_dma semaphore(%arg33 : memref<!tpu.dma_semaphore, #tpu.memory_space<semaphore_mem>>) src(%arg16 : memref<128x32xf32, #tpu.memory_space<vmem>>) dst(%dma_wait3A_269 : memref<10240x32xf32, #tpu.memory_space<vmem_shared>>)
    }
    %scan3A_9 = arith.constant 10 : i32
    %barrier3A_10 = arith.constant 0 : index
    tpu.barrier barrier_id(%barrier3A_10)
    %mul3A_11 = arith.constant 640 : i32
    %mul3A_12 = arith.muli %arg1, %mul3A_11 : i32
    %mul3A_13 = arith.constant 640 : i32
    %mul3A_14 = arith.muli %arg1, %mul3A_13 : i32
    "tpu.region"() ({
      %run_scoped3A = tpu.sem_alloc : memref<!tpu.dma_semaphore, #tpu.memory_space<semaphore_mem>>
      %dma_start3A = arith.constant 0 : i32
      %dma_start3A_15 = tpu.memref_slice %arg6[%arg0, %mul3A_14, %dma_start3A] : memref<2x10240x32xf32, #tpu.memory_space<hbm>> -> memref<1x640x32xf32, #tpu.memory_space<hbm>>
      %dma_start3A_16 = tpu.memref_squeeze %dma_start3A_15 : memref<1x640x32xf32, #tpu.memory_space<hbm>> -> memref<640x32xf32, #tpu.memory_space<hbm>>
      %dma_start3A_17 = arith.constant 0 : i32
      %dma_start3A_18 = tpu.memref_slice %arg17[%mul3A_12, %dma_start3A_17] : memref<10240x32xf32, #tpu.memory_space<vmem_shared>> -> memref<640x32xf32, #tpu.memory_space<vmem_shared>>
      tpu.enqueue_dma source(%dma_start3A_18 : memref<640x32xf32, #tpu.memory_space<vmem_shared>>) target(%dma_start3A_16 : memref<640x32xf32, #tpu.memory_space<hbm>>) target_semaphore(%run_scoped3A : memref<!tpu.dma_semaphore, #tpu.memory_space<semaphore_mem>>)
      %dma_wait3A = arith.constant 0 : i32
      %dma_wait3A_19 = tpu.memref_slice %arg6[%arg0, %mul3A_14, %dma_wait3A] : memref<2x10240x32xf32, #tpu.memory_space<hbm>> -> memref<1x640x32xf32, #tpu.memory_space<hbm>>
      %dma_wait3A_20 = tpu.memref_squeeze %dma_wait3A_19 : memref<1x640x32xf32, #tpu.memory_space<hbm>> -> memref<640x32xf32, #tpu.memory_space<hbm>>
      %dma_wait3A_21 = arith.constant 0 : i32
      %dma_wait3A_22 = tpu.memref_slice %arg17[%mul3A_12, %dma_wait3A_21] : memref<10240x32xf32, #tpu.memory_space<vmem_shared>> -> memref<640x32xf32, #tpu.memory_space<vmem_shared>>
      tpu.wait_dma2 semaphore(%run_scoped3A : memref<!tpu.dma_semaphore, #tpu.memory_space<semaphore_mem>>) src(%dma_wait3A_22 : memref<640x32xf32, #tpu.memory_space<vmem_shared>>) dst(%dma_wait3A_20 : memref<640x32xf32, #tpu.memory_space<hbm>>)
      tpu.yield
    }) : () -> ()
    return
  }
}

#map = affine_map<(d0, d1) -> (0, 0)>
#map1 = affine_map<(d0, d1) -> (0, 0, 0)>
module attributes {stable_mosaic.version = 14 : i64} {
  func.func @_sc_scatter(%arg0: i32, %arg1: i32, %arg2: memref<10000x32xf32, #tpu.memory_space<hbm>>, %arg3: memref<32x80x128xi32, #tpu.memory_space<hbm>>, %arg4: memref<32x80x128xi32, #tpu.memory_space<hbm>>, %arg5: memref<10240x32xf32, #tpu.memory_space<hbm>>, %arg6: memref<2x10240x32xf32, #tpu.memory_space<hbm>>, %arg7: memref<80x128xi32, #tpu.memory_space<vmem>>, %arg8: memref<80x128xi32, #tpu.memory_space<vmem>>, %arg9: memref<128x32xf32, #tpu.memory_space<vmem>>, %arg10: memref<128x32xf32, #tpu.memory_space<vmem>>, %arg11: memref<128x32xf32, #tpu.memory_space<vmem>>, %arg12: memref<128x32xf32, #tpu.memory_space<vmem>>, %arg13: memref<128x32xf32, #tpu.memory_space<vmem>>, %arg14: memref<128x32xf32, #tpu.memory_space<vmem>>, %arg15: memref<128x32xf32, #tpu.memory_space<vmem>>, %arg16: memref<128x32xf32, #tpu.memory_space<vmem>>, %arg17: memref<10240x32xf32, #tpu.memory_space<vmem_shared>>, %arg18: memref<!tpu.dma_semaphore, #tpu.memory_space<semaphore_mem>>, %arg19: memref<!tpu.dma_semaphore, #tpu.memory_space<semaphore_mem>>, %arg20: memref<!tpu.dma_semaphore, #tpu.memory_space<semaphore_mem>>, %arg21: memref<!tpu.dma_semaphore, #tpu.memory_space<semaphore_mem>>, %arg22: memref<!tpu.dma_semaphore, #tpu.memory_space<semaphore_mem>>, %arg23: memref<!tpu.dma_semaphore, #tpu.memory_space<semaphore_mem>>, %arg24: memref<!tpu.dma_semaphore, #tpu.memory_space<semaphore_mem>>, %arg25: memref<!tpu.dma_semaphore, #tpu.memory_space<semaphore_mem>>, %arg26: memref<!tpu.dma_semaphore, #tpu.memory_space<semaphore_mem>>, %arg27: memref<!tpu.dma_semaphore, #tpu.memory_space<semaphore_mem>>, %arg28: memref<!tpu.dma_semaphore, #tpu.memory_space<semaphore_mem>>, %arg29: memref<!tpu.dma_semaphore, #tpu.memory_space<semaphore_mem>>, %arg30: memref<!tpu.dma_semaphore, #tpu.memory_space<semaphore_mem>>, %arg31: memref<!tpu.dma_semaphore, #tpu.memory_space<semaphore_mem>>, %arg32: memref<!tpu.dma_semaphore, #tpu.memory_space<semaphore_mem>>, %arg33: memref<!tpu.dma_semaphore, #tpu.memory_space<semaphore_mem>>) attributes {dimension_semantics = [#tpu.dimension_semantics<core_parallel>, #tpu.dimension_semantics<subcore_parallel>], iteration_bounds = array<i64: 2, 16>, scalar_prefetch = 0 : i64, scratch_operands = 27 : i64, tpu.core_type = #tpu.core_type<sc_vector_subcore>, window_params = [{transform_indices = #map}, {transform_indices = #map1}, {transform_indices = #map1}, {transform_indices = #map}, {transform_indices = #map1}]} {
    %mul3A = arith.constant 2 : i32
    %mul3A_0 = arith.muli %arg1, %mul3A : i32
    %add3A = arith.addi %mul3A_0, %arg0 : i32
    "tpu.region"() ({
      %run_scoped3A = tpu.sem_alloc : memref<!tpu.dma_semaphore, #tpu.memory_space<semaphore_mem>>
      %dma_start3A = arith.constant 0 : i32
      %dma_start3A_15 = arith.constant 0 : i32
      %dma_start3A_16 = tpu.memref_slice %arg3[%add3A, %dma_start3A, %dma_start3A_15] : memref<32x80x128xi32, #tpu.memory_space<hbm>> -> memref<1x80x128xi32, #tpu.memory_space<hbm>>
      %dma_start3A_17 = tpu.memref_squeeze %dma_start3A_16 : memref<1x80x128xi32, #tpu.memory_space<hbm>> -> memref<80x128xi32, #tpu.memory_space<hbm>>
      %dma_start3A_18 = arith.constant 0 : i32
      %dma_start3A_19 = arith.constant 0 : i32
      %dma_start3A_20 = tpu.memref_slice %arg3[%add3A, %dma_start3A_18, %dma_start3A_19] : memref<32x80x128xi32, #tpu.memory_space<hbm>> -> memref<1x80x128xi32, #tpu.memory_space<hbm>>
      %dma_start3A_21 = tpu.memref_squeeze %dma_start3A_20 : memref<1x80x128xi32, #tpu.memory_space<hbm>> -> memref<80x128xi32, #tpu.memory_space<hbm>>
      tpu.enqueue_dma source(%dma_start3A_21 : memref<80x128xi32, #tpu.memory_space<hbm>>) target(%arg7 : memref<80x128xi32, #tpu.memory_space<vmem>>) target_semaphore(%run_scoped3A : memref<!tpu.dma_semaphore, #tpu.memory_space<semaphore_mem>>)
      %dma_wait3A = arith.constant 0 : i32
      %dma_wait3A_22 = arith.constant 0 : i32
      %dma_wait3A_23 = tpu.memref_slice %arg3[%add3A, %dma_wait3A, %dma_wait3A_22] : memref<32x80x128xi32, #tpu.memory_space<hbm>> -> memref<1x80x128xi32, #tpu.memory_space<hbm>>
      %dma_wait3A_24 = tpu.memref_squeeze %dma_wait3A_23 : memref<1x80x128xi32, #tpu.memory_space<hbm>> -> memref<80x128xi32, #tpu.memory_space<hbm>>
      %dma_wait3A_25 = arith.constant 0 : i32
      %dma_wait3A_26 = arith.constant 0 : i32
      %dma_wait3A_27 = tpu.memref_slice %arg3[%add3A, %dma_wait3A_25, %dma_wait3A_26] : memref<32x80x128xi32, #tpu.memory_space<hbm>> -> memref<1x80x128xi32, #tpu.memory_space<hbm>>
      %dma_wait3A_28 = tpu.memref_squeeze %dma_wait3A_27 : memref<1x80x128xi32, #tpu.memory_space<hbm>> -> memref<80x128xi32, #tpu.memory_space<hbm>>
      tpu.wait_dma2 semaphore(%run_scoped3A : memref<!tpu.dma_semaphore, #tpu.memory_space<semaphore_mem>>) src(%dma_wait3A_28 : memref<80x128xi32, #tpu.memory_space<hbm>>) dst(%arg7 : memref<80x128xi32, #tpu.memory_space<vmem>>)
      tpu.yield
    }) : () -> ()
    "tpu.region"() ({
      %run_scoped3A = tpu.sem_alloc : memref<!tpu.dma_semaphore, #tpu.memory_space<semaphore_mem>>
      %dma_start3A = arith.constant 0 : i32
      %dma_start3A_15 = arith.constant 0 : i32
      %dma_start3A_16 = tpu.memref_slice %arg4[%add3A, %dma_start3A, %dma_start3A_15] : memref<32x80x128xi32, #tpu.memory_space<hbm>> -> memref<1x80x128xi32, #tpu.memory_space<hbm>>
      %dma_start3A_17 = tpu.memref_squeeze %dma_start3A_16 : memref<1x80x128xi32, #tpu.memory_space<hbm>> -> memref<80x128xi32, #tpu.memory_space<hbm>>
      %dma_start3A_18 = arith.constant 0 : i32
      %dma_start3A_19 = arith.constant 0 : i32
      %dma_start3A_20 = tpu.memref_slice %arg4[%add3A, %dma_start3A_18, %dma_start3A_19] : memref<32x80x128xi32, #tpu.memory_space<hbm>> -> memref<1x80x128xi32, #tpu.memory_space<hbm>>
      %dma_start3A_21 = tpu.memref_squeeze %dma_start3A_20 : memref<1x80x128xi32, #tpu.memory_space<hbm>> -> memref<80x128xi32, #tpu.memory_space<hbm>>
      tpu.enqueue_dma source(%dma_start3A_21 : memref<80x128xi32, #tpu.memory_space<hbm>>) target(%arg8 : memref<80x128xi32, #tpu.memory_space<vmem>>) target_semaphore(%run_scoped3A : memref<!tpu.dma_semaphore, #tpu.memory_space<semaphore_mem>>)
      %dma_wait3A = arith.constant 0 : i32
      %dma_wait3A_22 = arith.constant 0 : i32
      %dma_wait3A_23 = tpu.memref_slice %arg4[%add3A, %dma_wait3A, %dma_wait3A_22] : memref<32x80x128xi32, #tpu.memory_space<hbm>> -> memref<1x80x128xi32, #tpu.memory_space<hbm>>
      %dma_wait3A_24 = tpu.memref_squeeze %dma_wait3A_23 : memref<1x80x128xi32, #tpu.memory_space<hbm>> -> memref<80x128xi32, #tpu.memory_space<hbm>>
      %dma_wait3A_25 = arith.constant 0 : i32
      %dma_wait3A_26 = arith.constant 0 : i32
      %dma_wait3A_27 = tpu.memref_slice %arg4[%add3A, %dma_wait3A_25, %dma_wait3A_26] : memref<32x80x128xi32, #tpu.memory_space<hbm>> -> memref<1x80x128xi32, #tpu.memory_space<hbm>>
      %dma_wait3A_28 = tpu.memref_squeeze %dma_wait3A_27 : memref<1x80x128xi32, #tpu.memory_space<hbm>> -> memref<80x128xi32, #tpu.memory_space<hbm>>
      tpu.wait_dma2 semaphore(%run_scoped3A : memref<!tpu.dma_semaphore, #tpu.memory_space<semaphore_mem>>) src(%dma_wait3A_28 : memref<80x128xi32, #tpu.memory_space<hbm>>) dst(%arg8 : memref<80x128xi32, #tpu.memory_space<vmem>>)
      tpu.yield
    }) : () -> ()
    %mul3A_1 = arith.constant 640 : i32
    %mul3A_2 = arith.muli %arg1, %mul3A_1 : i32
    %mul3A_3 = arith.constant 640 : i32
    %mul3A_4 = arith.muli %arg1, %mul3A_3 : i32
    "tpu.region"() ({
      %run_scoped3A = tpu.sem_alloc : memref<!tpu.dma_semaphore, #tpu.memory_space<semaphore_mem>>
      %dma_start3A = arith.constant 0 : i32
      %dma_start3A_15 = tpu.memref_slice %arg17[%mul3A_4, %dma_start3A] : memref<10240x32xf32, #tpu.memory_space<vmem_shared>> -> memref<640x32xf32, #tpu.memory_space<vmem_shared>>
      %dma_start3A_16 = arith.constant 0 : i32
      %dma_start3A_17 = tpu.memref_slice %arg5[%mul3A_2, %dma_start3A_16] : memref<10240x32xf32, #tpu.memory_space<hbm>> -> memref<640x32xf32, #tpu.memory_space<hbm>>
      tpu.enqueue_dma source(%dma_start3A_17 : memref<640x32xf32, #tpu.memory_space<hbm>>) target(%dma_start3A_15 : memref<640x32xf32, #tpu.memory_space<vmem_shared>>) target_semaphore(%run_scoped3A : memref<!tpu.dma_semaphore, #tpu.memory_space<semaphore_mem>>)
      %dma_wait3A = arith.constant 0 : i32
      %dma_wait3A_18 = tpu.memref_slice %arg17[%mul3A_4, %dma_wait3A] : memref<10240x32xf32, #tpu.memory_space<vmem_shared>> -> memref<640x32xf32, #tpu.memory_space<vmem_shared>>
      %dma_wait3A_19 = arith.constant 0 : i32
      %dma_wait3A_20 = tpu.memref_slice %arg5[%mul3A_2, %dma_wait3A_19] : memref<10240x32xf32, #tpu.memory_space<hbm>> -> memref<640x32xf32, #tpu.memory_space<hbm>>
      tpu.wait_dma2 semaphore(%run_scoped3A : memref<!tpu.dma_semaphore, #tpu.memory_space<semaphore_mem>>) src(%dma_wait3A_20 : memref<640x32xf32, #tpu.memory_space<hbm>>) dst(%dma_wait3A_18 : memref<640x32xf32, #tpu.memory_space<vmem_shared>>)
      tpu.yield
    }) : () -> ()
    %barrier3A = arith.constant 0 : index
    tpu.barrier barrier_id(%barrier3A)
    %scan3A = arith.constant 0 : i32
    %scan3A_5 = arith.constant 0 : i32
    %scan3A_6 = arith.constant 10 : i32
    %scan3A_7 = arith.addi %scan3A_5, %scan3A_6 : i32
    %scan3A_8 = arith.constant 1 : i32
    scf.for %scan3A_15 = %scan3A_5 to %scan3A_7 step %scan3A_8  : i32 {
      %mul3A_16 = arith.constant 8 : i32
      %mul3A_17 = arith.muli %scan3A_15, %mul3A_16 : i32
      %add3A_18 = arith.constant 0 : i32
      %add3A_19 = arith.addi %mul3A_17, %add3A_18 : i32
      %dma_start3A = arith.constant 0 : i32
      %dma_start3A_20 = tpu.memref_slice %arg7[%add3A_19, %dma_start3A] : memref<80x128xi32, #tpu.memory_space<vmem>> -> memref<1x128xi32, #tpu.memory_space<vmem>>
      %dma_start3A_21 = tpu.memref_squeeze %dma_start3A_20 : memref<1x128xi32, #tpu.memory_space<vmem>> -> memref<128xi32, #tpu.memory_space<vmem>>
      %dma_start3A_22 = arith.constant 0 : i32
      %dma_start3A_23 = arith.constant 0 : i32
      %dma_start3A_24 = tpu.memref_slice %arg2[%dma_start3A_22, %dma_start3A_23] : memref<10000x32xf32, #tpu.memory_space<hbm>> -> memref<10000x32xf32, #tpu.memory_space<hbm>>
      tpu.enqueue_indirect_dma source(%dma_start3A_24 : memref<10000x32xf32, #tpu.memory_space<hbm>>) target(%arg9 : memref<128x32xf32, #tpu.memory_space<vmem>>) offsets(%dma_start3A_21 : memref<128xi32, #tpu.memory_space<vmem>>) semaphore(%arg18 : memref<!tpu.dma_semaphore, #tpu.memory_space<semaphore_mem>>)
      %mul3A_25 = arith.constant 8 : i32
      %mul3A_26 = arith.muli %scan3A_15, %mul3A_25 : i32
      %add3A_27 = arith.constant 1 : i32
      %add3A_28 = arith.addi %mul3A_26, %add3A_27 : i32
      %dma_start3A_29 = arith.constant 0 : i32
      %dma_start3A_30 = tpu.memref_slice %arg7[%add3A_28, %dma_start3A_29] : memref<80x128xi32, #tpu.memory_space<vmem>> -> memref<1x128xi32, #tpu.memory_space<vmem>>
      %dma_start3A_31 = tpu.memref_squeeze %dma_start3A_30 : memref<1x128xi32, #tpu.memory_space<vmem>> -> memref<128xi32, #tpu.memory_space<vmem>>
      %dma_start3A_32 = arith.constant 0 : i32
      %dma_start3A_33 = arith.constant 0 : i32
      %dma_start3A_34 = tpu.memref_slice %arg2[%dma_start3A_32, %dma_start3A_33] : memref<10000x32xf32, #tpu.memory_space<hbm>> -> memref<10000x32xf32, #tpu.memory_space<hbm>>
      tpu.enqueue_indirect_dma source(%dma_start3A_34 : memref<10000x32xf32, #tpu.memory_space<hbm>>) target(%arg10 : memref<128x32xf32, #tpu.memory_space<vmem>>) offsets(%dma_start3A_31 : memref<128xi32, #tpu.memory_space<vmem>>) semaphore(%arg19 : memref<!tpu.dma_semaphore, #tpu.memory_space<semaphore_mem>>)
      %mul3A_35 = arith.constant 8 : i32
      %mul3A_36 = arith.muli %scan3A_15, %mul3A_35 : i32
      %add3A_37 = arith.constant 2 : i32
      %add3A_38 = arith.addi %mul3A_36, %add3A_37 : i32
      %dma_start3A_39 = arith.constant 0 : i32
      %dma_start3A_40 = tpu.memref_slice %arg7[%add3A_38, %dma_start3A_39] : memref<80x128xi32, #tpu.memory_space<vmem>> -> memref<1x128xi32, #tpu.memory_space<vmem>>
      %dma_start3A_41 = tpu.memref_squeeze %dma_start3A_40 : memref<1x128xi32, #tpu.memory_space<vmem>> -> memref<128xi32, #tpu.memory_space<vmem>>
      %dma_start3A_42 = arith.constant 0 : i32
      %dma_start3A_43 = arith.constant 0 : i32
      %dma_start3A_44 = tpu.memref_slice %arg2[%dma_start3A_42, %dma_start3A_43] : memref<10000x32xf32, #tpu.memory_space<hbm>> -> memref<10000x32xf32, #tpu.memory_space<hbm>>
      tpu.enqueue_indirect_dma source(%dma_start3A_44 : memref<10000x32xf32, #tpu.memory_space<hbm>>) target(%arg11 : memref<128x32xf32, #tpu.memory_space<vmem>>) offsets(%dma_start3A_41 : memref<128xi32, #tpu.memory_space<vmem>>) semaphore(%arg20 : memref<!tpu.dma_semaphore, #tpu.memory_space<semaphore_mem>>)
      %mul3A_45 = arith.constant 8 : i32
      %mul3A_46 = arith.muli %scan3A_15, %mul3A_45 : i32
      %add3A_47 = arith.constant 3 : i32
      %add3A_48 = arith.addi %mul3A_46, %add3A_47 : i32
      %dma_start3A_49 = arith.constant 0 : i32
      %dma_start3A_50 = tpu.memref_slice %arg7[%add3A_48, %dma_start3A_49] : memref<80x128xi32, #tpu.memory_space<vmem>> -> memref<1x128xi32, #tpu.memory_space<vmem>>
      %dma_start3A_51 = tpu.memref_squeeze %dma_start3A_50 : memref<1x128xi32, #tpu.memory_space<vmem>> -> memref<128xi32, #tpu.memory_space<vmem>>
      %dma_start3A_52 = arith.constant 0 : i32
      %dma_start3A_53 = arith.constant 0 : i32
      %dma_start3A_54 = tpu.memref_slice %arg2[%dma_start3A_52, %dma_start3A_53] : memref<10000x32xf32, #tpu.memory_space<hbm>> -> memref<10000x32xf32, #tpu.memory_space<hbm>>
      tpu.enqueue_indirect_dma source(%dma_start3A_54 : memref<10000x32xf32, #tpu.memory_space<hbm>>) target(%arg12 : memref<128x32xf32, #tpu.memory_space<vmem>>) offsets(%dma_start3A_51 : memref<128xi32, #tpu.memory_space<vmem>>) semaphore(%arg21 : memref<!tpu.dma_semaphore, #tpu.memory_space<semaphore_mem>>)
      %mul3A_55 = arith.constant 8 : i32
      %mul3A_56 = arith.muli %scan3A_15, %mul3A_55 : i32
      %add3A_57 = arith.constant 4 : i32
      %add3A_58 = arith.addi %mul3A_56, %add3A_57 : i32
      %dma_start3A_59 = arith.constant 0 : i32
      %dma_start3A_60 = tpu.memref_slice %arg7[%add3A_58, %dma_start3A_59] : memref<80x128xi32, #tpu.memory_space<vmem>> -> memref<1x128xi32, #tpu.memory_space<vmem>>
      %dma_start3A_61 = tpu.memref_squeeze %dma_start3A_60 : memref<1x128xi32, #tpu.memory_space<vmem>> -> memref<128xi32, #tpu.memory_space<vmem>>
      %dma_start3A_62 = arith.constant 0 : i32
      %dma_start3A_63 = arith.constant 0 : i32
      %dma_start3A_64 = tpu.memref_slice %arg2[%dma_start3A_62, %dma_start3A_63] : memref<10000x32xf32, #tpu.memory_space<hbm>> -> memref<10000x32xf32, #tpu.memory_space<hbm>>
      tpu.enqueue_indirect_dma source(%dma_start3A_64 : memref<10000x32xf32, #tpu.memory_space<hbm>>) target(%arg13 : memref<128x32xf32, #tpu.memory_space<vmem>>) offsets(%dma_start3A_61 : memref<128xi32, #tpu.memory_space<vmem>>) semaphore(%arg22 : memref<!tpu.dma_semaphore, #tpu.memory_space<semaphore_mem>>)
      %mul3A_65 = arith.constant 8 : i32
      %mul3A_66 = arith.muli %scan3A_15, %mul3A_65 : i32
      %add3A_67 = arith.constant 5 : i32
      %add3A_68 = arith.addi %mul3A_66, %add3A_67 : i32
      %dma_start3A_69 = arith.constant 0 : i32
      %dma_start3A_70 = tpu.memref_slice %arg7[%add3A_68, %dma_start3A_69] : memref<80x128xi32, #tpu.memory_space<vmem>> -> memref<1x128xi32, #tpu.memory_space<vmem>>
      %dma_start3A_71 = tpu.memref_squeeze %dma_start3A_70 : memref<1x128xi32, #tpu.memory_space<vmem>> -> memref<128xi32, #tpu.memory_space<vmem>>
      %dma_start3A_72 = arith.constant 0 : i32
      %dma_start3A_73 = arith.constant 0 : i32
      %dma_start3A_74 = tpu.memref_slice %arg2[%dma_start3A_72, %dma_start3A_73] : memref<10000x32xf32, #tpu.memory_space<hbm>> -> memref<10000x32xf32, #tpu.memory_space<hbm>>
      tpu.enqueue_indirect_dma source(%dma_start3A_74 : memref<10000x32xf32, #tpu.memory_space<hbm>>) target(%arg14 : memref<128x32xf32, #tpu.memory_space<vmem>>) offsets(%dma_start3A_71 : memref<128xi32, #tpu.memory_space<vmem>>) semaphore(%arg23 : memref<!tpu.dma_semaphore, #tpu.memory_space<semaphore_mem>>)
      %mul3A_75 = arith.constant 8 : i32
      %mul3A_76 = arith.muli %scan3A_15, %mul3A_75 : i32
      %add3A_77 = arith.constant 6 : i32
      %add3A_78 = arith.addi %mul3A_76, %add3A_77 : i32
      %dma_start3A_79 = arith.constant 0 : i32
      %dma_start3A_80 = tpu.memref_slice %arg7[%add3A_78, %dma_start3A_79] : memref<80x128xi32, #tpu.memory_space<vmem>> -> memref<1x128xi32, #tpu.memory_space<vmem>>
      %dma_start3A_81 = tpu.memref_squeeze %dma_start3A_80 : memref<1x128xi32, #tpu.memory_space<vmem>> -> memref<128xi32, #tpu.memory_space<vmem>>
      %dma_start3A_82 = arith.constant 0 : i32
      %dma_start3A_83 = arith.constant 0 : i32
      %dma_start3A_84 = tpu.memref_slice %arg2[%dma_start3A_82, %dma_start3A_83] : memref<10000x32xf32, #tpu.memory_space<hbm>> -> memref<10000x32xf32, #tpu.memory_space<hbm>>
      tpu.enqueue_indirect_dma source(%dma_start3A_84 : memref<10000x32xf32, #tpu.memory_space<hbm>>) target(%arg15 : memref<128x32xf32, #tpu.memory_space<vmem>>) offsets(%dma_start3A_81 : memref<128xi32, #tpu.memory_space<vmem>>) semaphore(%arg24 : memref<!tpu.dma_semaphore, #tpu.memory_space<semaphore_mem>>)
      %mul3A_85 = arith.constant 8 : i32
      %mul3A_86 = arith.muli %scan3A_15, %mul3A_85 : i32
      %add3A_87 = arith.constant 7 : i32
      %add3A_88 = arith.addi %mul3A_86, %add3A_87 : i32
      %dma_start3A_89 = arith.constant 0 : i32
      %dma_start3A_90 = tpu.memref_slice %arg7[%add3A_88, %dma_start3A_89] : memref<80x128xi32, #tpu.memory_space<vmem>> -> memref<1x128xi32, #tpu.memory_space<vmem>>
      %dma_start3A_91 = tpu.memref_squeeze %dma_start3A_90 : memref<1x128xi32, #tpu.memory_space<vmem>> -> memref<128xi32, #tpu.memory_space<vmem>>
      %dma_start3A_92 = arith.constant 0 : i32
      %dma_start3A_93 = arith.constant 0 : i32
      %dma_start3A_94 = tpu.memref_slice %arg2[%dma_start3A_92, %dma_start3A_93] : memref<10000x32xf32, #tpu.memory_space<hbm>> -> memref<10000x32xf32, #tpu.memory_space<hbm>>
      tpu.enqueue_indirect_dma source(%dma_start3A_94 : memref<10000x32xf32, #tpu.memory_space<hbm>>) target(%arg16 : memref<128x32xf32, #tpu.memory_space<vmem>>) offsets(%dma_start3A_91 : memref<128xi32, #tpu.memory_space<vmem>>) semaphore(%arg25 : memref<!tpu.dma_semaphore, #tpu.memory_space<semaphore_mem>>)
      %dma_wait3A = arith.constant 0 : i32
      %dma_wait3A_95 = tpu.memref_slice %arg7[%add3A_19, %dma_wait3A] : memref<80x128xi32, #tpu.memory_space<vmem>> -> memref<1x128xi32, #tpu.memory_space<vmem>>
      %dma_wait3A_96 = tpu.memref_squeeze %dma_wait3A_95 : memref<1x128xi32, #tpu.memory_space<vmem>> -> memref<128xi32, #tpu.memory_space<vmem>>
      %dma_wait3A_97 = arith.constant 0 : i32
      %dma_wait3A_98 = arith.constant 0 : i32
      %dma_wait3A_99 = tpu.memref_slice %arg2[%dma_wait3A_97, %dma_wait3A_98] : memref<10000x32xf32, #tpu.memory_space<hbm>> -> memref<10000x32xf32, #tpu.memory_space<hbm>>
      tpu.wait_indirect_dma semaphore(%arg18 : memref<!tpu.dma_semaphore, #tpu.memory_space<semaphore_mem>>) src(%dma_wait3A_99 : memref<10000x32xf32, #tpu.memory_space<hbm>>) dst(%arg9 : memref<128x32xf32, #tpu.memory_space<vmem>>)
      %mul3A_100 = arith.constant 8 : i32
      %mul3A_101 = arith.muli %scan3A_15, %mul3A_100 : i32
      %add3A_102 = arith.constant 0 : i32
      %add3A_103 = arith.addi %mul3A_101, %add3A_102 : i32
      %dma_start3A_104 = arith.constant 0 : i32
      %dma_start3A_105 = tpu.memref_slice %arg8[%add3A_103, %dma_start3A_104] : memref<80x128xi32, #tpu.memory_space<vmem>> -> memref<1x128xi32, #tpu.memory_space<vmem>>
      %dma_start3A_106 = tpu.memref_squeeze %dma_start3A_105 : memref<1x128xi32, #tpu.memory_space<vmem>> -> memref<128xi32, #tpu.memory_space<vmem>>
      %dma_start3A_107 = arith.constant 0 : i32
      %dma_start3A_108 = arith.constant 0 : i32
      %dma_start3A_109 = tpu.memref_slice %arg17[%dma_start3A_107, %dma_start3A_108] : memref<10240x32xf32, #tpu.memory_space<vmem_shared>> -> memref<10240x32xf32, #tpu.memory_space<vmem_shared>>
      tpu.enqueue_indirect_dma source(%arg9 : memref<128x32xf32, #tpu.memory_space<vmem>>) target(%dma_start3A_109 : memref<10240x32xf32, #tpu.memory_space<vmem_shared>>) offsets(%dma_start3A_106 : memref<128xi32, #tpu.memory_space<vmem>>) semaphore(%arg26 : memref<!tpu.dma_semaphore, #tpu.memory_space<semaphore_mem>>) {add = true}
      %dma_wait3A_110 = arith.constant 0 : i32
      %dma_wait3A_111 = tpu.memref_slice %arg7[%add3A_28, %dma_wait3A_110] : memref<80x128xi32, #tpu.memory_space<vmem>> -> memref<1x128xi32, #tpu.memory_space<vmem>>
      %dma_wait3A_112 = tpu.memref_squeeze %dma_wait3A_111 : memref<1x128xi32, #tpu.memory_space<vmem>> -> memref<128xi32, #tpu.memory_space<vmem>>
      %dma_wait3A_113 = arith.constant 0 : i32
      %dma_wait3A_114 = arith.constant 0 : i32
      %dma_wait3A_115 = tpu.memref_slice %arg2[%dma_wait3A_113, %dma_wait3A_114] : memref<10000x32xf32, #tpu.memory_space<hbm>> -> memref<10000x32xf32, #tpu.memory_space<hbm>>
      tpu.wait_indirect_dma semaphore(%arg19 : memref<!tpu.dma_semaphore, #tpu.memory_space<semaphore_mem>>) src(%dma_wait3A_115 : memref<10000x32xf32, #tpu.memory_space<hbm>>) dst(%arg10 : memref<128x32xf32, #tpu.memory_space<vmem>>)
      %mul3A_116 = arith.constant 8 : i32
      %mul3A_117 = arith.muli %scan3A_15, %mul3A_116 : i32
      %add3A_118 = arith.constant 1 : i32
      %add3A_119 = arith.addi %mul3A_117, %add3A_118 : i32
      %dma_start3A_120 = arith.constant 0 : i32
      %dma_start3A_121 = tpu.memref_slice %arg8[%add3A_119, %dma_start3A_120] : memref<80x128xi32, #tpu.memory_space<vmem>> -> memref<1x128xi32, #tpu.memory_space<vmem>>
      %dma_start3A_122 = tpu.memref_squeeze %dma_start3A_121 : memref<1x128xi32, #tpu.memory_space<vmem>> -> memref<128xi32, #tpu.memory_space<vmem>>
      %dma_start3A_123 = arith.constant 0 : i32
      %dma_start3A_124 = arith.constant 0 : i32
      %dma_start3A_125 = tpu.memref_slice %arg17[%dma_start3A_123, %dma_start3A_124] : memref<10240x32xf32, #tpu.memory_space<vmem_shared>> -> memref<10240x32xf32, #tpu.memory_space<vmem_shared>>
      tpu.enqueue_indirect_dma source(%arg10 : memref<128x32xf32, #tpu.memory_space<vmem>>) target(%dma_start3A_125 : memref<10240x32xf32, #tpu.memory_space<vmem_shared>>) offsets(%dma_start3A_122 : memref<128xi32, #tpu.memory_space<vmem>>) semaphore(%arg27 : memref<!tpu.dma_semaphore, #tpu.memory_space<semaphore_mem>>) {add = true}
      %dma_wait3A_126 = arith.constant 0 : i32
      %dma_wait3A_127 = tpu.memref_slice %arg7[%add3A_38, %dma_wait3A_126] : memref<80x128xi32, #tpu.memory_space<vmem>> -> memref<1x128xi32, #tpu.memory_space<vmem>>
      %dma_wait3A_128 = tpu.memref_squeeze %dma_wait3A_127 : memref<1x128xi32, #tpu.memory_space<vmem>> -> memref<128xi32, #tpu.memory_space<vmem>>
      %dma_wait3A_129 = arith.constant 0 : i32
      %dma_wait3A_130 = arith.constant 0 : i32
      %dma_wait3A_131 = tpu.memref_slice %arg2[%dma_wait3A_129, %dma_wait3A_130] : memref<10000x32xf32, #tpu.memory_space<hbm>> -> memref<10000x32xf32, #tpu.memory_space<hbm>>
      tpu.wait_indirect_dma semaphore(%arg20 : memref<!tpu.dma_semaphore, #tpu.memory_space<semaphore_mem>>) src(%dma_wait3A_131 : memref<10000x32xf32, #tpu.memory_space<hbm>>) dst(%arg11 : memref<128x32xf32, #tpu.memory_space<vmem>>)
      %mul3A_132 = arith.constant 8 : i32
      %mul3A_133 = arith.muli %scan3A_15, %mul3A_132 : i32
      %add3A_134 = arith.constant 2 : i32
      %add3A_135 = arith.addi %mul3A_133, %add3A_134 : i32
      %dma_start3A_136 = arith.constant 0 : i32
      %dma_start3A_137 = tpu.memref_slice %arg8[%add3A_135, %dma_start3A_136] : memref<80x128xi32, #tpu.memory_space<vmem>> -> memref<1x128xi32, #tpu.memory_space<vmem>>
      %dma_start3A_138 = tpu.memref_squeeze %dma_start3A_137 : memref<1x128xi32, #tpu.memory_space<vmem>> -> memref<128xi32, #tpu.memory_space<vmem>>
      %dma_start3A_139 = arith.constant 0 : i32
      %dma_start3A_140 = arith.constant 0 : i32
      %dma_start3A_141 = tpu.memref_slice %arg17[%dma_start3A_139, %dma_start3A_140] : memref<10240x32xf32, #tpu.memory_space<vmem_shared>> -> memref<10240x32xf32, #tpu.memory_space<vmem_shared>>
      tpu.enqueue_indirect_dma source(%arg11 : memref<128x32xf32, #tpu.memory_space<vmem>>) target(%dma_start3A_141 : memref<10240x32xf32, #tpu.memory_space<vmem_shared>>) offsets(%dma_start3A_138 : memref<128xi32, #tpu.memory_space<vmem>>) semaphore(%arg28 : memref<!tpu.dma_semaphore, #tpu.memory_space<semaphore_mem>>) {add = true}
      %dma_wait3A_142 = arith.constant 0 : i32
      %dma_wait3A_143 = tpu.memref_slice %arg7[%add3A_48, %dma_wait3A_142] : memref<80x128xi32, #tpu.memory_space<vmem>> -> memref<1x128xi32, #tpu.memory_space<vmem>>
      %dma_wait3A_144 = tpu.memref_squeeze %dma_wait3A_143 : memref<1x128xi32, #tpu.memory_space<vmem>> -> memref<128xi32, #tpu.memory_space<vmem>>
      %dma_wait3A_145 = arith.constant 0 : i32
      %dma_wait3A_146 = arith.constant 0 : i32
      %dma_wait3A_147 = tpu.memref_slice %arg2[%dma_wait3A_145, %dma_wait3A_146] : memref<10000x32xf32, #tpu.memory_space<hbm>> -> memref<10000x32xf32, #tpu.memory_space<hbm>>
      tpu.wait_indirect_dma semaphore(%arg21 : memref<!tpu.dma_semaphore, #tpu.memory_space<semaphore_mem>>) src(%dma_wait3A_147 : memref<10000x32xf32, #tpu.memory_space<hbm>>) dst(%arg12 : memref<128x32xf32, #tpu.memory_space<vmem>>)
      %mul3A_148 = arith.constant 8 : i32
      %mul3A_149 = arith.muli %scan3A_15, %mul3A_148 : i32
      %add3A_150 = arith.constant 3 : i32
      %add3A_151 = arith.addi %mul3A_149, %add3A_150 : i32
      %dma_start3A_152 = arith.constant 0 : i32
      %dma_start3A_153 = tpu.memref_slice %arg8[%add3A_151, %dma_start3A_152] : memref<80x128xi32, #tpu.memory_space<vmem>> -> memref<1x128xi32, #tpu.memory_space<vmem>>
      %dma_start3A_154 = tpu.memref_squeeze %dma_start3A_153 : memref<1x128xi32, #tpu.memory_space<vmem>> -> memref<128xi32, #tpu.memory_space<vmem>>
      %dma_start3A_155 = arith.constant 0 : i32
      %dma_start3A_156 = arith.constant 0 : i32
      %dma_start3A_157 = tpu.memref_slice %arg17[%dma_start3A_155, %dma_start3A_156] : memref<10240x32xf32, #tpu.memory_space<vmem_shared>> -> memref<10240x32xf32, #tpu.memory_space<vmem_shared>>
      tpu.enqueue_indirect_dma source(%arg12 : memref<128x32xf32, #tpu.memory_space<vmem>>) target(%dma_start3A_157 : memref<10240x32xf32, #tpu.memory_space<vmem_shared>>) offsets(%dma_start3A_154 : memref<128xi32, #tpu.memory_space<vmem>>) semaphore(%arg29 : memref<!tpu.dma_semaphore, #tpu.memory_space<semaphore_mem>>) {add = true}
      %dma_wait3A_158 = arith.constant 0 : i32
      %dma_wait3A_159 = tpu.memref_slice %arg7[%add3A_58, %dma_wait3A_158] : memref<80x128xi32, #tpu.memory_space<vmem>> -> memref<1x128xi32, #tpu.memory_space<vmem>>
      %dma_wait3A_160 = tpu.memref_squeeze %dma_wait3A_159 : memref<1x128xi32, #tpu.memory_space<vmem>> -> memref<128xi32, #tpu.memory_space<vmem>>
      %dma_wait3A_161 = arith.constant 0 : i32
      %dma_wait3A_162 = arith.constant 0 : i32
      %dma_wait3A_163 = tpu.memref_slice %arg2[%dma_wait3A_161, %dma_wait3A_162] : memref<10000x32xf32, #tpu.memory_space<hbm>> -> memref<10000x32xf32, #tpu.memory_space<hbm>>
      tpu.wait_indirect_dma semaphore(%arg22 : memref<!tpu.dma_semaphore, #tpu.memory_space<semaphore_mem>>) src(%dma_wait3A_163 : memref<10000x32xf32, #tpu.memory_space<hbm>>) dst(%arg13 : memref<128x32xf32, #tpu.memory_space<vmem>>)
      %mul3A_164 = arith.constant 8 : i32
      %mul3A_165 = arith.muli %scan3A_15, %mul3A_164 : i32
      %add3A_166 = arith.constant 4 : i32
      %add3A_167 = arith.addi %mul3A_165, %add3A_166 : i32
      %dma_start3A_168 = arith.constant 0 : i32
      %dma_start3A_169 = tpu.memref_slice %arg8[%add3A_167, %dma_start3A_168] : memref<80x128xi32, #tpu.memory_space<vmem>> -> memref<1x128xi32, #tpu.memory_space<vmem>>
      %dma_start3A_170 = tpu.memref_squeeze %dma_start3A_169 : memref<1x128xi32, #tpu.memory_space<vmem>> -> memref<128xi32, #tpu.memory_space<vmem>>
      %dma_start3A_171 = arith.constant 0 : i32
      %dma_start3A_172 = arith.constant 0 : i32
      %dma_start3A_173 = tpu.memref_slice %arg17[%dma_start3A_171, %dma_start3A_172] : memref<10240x32xf32, #tpu.memory_space<vmem_shared>> -> memref<10240x32xf32, #tpu.memory_space<vmem_shared>>
      tpu.enqueue_indirect_dma source(%arg13 : memref<128x32xf32, #tpu.memory_space<vmem>>) target(%dma_start3A_173 : memref<10240x32xf32, #tpu.memory_space<vmem_shared>>) offsets(%dma_start3A_170 : memref<128xi32, #tpu.memory_space<vmem>>) semaphore(%arg30 : memref<!tpu.dma_semaphore, #tpu.memory_space<semaphore_mem>>) {add = true}
      %dma_wait3A_174 = arith.constant 0 : i32
      %dma_wait3A_175 = tpu.memref_slice %arg7[%add3A_68, %dma_wait3A_174] : memref<80x128xi32, #tpu.memory_space<vmem>> -> memref<1x128xi32, #tpu.memory_space<vmem>>
      %dma_wait3A_176 = tpu.memref_squeeze %dma_wait3A_175 : memref<1x128xi32, #tpu.memory_space<vmem>> -> memref<128xi32, #tpu.memory_space<vmem>>
      %dma_wait3A_177 = arith.constant 0 : i32
      %dma_wait3A_178 = arith.constant 0 : i32
      %dma_wait3A_179 = tpu.memref_slice %arg2[%dma_wait3A_177, %dma_wait3A_178] : memref<10000x32xf32, #tpu.memory_space<hbm>> -> memref<10000x32xf32, #tpu.memory_space<hbm>>
      tpu.wait_indirect_dma semaphore(%arg23 : memref<!tpu.dma_semaphore, #tpu.memory_space<semaphore_mem>>) src(%dma_wait3A_179 : memref<10000x32xf32, #tpu.memory_space<hbm>>) dst(%arg14 : memref<128x32xf32, #tpu.memory_space<vmem>>)
      %mul3A_180 = arith.constant 8 : i32
      %mul3A_181 = arith.muli %scan3A_15, %mul3A_180 : i32
      %add3A_182 = arith.constant 5 : i32
      %add3A_183 = arith.addi %mul3A_181, %add3A_182 : i32
      %dma_start3A_184 = arith.constant 0 : i32
      %dma_start3A_185 = tpu.memref_slice %arg8[%add3A_183, %dma_start3A_184] : memref<80x128xi32, #tpu.memory_space<vmem>> -> memref<1x128xi32, #tpu.memory_space<vmem>>
      %dma_start3A_186 = tpu.memref_squeeze %dma_start3A_185 : memref<1x128xi32, #tpu.memory_space<vmem>> -> memref<128xi32, #tpu.memory_space<vmem>>
      %dma_start3A_187 = arith.constant 0 : i32
      %dma_start3A_188 = arith.constant 0 : i32
      %dma_start3A_189 = tpu.memref_slice %arg17[%dma_start3A_187, %dma_start3A_188] : memref<10240x32xf32, #tpu.memory_space<vmem_shared>> -> memref<10240x32xf32, #tpu.memory_space<vmem_shared>>
      tpu.enqueue_indirect_dma source(%arg14 : memref<128x32xf32, #tpu.memory_space<vmem>>) target(%dma_start3A_189 : memref<10240x32xf32, #tpu.memory_space<vmem_shared>>) offsets(%dma_start3A_186 : memref<128xi32, #tpu.memory_space<vmem>>) semaphore(%arg31 : memref<!tpu.dma_semaphore, #tpu.memory_space<semaphore_mem>>) {add = true}
      %dma_wait3A_190 = arith.constant 0 : i32
      %dma_wait3A_191 = tpu.memref_slice %arg7[%add3A_78, %dma_wait3A_190] : memref<80x128xi32, #tpu.memory_space<vmem>> -> memref<1x128xi32, #tpu.memory_space<vmem>>
      %dma_wait3A_192 = tpu.memref_squeeze %dma_wait3A_191 : memref<1x128xi32, #tpu.memory_space<vmem>> -> memref<128xi32, #tpu.memory_space<vmem>>
      %dma_wait3A_193 = arith.constant 0 : i32
      %dma_wait3A_194 = arith.constant 0 : i32
      %dma_wait3A_195 = tpu.memref_slice %arg2[%dma_wait3A_193, %dma_wait3A_194] : memref<10000x32xf32, #tpu.memory_space<hbm>> -> memref<10000x32xf32, #tpu.memory_space<hbm>>
      tpu.wait_indirect_dma semaphore(%arg24 : memref<!tpu.dma_semaphore, #tpu.memory_space<semaphore_mem>>) src(%dma_wait3A_195 : memref<10000x32xf32, #tpu.memory_space<hbm>>) dst(%arg15 : memref<128x32xf32, #tpu.memory_space<vmem>>)
      %mul3A_196 = arith.constant 8 : i32
      %mul3A_197 = arith.muli %scan3A_15, %mul3A_196 : i32
      %add3A_198 = arith.constant 6 : i32
      %add3A_199 = arith.addi %mul3A_197, %add3A_198 : i32
      %dma_start3A_200 = arith.constant 0 : i32
      %dma_start3A_201 = tpu.memref_slice %arg8[%add3A_199, %dma_start3A_200] : memref<80x128xi32, #tpu.memory_space<vmem>> -> memref<1x128xi32, #tpu.memory_space<vmem>>
      %dma_start3A_202 = tpu.memref_squeeze %dma_start3A_201 : memref<1x128xi32, #tpu.memory_space<vmem>> -> memref<128xi32, #tpu.memory_space<vmem>>
      %dma_start3A_203 = arith.constant 0 : i32
      %dma_start3A_204 = arith.constant 0 : i32
      %dma_start3A_205 = tpu.memref_slice %arg17[%dma_start3A_203, %dma_start3A_204] : memref<10240x32xf32, #tpu.memory_space<vmem_shared>> -> memref<10240x32xf32, #tpu.memory_space<vmem_shared>>
      tpu.enqueue_indirect_dma source(%arg15 : memref<128x32xf32, #tpu.memory_space<vmem>>) target(%dma_start3A_205 : memref<10240x32xf32, #tpu.memory_space<vmem_shared>>) offsets(%dma_start3A_202 : memref<128xi32, #tpu.memory_space<vmem>>) semaphore(%arg32 : memref<!tpu.dma_semaphore, #tpu.memory_space<semaphore_mem>>) {add = true}
      %dma_wait3A_206 = arith.constant 0 : i32
      %dma_wait3A_207 = tpu.memref_slice %arg7[%add3A_88, %dma_wait3A_206] : memref<80x128xi32, #tpu.memory_space<vmem>> -> memref<1x128xi32, #tpu.memory_space<vmem>>
      %dma_wait3A_208 = tpu.memref_squeeze %dma_wait3A_207 : memref<1x128xi32, #tpu.memory_space<vmem>> -> memref<128xi32, #tpu.memory_space<vmem>>
      %dma_wait3A_209 = arith.constant 0 : i32
      %dma_wait3A_210 = arith.constant 0 : i32
      %dma_wait3A_211 = tpu.memref_slice %arg2[%dma_wait3A_209, %dma_wait3A_210] : memref<10000x32xf32, #tpu.memory_space<hbm>> -> memref<10000x32xf32, #tpu.memory_space<hbm>>
      tpu.wait_indirect_dma semaphore(%arg25 : memref<!tpu.dma_semaphore, #tpu.memory_space<semaphore_mem>>) src(%dma_wait3A_211 : memref<10000x32xf32, #tpu.memory_space<hbm>>) dst(%arg16 : memref<128x32xf32, #tpu.memory_space<vmem>>)
      %mul3A_212 = arith.constant 8 : i32
      %mul3A_213 = arith.muli %scan3A_15, %mul3A_212 : i32
      %add3A_214 = arith.constant 7 : i32
      %add3A_215 = arith.addi %mul3A_213, %add3A_214 : i32
      %dma_start3A_216 = arith.constant 0 : i32
      %dma_start3A_217 = tpu.memref_slice %arg8[%add3A_215, %dma_start3A_216] : memref<80x128xi32, #tpu.memory_space<vmem>> -> memref<1x128xi32, #tpu.memory_space<vmem>>
      %dma_start3A_218 = tpu.memref_squeeze %dma_start3A_217 : memref<1x128xi32, #tpu.memory_space<vmem>> -> memref<128xi32, #tpu.memory_space<vmem>>
      %dma_start3A_219 = arith.constant 0 : i32
      %dma_start3A_220 = arith.constant 0 : i32
      %dma_start3A_221 = tpu.memref_slice %arg17[%dma_start3A_219, %dma_start3A_220] : memref<10240x32xf32, #tpu.memory_space<vmem_shared>> -> memref<10240x32xf32, #tpu.memory_space<vmem_shared>>
      tpu.enqueue_indirect_dma source(%arg16 : memref<128x32xf32, #tpu.memory_space<vmem>>) target(%dma_start3A_221 : memref<10240x32xf32, #tpu.memory_space<vmem_shared>>) offsets(%dma_start3A_218 : memref<128xi32, #tpu.memory_space<vmem>>) semaphore(%arg33 : memref<!tpu.dma_semaphore, #tpu.memory_space<semaphore_mem>>) {add = true}
      %dma_wait3A_222 = arith.constant 0 : i32
      %dma_wait3A_223 = tpu.memref_slice %arg8[%add3A_103, %dma_wait3A_222] : memref<80x128xi32, #tpu.memory_space<vmem>> -> memref<1x128xi32, #tpu.memory_space<vmem>>
      %dma_wait3A_224 = tpu.memref_squeeze %dma_wait3A_223 : memref<1x128xi32, #tpu.memory_space<vmem>> -> memref<128xi32, #tpu.memory_space<vmem>>
      %dma_wait3A_225 = arith.constant 0 : i32
      %dma_wait3A_226 = arith.constant 0 : i32
      %dma_wait3A_227 = tpu.memref_slice %arg17[%dma_wait3A_225, %dma_wait3A_226] : memref<10240x32xf32, #tpu.memory_space<vmem_shared>> -> memref<10240x32xf32, #tpu.memory_space<vmem_shared>>
      tpu.wait_indirect_dma semaphore(%arg26 : memref<!tpu.dma_semaphore, #tpu.memory_space<semaphore_mem>>) src(%arg9 : memref<128x32xf32, #tpu.memory_space<vmem>>) dst(%dma_wait3A_227 : memref<10240x32xf32, #tpu.memory_space<vmem_shared>>)
      %dma_wait3A_228 = arith.constant 0 : i32
      %dma_wait3A_229 = tpu.memref_slice %arg8[%add3A_119, %dma_wait3A_228] : memref<80x128xi32, #tpu.memory_space<vmem>> -> memref<1x128xi32, #tpu.memory_space<vmem>>
      %dma_wait3A_230 = tpu.memref_squeeze %dma_wait3A_229 : memref<1x128xi32, #tpu.memory_space<vmem>> -> memref<128xi32, #tpu.memory_space<vmem>>
      %dma_wait3A_231 = arith.constant 0 : i32
      %dma_wait3A_232 = arith.constant 0 : i32
      %dma_wait3A_233 = tpu.memref_slice %arg17[%dma_wait3A_231, %dma_wait3A_232] : memref<10240x32xf32, #tpu.memory_space<vmem_shared>> -> memref<10240x32xf32, #tpu.memory_space<vmem_shared>>
      tpu.wait_indirect_dma semaphore(%arg27 : memref<!tpu.dma_semaphore, #tpu.memory_space<semaphore_mem>>) src(%arg10 : memref<128x32xf32, #tpu.memory_space<vmem>>) dst(%dma_wait3A_233 : memref<10240x32xf32, #tpu.memory_space<vmem_shared>>)
      %dma_wait3A_234 = arith.constant 0 : i32
      %dma_wait3A_235 = tpu.memref_slice %arg8[%add3A_135, %dma_wait3A_234] : memref<80x128xi32, #tpu.memory_space<vmem>> -> memref<1x128xi32, #tpu.memory_space<vmem>>
      %dma_wait3A_236 = tpu.memref_squeeze %dma_wait3A_235 : memref<1x128xi32, #tpu.memory_space<vmem>> -> memref<128xi32, #tpu.memory_space<vmem>>
      %dma_wait3A_237 = arith.constant 0 : i32
      %dma_wait3A_238 = arith.constant 0 : i32
      %dma_wait3A_239 = tpu.memref_slice %arg17[%dma_wait3A_237, %dma_wait3A_238] : memref<10240x32xf32, #tpu.memory_space<vmem_shared>> -> memref<10240x32xf32, #tpu.memory_space<vmem_shared>>
      tpu.wait_indirect_dma semaphore(%arg28 : memref<!tpu.dma_semaphore, #tpu.memory_space<semaphore_mem>>) src(%arg11 : memref<128x32xf32, #tpu.memory_space<vmem>>) dst(%dma_wait3A_239 : memref<10240x32xf32, #tpu.memory_space<vmem_shared>>)
      %dma_wait3A_240 = arith.constant 0 : i32
      %dma_wait3A_241 = tpu.memref_slice %arg8[%add3A_151, %dma_wait3A_240] : memref<80x128xi32, #tpu.memory_space<vmem>> -> memref<1x128xi32, #tpu.memory_space<vmem>>
      %dma_wait3A_242 = tpu.memref_squeeze %dma_wait3A_241 : memref<1x128xi32, #tpu.memory_space<vmem>> -> memref<128xi32, #tpu.memory_space<vmem>>
      %dma_wait3A_243 = arith.constant 0 : i32
      %dma_wait3A_244 = arith.constant 0 : i32
      %dma_wait3A_245 = tpu.memref_slice %arg17[%dma_wait3A_243, %dma_wait3A_244] : memref<10240x32xf32, #tpu.memory_space<vmem_shared>> -> memref<10240x32xf32, #tpu.memory_space<vmem_shared>>
      tpu.wait_indirect_dma semaphore(%arg29 : memref<!tpu.dma_semaphore, #tpu.memory_space<semaphore_mem>>) src(%arg12 : memref<128x32xf32, #tpu.memory_space<vmem>>) dst(%dma_wait3A_245 : memref<10240x32xf32, #tpu.memory_space<vmem_shared>>)
      %dma_wait3A_246 = arith.constant 0 : i32
      %dma_wait3A_247 = tpu.memref_slice %arg8[%add3A_167, %dma_wait3A_246] : memref<80x128xi32, #tpu.memory_space<vmem>> -> memref<1x128xi32, #tpu.memory_space<vmem>>
      %dma_wait3A_248 = tpu.memref_squeeze %dma_wait3A_247 : memref<1x128xi32, #tpu.memory_space<vmem>> -> memref<128xi32, #tpu.memory_space<vmem>>
      %dma_wait3A_249 = arith.constant 0 : i32
      %dma_wait3A_250 = arith.constant 0 : i32
      %dma_wait3A_251 = tpu.memref_slice %arg17[%dma_wait3A_249, %dma_wait3A_250] : memref<10240x32xf32, #tpu.memory_space<vmem_shared>> -> memref<10240x32xf32, #tpu.memory_space<vmem_shared>>
      tpu.wait_indirect_dma semaphore(%arg30 : memref<!tpu.dma_semaphore, #tpu.memory_space<semaphore_mem>>) src(%arg13 : memref<128x32xf32, #tpu.memory_space<vmem>>) dst(%dma_wait3A_251 : memref<10240x32xf32, #tpu.memory_space<vmem_shared>>)
      %dma_wait3A_252 = arith.constant 0 : i32
      %dma_wait3A_253 = tpu.memref_slice %arg8[%add3A_183, %dma_wait3A_252] : memref<80x128xi32, #tpu.memory_space<vmem>> -> memref<1x128xi32, #tpu.memory_space<vmem>>
      %dma_wait3A_254 = tpu.memref_squeeze %dma_wait3A_253 : memref<1x128xi32, #tpu.memory_space<vmem>> -> memref<128xi32, #tpu.memory_space<vmem>>
      %dma_wait3A_255 = arith.constant 0 : i32
      %dma_wait3A_256 = arith.constant 0 : i32
      %dma_wait3A_257 = tpu.memref_slice %arg17[%dma_wait3A_255, %dma_wait3A_256] : memref<10240x32xf32, #tpu.memory_space<vmem_shared>> -> memref<10240x32xf32, #tpu.memory_space<vmem_shared>>
      tpu.wait_indirect_dma semaphore(%arg31 : memref<!tpu.dma_semaphore, #tpu.memory_space<semaphore_mem>>) src(%arg14 : memref<128x32xf32, #tpu.memory_space<vmem>>) dst(%dma_wait3A_257 : memref<10240x32xf32, #tpu.memory_space<vmem_shared>>)
      %dma_wait3A_258 = arith.constant 0 : i32
      %dma_wait3A_259 = tpu.memref_slice %arg8[%add3A_199, %dma_wait3A_258] : memref<80x128xi32, #tpu.memory_space<vmem>> -> memref<1x128xi32, #tpu.memory_space<vmem>>
      %dma_wait3A_260 = tpu.memref_squeeze %dma_wait3A_259 : memref<1x128xi32, #tpu.memory_space<vmem>> -> memref<128xi32, #tpu.memory_space<vmem>>
      %dma_wait3A_261 = arith.constant 0 : i32
      %dma_wait3A_262 = arith.constant 0 : i32
      %dma_wait3A_263 = tpu.memref_slice %arg17[%dma_wait3A_261, %dma_wait3A_262] : memref<10240x32xf32, #tpu.memory_space<vmem_shared>> -> memref<10240x32xf32, #tpu.memory_space<vmem_shared>>
      tpu.wait_indirect_dma semaphore(%arg32 : memref<!tpu.dma_semaphore, #tpu.memory_space<semaphore_mem>>) src(%arg15 : memref<128x32xf32, #tpu.memory_space<vmem>>) dst(%dma_wait3A_263 : memref<10240x32xf32, #tpu.memory_space<vmem_shared>>)
      %dma_wait3A_264 = arith.constant 0 : i32
      %dma_wait3A_265 = tpu.memref_slice %arg8[%add3A_215, %dma_wait3A_264] : memref<80x128xi32, #tpu.memory_space<vmem>> -> memref<1x128xi32, #tpu.memory_space<vmem>>
      %dma_wait3A_266 = tpu.memref_squeeze %dma_wait3A_265 : memref<1x128xi32, #tpu.memory_space<vmem>> -> memref<128xi32, #tpu.memory_space<vmem>>
      %dma_wait3A_267 = arith.constant 0 : i32
      %dma_wait3A_268 = arith.constant 0 : i32
      %dma_wait3A_269 = tpu.memref_slice %arg17[%dma_wait3A_267, %dma_wait3A_268] : memref<10240x32xf32, #tpu.memory_space<vmem_shared>> -> memref<10240x32xf32, #tpu.memory_space<vmem_shared>>
      tpu.wait_indirect_dma semaphore(%arg33 : memref<!tpu.dma_semaphore, #tpu.memory_space<semaphore_mem>>) src(%arg16 : memref<128x32xf32, #tpu.memory_space<vmem>>) dst(%dma_wait3A_269 : memref<10240x32xf32, #tpu.memory_space<vmem_shared>>)
    }
    %scan3A_9 = arith.constant 10 : i32
    %barrier3A_10 = arith.constant 0 : index
    tpu.barrier barrier_id(%barrier3A_10)
    %mul3A_11 = arith.constant 640 : i32
    %mul3A_12 = arith.muli %arg1, %mul3A_11 : i32
    %mul3A_13 = arith.constant 640 : i32
    %mul3A_14 = arith.muli %arg1, %mul3A_13 : i32
    "tpu.region"() ({
      %run_scoped3A = tpu.sem_alloc : memref<!tpu.dma_semaphore, #tpu.memory_space<semaphore_mem>>
      %dma_start3A = arith.constant 0 : i32
      %dma_start3A_15 = tpu.memref_slice %arg6[%arg0, %mul3A_14, %dma_start3A] : memref<2x10240x32xf32, #tpu.memory_space<hbm>> -> memref<1x640x32xf32, #tpu.memory_space<hbm>>
      %dma_start3A_16 = tpu.memref_squeeze %dma_start3A_15 : memref<1x640x32xf32, #tpu.memory_space<hbm>> -> memref<640x32xf32, #tpu.memory_space<hbm>>
      %dma_start3A_17 = arith.constant 0 : i32
      %dma_start3A_18 = tpu.memref_slice %arg17[%mul3A_12, %dma_start3A_17] : memref<10240x32xf32, #tpu.memory_space<vmem_shared>> -> memref<640x32xf32, #tpu.memory_space<vmem_shared>>
      tpu.enqueue_dma source(%dma_start3A_18 : memref<640x32xf32, #tpu.memory_space<vmem_shared>>) target(%dma_start3A_16 : memref<640x32xf32, #tpu.memory_space<hbm>>) target_semaphore(%run_scoped3A : memref<!tpu.dma_semaphore, #tpu.memory_space<semaphore_mem>>)
      %dma_wait3A = arith.constant 0 : i32
      %dma_wait3A_19 = tpu.memref_slice %arg6[%arg0, %mul3A_14, %dma_wait3A] : memref<2x10240x32xf32, #tpu.memory_space<hbm>> -> memref<1x640x32xf32, #tpu.memory_space<hbm>>
      %dma_wait3A_20 = tpu.memref_squeeze %dma_wait3A_19 : memref<1x640x32xf32, #tpu.memory_space<hbm>> -> memref<640x32xf32, #tpu.memory_space<hbm>>
      %dma_wait3A_21 = arith.constant 0 : i32
      %dma_wait3A_22 = tpu.memref_slice %arg17[%mul3A_12, %dma_wait3A_21] : memref<10240x32xf32, #tpu.memory_space<vmem_shared>> -> memref<640x32xf32, #tpu.memory_space<vmem_shared>>
      tpu.wait_dma2 semaphore(%run_scoped3A : memref<!tpu.dma_semaphore, #tpu.memory_space<semaphore_mem>>) src(%dma_wait3A_22 : memref<640x32xf32, #tpu.memory_space<vmem_shared>>) dst(%dma_wait3A_20 : memref<640x32xf32, #tpu.memory_space<hbm>>)
      tpu.yield
    }) : () -> ()
    return
  }
}

#map = affine_map<(d0, d1) -> (0, 0, 0)>
#map1 = affine_map<(d0, d1) -> (0)>
#map2 = affine_map<(d0, d1) -> (0, 0)>
module attributes {stable_mosaic.version = 14 : i64} {
  func.func @_sc_degree(%arg0: i32, %arg1: i32, %arg2: memref<32x80x128xi32, #tpu.memory_space<hbm>>, %arg3: memref<10240xf32, #tpu.memory_space<hbm>>, %arg4: memref<2x10240xf32, #tpu.memory_space<hbm>>, %arg5: memref<80x128xi32, #tpu.memory_space<vmem>>, %arg6: memref<128xf32, #tpu.memory_space<vmem>>, %arg7: memref<10240xf32, #tpu.memory_space<vmem_shared>>) attributes {dimension_semantics = [#tpu.dimension_semantics<core_parallel>, #tpu.dimension_semantics<subcore_parallel>], iteration_bounds = array<i64: 2, 16>, scalar_prefetch = 0 : i64, scratch_operands = 3 : i64, tpu.core_type = #tpu.core_type<sc_vector_subcore>, window_params = [{transform_indices = #map}, {transform_indices = #map1}, {transform_indices = #map2}]} {
    %mul3A = arith.constant 2 : i32
    %mul3A_0 = arith.muli %arg1, %mul3A : i32
    %add3A = arith.addi %mul3A_0, %arg0 : i32
    "tpu.region"() ({
      %run_scoped3A = tpu.sem_alloc : memref<!tpu.dma_semaphore, #tpu.memory_space<semaphore_mem>>
      %dma_start3A = arith.constant 0 : i32
      %dma_start3A_61 = arith.constant 0 : i32
      %dma_start3A_62 = tpu.memref_slice %arg2[%add3A, %dma_start3A, %dma_start3A_61] : memref<32x80x128xi32, #tpu.memory_space<hbm>> -> memref<1x80x128xi32, #tpu.memory_space<hbm>>
      %dma_start3A_63 = tpu.memref_squeeze %dma_start3A_62 : memref<1x80x128xi32, #tpu.memory_space<hbm>> -> memref<80x128xi32, #tpu.memory_space<hbm>>
      %dma_start3A_64 = arith.constant 0 : i32
      %dma_start3A_65 = arith.constant 0 : i32
      %dma_start3A_66 = tpu.memref_slice %arg2[%add3A, %dma_start3A_64, %dma_start3A_65] : memref<32x80x128xi32, #tpu.memory_space<hbm>> -> memref<1x80x128xi32, #tpu.memory_space<hbm>>
      %dma_start3A_67 = tpu.memref_squeeze %dma_start3A_66 : memref<1x80x128xi32, #tpu.memory_space<hbm>> -> memref<80x128xi32, #tpu.memory_space<hbm>>
      tpu.enqueue_dma source(%dma_start3A_67 : memref<80x128xi32, #tpu.memory_space<hbm>>) target(%arg5 : memref<80x128xi32, #tpu.memory_space<vmem>>) target_semaphore(%run_scoped3A : memref<!tpu.dma_semaphore, #tpu.memory_space<semaphore_mem>>)
      %dma_wait3A = arith.constant 0 : i32
      %dma_wait3A_68 = arith.constant 0 : i32
      %dma_wait3A_69 = tpu.memref_slice %arg2[%add3A, %dma_wait3A, %dma_wait3A_68] : memref<32x80x128xi32, #tpu.memory_space<hbm>> -> memref<1x80x128xi32, #tpu.memory_space<hbm>>
      %dma_wait3A_70 = tpu.memref_squeeze %dma_wait3A_69 : memref<1x80x128xi32, #tpu.memory_space<hbm>> -> memref<80x128xi32, #tpu.memory_space<hbm>>
      %dma_wait3A_71 = arith.constant 0 : i32
      %dma_wait3A_72 = arith.constant 0 : i32
      %dma_wait3A_73 = tpu.memref_slice %arg2[%add3A, %dma_wait3A_71, %dma_wait3A_72] : memref<32x80x128xi32, #tpu.memory_space<hbm>> -> memref<1x80x128xi32, #tpu.memory_space<hbm>>
      %dma_wait3A_74 = tpu.memref_squeeze %dma_wait3A_73 : memref<1x80x128xi32, #tpu.memory_space<hbm>> -> memref<80x128xi32, #tpu.memory_space<hbm>>
      tpu.wait_dma2 semaphore(%run_scoped3A : memref<!tpu.dma_semaphore, #tpu.memory_space<semaphore_mem>>) src(%dma_wait3A_74 : memref<80x128xi32, #tpu.memory_space<hbm>>) dst(%arg5 : memref<80x128xi32, #tpu.memory_space<vmem>>)
      tpu.yield
    }) : () -> ()
    %broadcast_in_dim3A = arith.constant 1.000000e+00 : f32
    %broadcast_in_dim3A_1 = vector.broadcast %broadcast_in_dim3A : f32 to vector<16xf32>
    %swap3A = arith.constant 0 : index
    %swap3A_2 = tpu.vector_load %arg6[%swap3A] {strides = array<i32>} : memref<128xf32, #tpu.memory_space<vmem>>, vector<16xf32>,
    %swap3A_3 = vector.shape_cast %swap3A_2 : vector<16xf32> to vector<16xf32>
    %swap3A_4 = vector.shape_cast %broadcast_in_dim3A_1 : vector<16xf32> to vector<16xf32>
    tpu.vector_store %arg6[%swap3A], %swap3A_4 {strides = array<i32>} : memref<128xf32, #tpu.memory_space<vmem>>, vector<16xf32>,
    %broadcast_in_dim3A_5 = arith.constant 1.000000e+00 : f32
    %broadcast_in_dim3A_6 = vector.broadcast %broadcast_in_dim3A_5 : f32 to vector<16xf32>
    %swap3A_7 = arith.constant 16 : index
    %swap3A_8 = tpu.vector_load %arg6[%swap3A_7] {strides = array<i32>} : memref<128xf32, #tpu.memory_space<vmem>>, vector<16xf32>,
    %swap3A_9 = vector.shape_cast %swap3A_8 : vector<16xf32> to vector<16xf32>
    %swap3A_10 = vector.shape_cast %broadcast_in_dim3A_6 : vector<16xf32> to vector<16xf32>
    tpu.vector_store %arg6[%swap3A_7], %swap3A_10 {strides = array<i32>} : memref<128xf32, #tpu.memory_space<vmem>>, vector<16xf32>,
    %broadcast_in_dim3A_11 = arith.constant 1.000000e+00 : f32
    %broadcast_in_dim3A_12 = vector.broadcast %broadcast_in_dim3A_11 : f32 to vector<16xf32>
    %swap3A_13 = arith.constant 32 : index
    %swap3A_14 = tpu.vector_load %arg6[%swap3A_13] {strides = array<i32>} : memref<128xf32, #tpu.memory_space<vmem>>, vector<16xf32>,
    %swap3A_15 = vector.shape_cast %swap3A_14 : vector<16xf32> to vector<16xf32>
    %swap3A_16 = vector.shape_cast %broadcast_in_dim3A_12 : vector<16xf32> to vector<16xf32>
    tpu.vector_store %arg6[%swap3A_13], %swap3A_16 {strides = array<i32>} : memref<128xf32, #tpu.memory_space<vmem>>, vector<16xf32>,
    %broadcast_in_dim3A_17 = arith.constant 1.000000e+00 : f32
    %broadcast_in_dim3A_18 = vector.broadcast %broadcast_in_dim3A_17 : f32 to vector<16xf32>
    %swap3A_19 = arith.constant 48 : index
    %swap3A_20 = tpu.vector_load %arg6[%swap3A_19] {strides = array<i32>} : memref<128xf32, #tpu.memory_space<vmem>>, vector<16xf32>,
    %swap3A_21 = vector.shape_cast %swap3A_20 : vector<16xf32> to vector<16xf32>
    %swap3A_22 = vector.shape_cast %broadcast_in_dim3A_18 : vector<16xf32> to vector<16xf32>
    tpu.vector_store %arg6[%swap3A_19], %swap3A_22 {strides = array<i32>} : memref<128xf32, #tpu.memory_space<vmem>>, vector<16xf32>,
    %broadcast_in_dim3A_23 = arith.constant 1.000000e+00 : f32
    %broadcast_in_dim3A_24 = vector.broadcast %broadcast_in_dim3A_23 : f32 to vector<16xf32>
    %swap3A_25 = arith.constant 64 : index
    %swap3A_26 = tpu.vector_load %arg6[%swap3A_25] {strides = array<i32>} : memref<128xf32, #tpu.memory_space<vmem>>, vector<16xf32>,
    %swap3A_27 = vector.shape_cast %swap3A_26 : vector<16xf32> to vector<16xf32>
    %swap3A_28 = vector.shape_cast %broadcast_in_dim3A_24 : vector<16xf32> to vector<16xf32>
    tpu.vector_store %arg6[%swap3A_25], %swap3A_28 {strides = array<i32>} : memref<128xf32, #tpu.memory_space<vmem>>, vector<16xf32>,
    %broadcast_in_dim3A_29 = arith.constant 1.000000e+00 : f32
    %broadcast_in_dim3A_30 = vector.broadcast %broadcast_in_dim3A_29 : f32 to vector<16xf32>
    %swap3A_31 = arith.constant 80 : index
    %swap3A_32 = tpu.vector_load %arg6[%swap3A_31] {strides = array<i32>} : memref<128xf32, #tpu.memory_space<vmem>>, vector<16xf32>,
    %swap3A_33 = vector.shape_cast %swap3A_32 : vector<16xf32> to vector<16xf32>
    %swap3A_34 = vector.shape_cast %broadcast_in_dim3A_30 : vector<16xf32> to vector<16xf32>
    tpu.vector_store %arg6[%swap3A_31], %swap3A_34 {strides = array<i32>} : memref<128xf32, #tpu.memory_space<vmem>>, vector<16xf32>,
    %broadcast_in_dim3A_35 = arith.constant 1.000000e+00 : f32
    %broadcast_in_dim3A_36 = vector.broadcast %broadcast_in_dim3A_35 : f32 to vector<16xf32>
    %swap3A_37 = arith.constant 96 : index
    %swap3A_38 = tpu.vector_load %arg6[%swap3A_37] {strides = array<i32>} : memref<128xf32, #tpu.memory_space<vmem>>, vector<16xf32>,
    %swap3A_39 = vector.shape_cast %swap3A_38 : vector<16xf32> to vector<16xf32>
    %swap3A_40 = vector.shape_cast %broadcast_in_dim3A_36 : vector<16xf32> to vector<16xf32>
    tpu.vector_store %arg6[%swap3A_37], %swap3A_40 {strides = array<i32>} : memref<128xf32, #tpu.memory_space<vmem>>, vector<16xf32>,
    %broadcast_in_dim3A_41 = arith.constant 1.000000e+00 : f32
    %broadcast_in_dim3A_42 = vector.broadcast %broadcast_in_dim3A_41 : f32 to vector<16xf32>
    %swap3A_43 = arith.constant 112 : index
    %swap3A_44 = tpu.vector_load %arg6[%swap3A_43] {strides = array<i32>} : memref<128xf32, #tpu.memory_space<vmem>>, vector<16xf32>,
    %swap3A_45 = vector.shape_cast %swap3A_44 : vector<16xf32> to vector<16xf32>
    %swap3A_46 = vector.shape_cast %broadcast_in_dim3A_42 : vector<16xf32> to vector<16xf32>
    tpu.vector_store %arg6[%swap3A_43], %swap3A_46 {strides = array<i32>} : memref<128xf32, #tpu.memory_space<vmem>>, vector<16xf32>,
    %mul3A_47 = arith.constant 640 : i32
    %mul3A_48 = arith.muli %arg1, %mul3A_47 : i32
    %mul3A_49 = arith.constant 640 : i32
    %mul3A_50 = arith.muli %arg1, %mul3A_49 : i32
    "tpu.region"() ({
      %run_scoped3A = tpu.sem_alloc : memref<!tpu.dma_semaphore, #tpu.memory_space<semaphore_mem>>
      %dma_start3A = tpu.memref_slice %arg7[%mul3A_50] : memref<10240xf32, #tpu.memory_space<vmem_shared>> -> memref<640xf32, #tpu.memory_space<vmem_shared>>
      %dma_start3A_61 = tpu.memref_slice %arg3[%mul3A_48] : memref<10240xf32, #tpu.memory_space<hbm>> -> memref<640xf32, #tpu.memory_space<hbm>>
      tpu.enqueue_dma source(%dma_start3A_61 : memref<640xf32, #tpu.memory_space<hbm>>) target(%dma_start3A : memref<640xf32, #tpu.memory_space<vmem_shared>>) target_semaphore(%run_scoped3A : memref<!tpu.dma_semaphore, #tpu.memory_space<semaphore_mem>>)
      %dma_wait3A = tpu.memref_slice %arg7[%mul3A_50] : memref<10240xf32, #tpu.memory_space<vmem_shared>> -> memref<640xf32, #tpu.memory_space<vmem_shared>>
      %dma_wait3A_62 = tpu.memref_slice %arg3[%mul3A_48] : memref<10240xf32, #tpu.memory_space<hbm>> -> memref<640xf32, #tpu.memory_space<hbm>>
      tpu.wait_dma2 semaphore(%run_scoped3A : memref<!tpu.dma_semaphore, #tpu.memory_space<semaphore_mem>>) src(%dma_wait3A_62 : memref<640xf32, #tpu.memory_space<hbm>>) dst(%dma_wait3A : memref<640xf32, #tpu.memory_space<vmem_shared>>)
      tpu.yield
    }) : () -> ()
    %barrier3A = arith.constant 0 : index
    tpu.barrier barrier_id(%barrier3A)
    %scan3A = arith.constant 0 : i32
    %scan3A_51 = arith.constant 0 : i32
    %scan3A_52 = arith.constant 80 : i32
    %scan3A_53 = arith.addi %scan3A_51, %scan3A_52 : i32
    %scan3A_54 = arith.constant 1 : i32
    scf.for %scan3A_61 = %scan3A_51 to %scan3A_53 step %scan3A_54  : i32 {
      "tpu.region"() ({
        %run_scoped3A = tpu.sem_alloc : memref<!tpu.dma_semaphore, #tpu.memory_space<semaphore_mem>>
        %dma_start3A = arith.constant 0 : i32
        %dma_start3A_62 = tpu.memref_slice %arg5[%scan3A_61, %dma_start3A] : memref<80x128xi32, #tpu.memory_space<vmem>> -> memref<1x128xi32, #tpu.memory_space<vmem>>
        %dma_start3A_63 = tpu.memref_squeeze %dma_start3A_62 : memref<1x128xi32, #tpu.memory_space<vmem>> -> memref<128xi32, #tpu.memory_space<vmem>>
        %dma_start3A_64 = arith.constant 0 : i32
        %dma_start3A_65 = tpu.memref_slice %arg7[%dma_start3A_64] : memref<10240xf32, #tpu.memory_space<vmem_shared>> -> memref<10240xf32, #tpu.memory_space<vmem_shared>>
        tpu.enqueue_indirect_dma source(%arg6 : memref<128xf32, #tpu.memory_space<vmem>>) target(%dma_start3A_65 : memref<10240xf32, #tpu.memory_space<vmem_shared>>) offsets(%dma_start3A_63 : memref<128xi32, #tpu.memory_space<vmem>>) semaphore(%run_scoped3A : memref<!tpu.dma_semaphore, #tpu.memory_space<semaphore_mem>>) {add = true}
        %dma_wait3A = arith.constant 0 : i32
        %dma_wait3A_66 = tpu.memref_slice %arg5[%scan3A_61, %dma_wait3A] : memref<80x128xi32, #tpu.memory_space<vmem>> -> memref<1x128xi32, #tpu.memory_space<vmem>>
        %dma_wait3A_67 = tpu.memref_squeeze %dma_wait3A_66 : memref<1x128xi32, #tpu.memory_space<vmem>> -> memref<128xi32, #tpu.memory_space<vmem>>
        %dma_wait3A_68 = arith.constant 0 : i32
        %dma_wait3A_69 = tpu.memref_slice %arg7[%dma_wait3A_68] : memref<10240xf32, #tpu.memory_space<vmem_shared>> -> memref<10240xf32, #tpu.memory_space<vmem_shared>>
        tpu.wait_indirect_dma semaphore(%run_scoped3A : memref<!tpu.dma_semaphore, #tpu.memory_space<semaphore_mem>>) src(%arg6 : memref<128xf32, #tpu.memory_space<vmem>>) dst(%dma_wait3A_69 : memref<10240xf32, #tpu.memory_space<vmem_shared>>)
        tpu.yield
      }) : () -> ()
    }
    %scan3A_55 = arith.constant 80 : i32
    %barrier3A_56 = arith.constant 0 : index
    tpu.barrier barrier_id(%barrier3A_56)
    %mul3A_57 = arith.constant 640 : i32
    %mul3A_58 = arith.muli %arg1, %mul3A_57 : i32
    %mul3A_59 = arith.constant 640 : i32
    %mul3A_60 = arith.muli %arg1, %mul3A_59 : i32
    "tpu.region"() ({
      %run_scoped3A = tpu.sem_alloc : memref<!tpu.dma_semaphore, #tpu.memory_space<semaphore_mem>>
      %dma_start3A = tpu.memref_slice %arg4[%arg0, %mul3A_60] : memref<2x10240xf32, #tpu.memory_space<hbm>> -> memref<1x640xf32, #tpu.memory_space<hbm>>
      %dma_start3A_61 = tpu.memref_squeeze %dma_start3A : memref<1x640xf32, #tpu.memory_space<hbm>> -> memref<640xf32, #tpu.memory_space<hbm>>
      %dma_start3A_62 = tpu.memref_slice %arg7[%mul3A_58] : memref<10240xf32, #tpu.memory_space<vmem_shared>> -> memref<640xf32, #tpu.memory_space<vmem_shared>>
      tpu.enqueue_dma source(%dma_start3A_62 : memref<640xf32, #tpu.memory_space<vmem_shared>>) target(%dma_start3A_61 : memref<640xf32, #tpu.memory_space<hbm>>) target_semaphore(%run_scoped3A : memref<!tpu.dma_semaphore, #tpu.memory_space<semaphore_mem>>)
      %dma_wait3A = tpu.memref_slice %arg4[%arg0, %mul3A_60] : memref<2x10240xf32, #tpu.memory_space<hbm>> -> memref<1x640xf32, #tpu.memory_space<hbm>>
      %dma_wait3A_63 = tpu.memref_squeeze %dma_wait3A : memref<1x640xf32, #tpu.memory_space<hbm>> -> memref<640xf32, #tpu.memory_space<hbm>>
      %dma_wait3A_64 = tpu.memref_slice %arg7[%mul3A_58] : memref<10240xf32, #tpu.memory_space<vmem_shared>> -> memref<640xf32, #tpu.memory_space<vmem_shared>>
      tpu.wait_dma2 semaphore(%run_scoped3A : memref<!tpu.dma_semaphore, #tpu.memory_space<semaphore_mem>>) src(%dma_wait3A_64 : memref<640xf32, #tpu.memory_space<vmem_shared>>) dst(%dma_wait3A_63 : memref<640xf32, #tpu.memory_space<hbm>>)
      tpu.yield
    }) : () -> ()
    return
  }
}

#map = affine_map<(d0, d1) -> (0, 0)>
#map1 = affine_map<(d0, d1) -> (0, 0, 0)>
module attributes {stable_mosaic.version = 14 : i64} {
  func.func @_sc_scatter(%arg0: i32, %arg1: i32, %arg2: memref<10000x32xf32, #tpu.memory_space<hbm>>, %arg3: memref<32x80x128xi32, #tpu.memory_space<hbm>>, %arg4: memref<32x80x128xi32, #tpu.memory_space<hbm>>, %arg5: memref<10240x32xf32, #tpu.memory_space<hbm>>, %arg6: memref<2x10240x32xf32, #tpu.memory_space<hbm>>, %arg7: memref<80x128xi32, #tpu.memory_space<vmem>>, %arg8: memref<80x128xi32, #tpu.memory_space<vmem>>, %arg9: memref<128x32xf32, #tpu.memory_space<vmem>>, %arg10: memref<128x32xf32, #tpu.memory_space<vmem>>, %arg11: memref<128x32xf32, #tpu.memory_space<vmem>>, %arg12: memref<128x32xf32, #tpu.memory_space<vmem>>, %arg13: memref<128x32xf32, #tpu.memory_space<vmem>>, %arg14: memref<128x32xf32, #tpu.memory_space<vmem>>, %arg15: memref<128x32xf32, #tpu.memory_space<vmem>>, %arg16: memref<128x32xf32, #tpu.memory_space<vmem>>, %arg17: memref<10240x32xf32, #tpu.memory_space<vmem_shared>>, %arg18: memref<!tpu.dma_semaphore, #tpu.memory_space<semaphore_mem>>, %arg19: memref<!tpu.dma_semaphore, #tpu.memory_space<semaphore_mem>>, %arg20: memref<!tpu.dma_semaphore, #tpu.memory_space<semaphore_mem>>, %arg21: memref<!tpu.dma_semaphore, #tpu.memory_space<semaphore_mem>>, %arg22: memref<!tpu.dma_semaphore, #tpu.memory_space<semaphore_mem>>, %arg23: memref<!tpu.dma_semaphore, #tpu.memory_space<semaphore_mem>>, %arg24: memref<!tpu.dma_semaphore, #tpu.memory_space<semaphore_mem>>, %arg25: memref<!tpu.dma_semaphore, #tpu.memory_space<semaphore_mem>>, %arg26: memref<!tpu.dma_semaphore, #tpu.memory_space<semaphore_mem>>, %arg27: memref<!tpu.dma_semaphore, #tpu.memory_space<semaphore_mem>>, %arg28: memref<!tpu.dma_semaphore, #tpu.memory_space<semaphore_mem>>, %arg29: memref<!tpu.dma_semaphore, #tpu.memory_space<semaphore_mem>>, %arg30: memref<!tpu.dma_semaphore, #tpu.memory_space<semaphore_mem>>, %arg31: memref<!tpu.dma_semaphore, #tpu.memory_space<semaphore_mem>>, %arg32: memref<!tpu.dma_semaphore, #tpu.memory_space<semaphore_mem>>, %arg33: memref<!tpu.dma_semaphore, #tpu.memory_space<semaphore_mem>>) attributes {dimension_semantics = [#tpu.dimension_semantics<core_parallel>, #tpu.dimension_semantics<subcore_parallel>], iteration_bounds = array<i64: 2, 16>, scalar_prefetch = 0 : i64, scratch_operands = 27 : i64, tpu.core_type = #tpu.core_type<sc_vector_subcore>, window_params = [{transform_indices = #map}, {transform_indices = #map1}, {transform_indices = #map1}, {transform_indices = #map}, {transform_indices = #map1}]} {
    %mul3A = arith.constant 2 : i32
    %mul3A_0 = arith.muli %arg1, %mul3A : i32
    %add3A = arith.addi %mul3A_0, %arg0 : i32
    "tpu.region"() ({
      %run_scoped3A = tpu.sem_alloc : memref<!tpu.dma_semaphore, #tpu.memory_space<semaphore_mem>>
      %dma_start3A = arith.constant 0 : i32
      %dma_start3A_15 = arith.constant 0 : i32
      %dma_start3A_16 = tpu.memref_slice %arg3[%add3A, %dma_start3A, %dma_start3A_15] : memref<32x80x128xi32, #tpu.memory_space<hbm>> -> memref<1x80x128xi32, #tpu.memory_space<hbm>>
      %dma_start3A_17 = tpu.memref_squeeze %dma_start3A_16 : memref<1x80x128xi32, #tpu.memory_space<hbm>> -> memref<80x128xi32, #tpu.memory_space<hbm>>
      %dma_start3A_18 = arith.constant 0 : i32
      %dma_start3A_19 = arith.constant 0 : i32
      %dma_start3A_20 = tpu.memref_slice %arg3[%add3A, %dma_start3A_18, %dma_start3A_19] : memref<32x80x128xi32, #tpu.memory_space<hbm>> -> memref<1x80x128xi32, #tpu.memory_space<hbm>>
      %dma_start3A_21 = tpu.memref_squeeze %dma_start3A_20 : memref<1x80x128xi32, #tpu.memory_space<hbm>> -> memref<80x128xi32, #tpu.memory_space<hbm>>
      tpu.enqueue_dma source(%dma_start3A_21 : memref<80x128xi32, #tpu.memory_space<hbm>>) target(%arg7 : memref<80x128xi32, #tpu.memory_space<vmem>>) target_semaphore(%run_scoped3A : memref<!tpu.dma_semaphore, #tpu.memory_space<semaphore_mem>>)
      %dma_wait3A = arith.constant 0 : i32
      %dma_wait3A_22 = arith.constant 0 : i32
      %dma_wait3A_23 = tpu.memref_slice %arg3[%add3A, %dma_wait3A, %dma_wait3A_22] : memref<32x80x128xi32, #tpu.memory_space<hbm>> -> memref<1x80x128xi32, #tpu.memory_space<hbm>>
      %dma_wait3A_24 = tpu.memref_squeeze %dma_wait3A_23 : memref<1x80x128xi32, #tpu.memory_space<hbm>> -> memref<80x128xi32, #tpu.memory_space<hbm>>
      %dma_wait3A_25 = arith.constant 0 : i32
      %dma_wait3A_26 = arith.constant 0 : i32
      %dma_wait3A_27 = tpu.memref_slice %arg3[%add3A, %dma_wait3A_25, %dma_wait3A_26] : memref<32x80x128xi32, #tpu.memory_space<hbm>> -> memref<1x80x128xi32, #tpu.memory_space<hbm>>
      %dma_wait3A_28 = tpu.memref_squeeze %dma_wait3A_27 : memref<1x80x128xi32, #tpu.memory_space<hbm>> -> memref<80x128xi32, #tpu.memory_space<hbm>>
      tpu.wait_dma2 semaphore(%run_scoped3A : memref<!tpu.dma_semaphore, #tpu.memory_space<semaphore_mem>>) src(%dma_wait3A_28 : memref<80x128xi32, #tpu.memory_space<hbm>>) dst(%arg7 : memref<80x128xi32, #tpu.memory_space<vmem>>)
      tpu.yield
    }) : () -> ()
    "tpu.region"() ({
      %run_scoped3A = tpu.sem_alloc : memref<!tpu.dma_semaphore, #tpu.memory_space<semaphore_mem>>
      %dma_start3A = arith.constant 0 : i32
      %dma_start3A_15 = arith.constant 0 : i32
      %dma_start3A_16 = tpu.memref_slice %arg4[%add3A, %dma_start3A, %dma_start3A_15] : memref<32x80x128xi32, #tpu.memory_space<hbm>> -> memref<1x80x128xi32, #tpu.memory_space<hbm>>
      %dma_start3A_17 = tpu.memref_squeeze %dma_start3A_16 : memref<1x80x128xi32, #tpu.memory_space<hbm>> -> memref<80x128xi32, #tpu.memory_space<hbm>>
      %dma_start3A_18 = arith.constant 0 : i32
      %dma_start3A_19 = arith.constant 0 : i32
      %dma_start3A_20 = tpu.memref_slice %arg4[%add3A, %dma_start3A_18, %dma_start3A_19] : memref<32x80x128xi32, #tpu.memory_space<hbm>> -> memref<1x80x128xi32, #tpu.memory_space<hbm>>
      %dma_start3A_21 = tpu.memref_squeeze %dma_start3A_20 : memref<1x80x128xi32, #tpu.memory_space<hbm>> -> memref<80x128xi32, #tpu.memory_space<hbm>>
      tpu.enqueue_dma source(%dma_start3A_21 : memref<80x128xi32, #tpu.memory_space<hbm>>) target(%arg8 : memref<80x128xi32, #tpu.memory_space<vmem>>) target_semaphore(%run_scoped3A : memref<!tpu.dma_semaphore, #tpu.memory_space<semaphore_mem>>)
      %dma_wait3A = arith.constant 0 : i32
      %dma_wait3A_22 = arith.constant 0 : i32
      %dma_wait3A_23 = tpu.memref_slice %arg4[%add3A, %dma_wait3A, %dma_wait3A_22] : memref<32x80x128xi32, #tpu.memory_space<hbm>> -> memref<1x80x128xi32, #tpu.memory_space<hbm>>
      %dma_wait3A_24 = tpu.memref_squeeze %dma_wait3A_23 : memref<1x80x128xi32, #tpu.memory_space<hbm>> -> memref<80x128xi32, #tpu.memory_space<hbm>>
      %dma_wait3A_25 = arith.constant 0 : i32
      %dma_wait3A_26 = arith.constant 0 : i32
      %dma_wait3A_27 = tpu.memref_slice %arg4[%add3A, %dma_wait3A_25, %dma_wait3A_26] : memref<32x80x128xi32, #tpu.memory_space<hbm>> -> memref<1x80x128xi32, #tpu.memory_space<hbm>>
      %dma_wait3A_28 = tpu.memref_squeeze %dma_wait3A_27 : memref<1x80x128xi32, #tpu.memory_space<hbm>> -> memref<80x128xi32, #tpu.memory_space<hbm>>
      tpu.wait_dma2 semaphore(%run_scoped3A : memref<!tpu.dma_semaphore, #tpu.memory_space<semaphore_mem>>) src(%dma_wait3A_28 : memref<80x128xi32, #tpu.memory_space<hbm>>) dst(%arg8 : memref<80x128xi32, #tpu.memory_space<vmem>>)
      tpu.yield
    }) : () -> ()
    %mul3A_1 = arith.constant 640 : i32
    %mul3A_2 = arith.muli %arg1, %mul3A_1 : i32
    %mul3A_3 = arith.constant 640 : i32
    %mul3A_4 = arith.muli %arg1, %mul3A_3 : i32
    "tpu.region"() ({
      %run_scoped3A = tpu.sem_alloc : memref<!tpu.dma_semaphore, #tpu.memory_space<semaphore_mem>>
      %dma_start3A = arith.constant 0 : i32
      %dma_start3A_15 = tpu.memref_slice %arg17[%mul3A_4, %dma_start3A] : memref<10240x32xf32, #tpu.memory_space<vmem_shared>> -> memref<640x32xf32, #tpu.memory_space<vmem_shared>>
      %dma_start3A_16 = arith.constant 0 : i32
      %dma_start3A_17 = tpu.memref_slice %arg5[%mul3A_2, %dma_start3A_16] : memref<10240x32xf32, #tpu.memory_space<hbm>> -> memref<640x32xf32, #tpu.memory_space<hbm>>
      tpu.enqueue_dma source(%dma_start3A_17 : memref<640x32xf32, #tpu.memory_space<hbm>>) target(%dma_start3A_15 : memref<640x32xf32, #tpu.memory_space<vmem_shared>>) target_semaphore(%run_scoped3A : memref<!tpu.dma_semaphore, #tpu.memory_space<semaphore_mem>>)
      %dma_wait3A = arith.constant 0 : i32
      %dma_wait3A_18 = tpu.memref_slice %arg17[%mul3A_4, %dma_wait3A] : memref<10240x32xf32, #tpu.memory_space<vmem_shared>> -> memref<640x32xf32, #tpu.memory_space<vmem_shared>>
      %dma_wait3A_19 = arith.constant 0 : i32
      %dma_wait3A_20 = tpu.memref_slice %arg5[%mul3A_2, %dma_wait3A_19] : memref<10240x32xf32, #tpu.memory_space<hbm>> -> memref<640x32xf32, #tpu.memory_space<hbm>>
      tpu.wait_dma2 semaphore(%run_scoped3A : memref<!tpu.dma_semaphore, #tpu.memory_space<semaphore_mem>>) src(%dma_wait3A_20 : memref<640x32xf32, #tpu.memory_space<hbm>>) dst(%dma_wait3A_18 : memref<640x32xf32, #tpu.memory_space<vmem_shared>>)
      tpu.yield
    }) : () -> ()
    %barrier3A = arith.constant 0 : index
    tpu.barrier barrier_id(%barrier3A)
    %scan3A = arith.constant 0 : i32
    %scan3A_5 = arith.constant 0 : i32
    %scan3A_6 = arith.constant 10 : i32
    %scan3A_7 = arith.addi %scan3A_5, %scan3A_6 : i32
    %scan3A_8 = arith.constant 1 : i32
    scf.for %scan3A_15 = %scan3A_5 to %scan3A_7 step %scan3A_8  : i32 {
      %mul3A_16 = arith.constant 8 : i32
      %mul3A_17 = arith.muli %scan3A_15, %mul3A_16 : i32
      %add3A_18 = arith.constant 0 : i32
      %add3A_19 = arith.addi %mul3A_17, %add3A_18 : i32
      %dma_start3A = arith.constant 0 : i32
      %dma_start3A_20 = tpu.memref_slice %arg7[%add3A_19, %dma_start3A] : memref<80x128xi32, #tpu.memory_space<vmem>> -> memref<1x128xi32, #tpu.memory_space<vmem>>
      %dma_start3A_21 = tpu.memref_squeeze %dma_start3A_20 : memref<1x128xi32, #tpu.memory_space<vmem>> -> memref<128xi32, #tpu.memory_space<vmem>>
      %dma_start3A_22 = arith.constant 0 : i32
      %dma_start3A_23 = arith.constant 0 : i32
      %dma_start3A_24 = tpu.memref_slice %arg2[%dma_start3A_22, %dma_start3A_23] : memref<10000x32xf32, #tpu.memory_space<hbm>> -> memref<10000x32xf32, #tpu.memory_space<hbm>>
      tpu.enqueue_indirect_dma source(%dma_start3A_24 : memref<10000x32xf32, #tpu.memory_space<hbm>>) target(%arg9 : memref<128x32xf32, #tpu.memory_space<vmem>>) offsets(%dma_start3A_21 : memref<128xi32, #tpu.memory_space<vmem>>) semaphore(%arg18 : memref<!tpu.dma_semaphore, #tpu.memory_space<semaphore_mem>>)
      %mul3A_25 = arith.constant 8 : i32
      %mul3A_26 = arith.muli %scan3A_15, %mul3A_25 : i32
      %add3A_27 = arith.constant 1 : i32
      %add3A_28 = arith.addi %mul3A_26, %add3A_27 : i32
      %dma_start3A_29 = arith.constant 0 : i32
      %dma_start3A_30 = tpu.memref_slice %arg7[%add3A_28, %dma_start3A_29] : memref<80x128xi32, #tpu.memory_space<vmem>> -> memref<1x128xi32, #tpu.memory_space<vmem>>
      %dma_start3A_31 = tpu.memref_squeeze %dma_start3A_30 : memref<1x128xi32, #tpu.memory_space<vmem>> -> memref<128xi32, #tpu.memory_space<vmem>>
      %dma_start3A_32 = arith.constant 0 : i32
      %dma_start3A_33 = arith.constant 0 : i32
      %dma_start3A_34 = tpu.memref_slice %arg2[%dma_start3A_32, %dma_start3A_33] : memref<10000x32xf32, #tpu.memory_space<hbm>> -> memref<10000x32xf32, #tpu.memory_space<hbm>>
      tpu.enqueue_indirect_dma source(%dma_start3A_34 : memref<10000x32xf32, #tpu.memory_space<hbm>>) target(%arg10 : memref<128x32xf32, #tpu.memory_space<vmem>>) offsets(%dma_start3A_31 : memref<128xi32, #tpu.memory_space<vmem>>) semaphore(%arg19 : memref<!tpu.dma_semaphore, #tpu.memory_space<semaphore_mem>>)
      %mul3A_35 = arith.constant 8 : i32
      %mul3A_36 = arith.muli %scan3A_15, %mul3A_35 : i32
      %add3A_37 = arith.constant 2 : i32
      %add3A_38 = arith.addi %mul3A_36, %add3A_37 : i32
      %dma_start3A_39 = arith.constant 0 : i32
      %dma_start3A_40 = tpu.memref_slice %arg7[%add3A_38, %dma_start3A_39] : memref<80x128xi32, #tpu.memory_space<vmem>> -> memref<1x128xi32, #tpu.memory_space<vmem>>
      %dma_start3A_41 = tpu.memref_squeeze %dma_start3A_40 : memref<1x128xi32, #tpu.memory_space<vmem>> -> memref<128xi32, #tpu.memory_space<vmem>>
      %dma_start3A_42 = arith.constant 0 : i32
      %dma_start3A_43 = arith.constant 0 : i32
      %dma_start3A_44 = tpu.memref_slice %arg2[%dma_start3A_42, %dma_start3A_43] : memref<10000x32xf32, #tpu.memory_space<hbm>> -> memref<10000x32xf32, #tpu.memory_space<hbm>>
      tpu.enqueue_indirect_dma source(%dma_start3A_44 : memref<10000x32xf32, #tpu.memory_space<hbm>>) target(%arg11 : memref<128x32xf32, #tpu.memory_space<vmem>>) offsets(%dma_start3A_41 : memref<128xi32, #tpu.memory_space<vmem>>) semaphore(%arg20 : memref<!tpu.dma_semaphore, #tpu.memory_space<semaphore_mem>>)
      %mul3A_45 = arith.constant 8 : i32
      %mul3A_46 = arith.muli %scan3A_15, %mul3A_45 : i32
      %add3A_47 = arith.constant 3 : i32
      %add3A_48 = arith.addi %mul3A_46, %add3A_47 : i32
      %dma_start3A_49 = arith.constant 0 : i32
      %dma_start3A_50 = tpu.memref_slice %arg7[%add3A_48, %dma_start3A_49] : memref<80x128xi32, #tpu.memory_space<vmem>> -> memref<1x128xi32, #tpu.memory_space<vmem>>
      %dma_start3A_51 = tpu.memref_squeeze %dma_start3A_50 : memref<1x128xi32, #tpu.memory_space<vmem>> -> memref<128xi32, #tpu.memory_space<vmem>>
      %dma_start3A_52 = arith.constant 0 : i32
      %dma_start3A_53 = arith.constant 0 : i32
      %dma_start3A_54 = tpu.memref_slice %arg2[%dma_start3A_52, %dma_start3A_53] : memref<10000x32xf32, #tpu.memory_space<hbm>> -> memref<10000x32xf32, #tpu.memory_space<hbm>>
      tpu.enqueue_indirect_dma source(%dma_start3A_54 : memref<10000x32xf32, #tpu.memory_space<hbm>>) target(%arg12 : memref<128x32xf32, #tpu.memory_space<vmem>>) offsets(%dma_start3A_51 : memref<128xi32, #tpu.memory_space<vmem>>) semaphore(%arg21 : memref<!tpu.dma_semaphore, #tpu.memory_space<semaphore_mem>>)
      %mul3A_55 = arith.constant 8 : i32
      %mul3A_56 = arith.muli %scan3A_15, %mul3A_55 : i32
      %add3A_57 = arith.constant 4 : i32
      %add3A_58 = arith.addi %mul3A_56, %add3A_57 : i32
      %dma_start3A_59 = arith.constant 0 : i32
      %dma_start3A_60 = tpu.memref_slice %arg7[%add3A_58, %dma_start3A_59] : memref<80x128xi32, #tpu.memory_space<vmem>> -> memref<1x128xi32, #tpu.memory_space<vmem>>
      %dma_start3A_61 = tpu.memref_squeeze %dma_start3A_60 : memref<1x128xi32, #tpu.memory_space<vmem>> -> memref<128xi32, #tpu.memory_space<vmem>>
      %dma_start3A_62 = arith.constant 0 : i32
      %dma_start3A_63 = arith.constant 0 : i32
      %dma_start3A_64 = tpu.memref_slice %arg2[%dma_start3A_62, %dma_start3A_63] : memref<10000x32xf32, #tpu.memory_space<hbm>> -> memref<10000x32xf32, #tpu.memory_space<hbm>>
      tpu.enqueue_indirect_dma source(%dma_start3A_64 : memref<10000x32xf32, #tpu.memory_space<hbm>>) target(%arg13 : memref<128x32xf32, #tpu.memory_space<vmem>>) offsets(%dma_start3A_61 : memref<128xi32, #tpu.memory_space<vmem>>) semaphore(%arg22 : memref<!tpu.dma_semaphore, #tpu.memory_space<semaphore_mem>>)
      %mul3A_65 = arith.constant 8 : i32
      %mul3A_66 = arith.muli %scan3A_15, %mul3A_65 : i32
      %add3A_67 = arith.constant 5 : i32
      %add3A_68 = arith.addi %mul3A_66, %add3A_67 : i32
      %dma_start3A_69 = arith.constant 0 : i32
      %dma_start3A_70 = tpu.memref_slice %arg7[%add3A_68, %dma_start3A_69] : memref<80x128xi32, #tpu.memory_space<vmem>> -> memref<1x128xi32, #tpu.memory_space<vmem>>
      %dma_start3A_71 = tpu.memref_squeeze %dma_start3A_70 : memref<1x128xi32, #tpu.memory_space<vmem>> -> memref<128xi32, #tpu.memory_space<vmem>>
      %dma_start3A_72 = arith.constant 0 : i32
      %dma_start3A_73 = arith.constant 0 : i32
      %dma_start3A_74 = tpu.memref_slice %arg2[%dma_start3A_72, %dma_start3A_73] : memref<10000x32xf32, #tpu.memory_space<hbm>> -> memref<10000x32xf32, #tpu.memory_space<hbm>>
      tpu.enqueue_indirect_dma source(%dma_start3A_74 : memref<10000x32xf32, #tpu.memory_space<hbm>>) target(%arg14 : memref<128x32xf32, #tpu.memory_space<vmem>>) offsets(%dma_start3A_71 : memref<128xi32, #tpu.memory_space<vmem>>) semaphore(%arg23 : memref<!tpu.dma_semaphore, #tpu.memory_space<semaphore_mem>>)
      %mul3A_75 = arith.constant 8 : i32
      %mul3A_76 = arith.muli %scan3A_15, %mul3A_75 : i32
      %add3A_77 = arith.constant 6 : i32
      %add3A_78 = arith.addi %mul3A_76, %add3A_77 : i32
      %dma_start3A_79 = arith.constant 0 : i32
      %dma_start3A_80 = tpu.memref_slice %arg7[%add3A_78, %dma_start3A_79] : memref<80x128xi32, #tpu.memory_space<vmem>> -> memref<1x128xi32, #tpu.memory_space<vmem>>
      %dma_start3A_81 = tpu.memref_squeeze %dma_start3A_80 : memref<1x128xi32, #tpu.memory_space<vmem>> -> memref<128xi32, #tpu.memory_space<vmem>>
      %dma_start3A_82 = arith.constant 0 : i32
      %dma_start3A_83 = arith.constant 0 : i32
      %dma_start3A_84 = tpu.memref_slice %arg2[%dma_start3A_82, %dma_start3A_83] : memref<10000x32xf32, #tpu.memory_space<hbm>> -> memref<10000x32xf32, #tpu.memory_space<hbm>>
      tpu.enqueue_indirect_dma source(%dma_start3A_84 : memref<10000x32xf32, #tpu.memory_space<hbm>>) target(%arg15 : memref<128x32xf32, #tpu.memory_space<vmem>>) offsets(%dma_start3A_81 : memref<128xi32, #tpu.memory_space<vmem>>) semaphore(%arg24 : memref<!tpu.dma_semaphore, #tpu.memory_space<semaphore_mem>>)
      %mul3A_85 = arith.constant 8 : i32
      %mul3A_86 = arith.muli %scan3A_15, %mul3A_85 : i32
      %add3A_87 = arith.constant 7 : i32
      %add3A_88 = arith.addi %mul3A_86, %add3A_87 : i32
      %dma_start3A_89 = arith.constant 0 : i32
      %dma_start3A_90 = tpu.memref_slice %arg7[%add3A_88, %dma_start3A_89] : memref<80x128xi32, #tpu.memory_space<vmem>> -> memref<1x128xi32, #tpu.memory_space<vmem>>
      %dma_start3A_91 = tpu.memref_squeeze %dma_start3A_90 : memref<1x128xi32, #tpu.memory_space<vmem>> -> memref<128xi32, #tpu.memory_space<vmem>>
      %dma_start3A_92 = arith.constant 0 : i32
      %dma_start3A_93 = arith.constant 0 : i32
      %dma_start3A_94 = tpu.memref_slice %arg2[%dma_start3A_92, %dma_start3A_93] : memref<10000x32xf32, #tpu.memory_space<hbm>> -> memref<10000x32xf32, #tpu.memory_space<hbm>>
      tpu.enqueue_indirect_dma source(%dma_start3A_94 : memref<10000x32xf32, #tpu.memory_space<hbm>>) target(%arg16 : memref<128x32xf32, #tpu.memory_space<vmem>>) offsets(%dma_start3A_91 : memref<128xi32, #tpu.memory_space<vmem>>) semaphore(%arg25 : memref<!tpu.dma_semaphore, #tpu.memory_space<semaphore_mem>>)
      %dma_wait3A = arith.constant 0 : i32
      %dma_wait3A_95 = tpu.memref_slice %arg7[%add3A_19, %dma_wait3A] : memref<80x128xi32, #tpu.memory_space<vmem>> -> memref<1x128xi32, #tpu.memory_space<vmem>>
      %dma_wait3A_96 = tpu.memref_squeeze %dma_wait3A_95 : memref<1x128xi32, #tpu.memory_space<vmem>> -> memref<128xi32, #tpu.memory_space<vmem>>
      %dma_wait3A_97 = arith.constant 0 : i32
      %dma_wait3A_98 = arith.constant 0 : i32
      %dma_wait3A_99 = tpu.memref_slice %arg2[%dma_wait3A_97, %dma_wait3A_98] : memref<10000x32xf32, #tpu.memory_space<hbm>> -> memref<10000x32xf32, #tpu.memory_space<hbm>>
      tpu.wait_indirect_dma semaphore(%arg18 : memref<!tpu.dma_semaphore, #tpu.memory_space<semaphore_mem>>) src(%dma_wait3A_99 : memref<10000x32xf32, #tpu.memory_space<hbm>>) dst(%arg9 : memref<128x32xf32, #tpu.memory_space<vmem>>)
      %mul3A_100 = arith.constant 8 : i32
      %mul3A_101 = arith.muli %scan3A_15, %mul3A_100 : i32
      %add3A_102 = arith.constant 0 : i32
      %add3A_103 = arith.addi %mul3A_101, %add3A_102 : i32
      %dma_start3A_104 = arith.constant 0 : i32
      %dma_start3A_105 = tpu.memref_slice %arg8[%add3A_103, %dma_start3A_104] : memref<80x128xi32, #tpu.memory_space<vmem>> -> memref<1x128xi32, #tpu.memory_space<vmem>>
      %dma_start3A_106 = tpu.memref_squeeze %dma_start3A_105 : memref<1x128xi32, #tpu.memory_space<vmem>> -> memref<128xi32, #tpu.memory_space<vmem>>
      %dma_start3A_107 = arith.constant 0 : i32
      %dma_start3A_108 = arith.constant 0 : i32
      %dma_start3A_109 = tpu.memref_slice %arg17[%dma_start3A_107, %dma_start3A_108] : memref<10240x32xf32, #tpu.memory_space<vmem_shared>> -> memref<10240x32xf32, #tpu.memory_space<vmem_shared>>
      tpu.enqueue_indirect_dma source(%arg9 : memref<128x32xf32, #tpu.memory_space<vmem>>) target(%dma_start3A_109 : memref<10240x32xf32, #tpu.memory_space<vmem_shared>>) offsets(%dma_start3A_106 : memref<128xi32, #tpu.memory_space<vmem>>) semaphore(%arg26 : memref<!tpu.dma_semaphore, #tpu.memory_space<semaphore_mem>>) {add = true}
      %dma_wait3A_110 = arith.constant 0 : i32
      %dma_wait3A_111 = tpu.memref_slice %arg7[%add3A_28, %dma_wait3A_110] : memref<80x128xi32, #tpu.memory_space<vmem>> -> memref<1x128xi32, #tpu.memory_space<vmem>>
      %dma_wait3A_112 = tpu.memref_squeeze %dma_wait3A_111 : memref<1x128xi32, #tpu.memory_space<vmem>> -> memref<128xi32, #tpu.memory_space<vmem>>
      %dma_wait3A_113 = arith.constant 0 : i32
      %dma_wait3A_114 = arith.constant 0 : i32
      %dma_wait3A_115 = tpu.memref_slice %arg2[%dma_wait3A_113, %dma_wait3A_114] : memref<10000x32xf32, #tpu.memory_space<hbm>> -> memref<10000x32xf32, #tpu.memory_space<hbm>>
      tpu.wait_indirect_dma semaphore(%arg19 : memref<!tpu.dma_semaphore, #tpu.memory_space<semaphore_mem>>) src(%dma_wait3A_115 : memref<10000x32xf32, #tpu.memory_space<hbm>>) dst(%arg10 : memref<128x32xf32, #tpu.memory_space<vmem>>)
      %mul3A_116 = arith.constant 8 : i32
      %mul3A_117 = arith.muli %scan3A_15, %mul3A_116 : i32
      %add3A_118 = arith.constant 1 : i32
      %add3A_119 = arith.addi %mul3A_117, %add3A_118 : i32
      %dma_start3A_120 = arith.constant 0 : i32
      %dma_start3A_121 = tpu.memref_slice %arg8[%add3A_119, %dma_start3A_120] : memref<80x128xi32, #tpu.memory_space<vmem>> -> memref<1x128xi32, #tpu.memory_space<vmem>>
      %dma_start3A_122 = tpu.memref_squeeze %dma_start3A_121 : memref<1x128xi32, #tpu.memory_space<vmem>> -> memref<128xi32, #tpu.memory_space<vmem>>
      %dma_start3A_123 = arith.constant 0 : i32
      %dma_start3A_124 = arith.constant 0 : i32
      %dma_start3A_125 = tpu.memref_slice %arg17[%dma_start3A_123, %dma_start3A_124] : memref<10240x32xf32, #tpu.memory_space<vmem_shared>> -> memref<10240x32xf32, #tpu.memory_space<vmem_shared>>
      tpu.enqueue_indirect_dma source(%arg10 : memref<128x32xf32, #tpu.memory_space<vmem>>) target(%dma_start3A_125 : memref<10240x32xf32, #tpu.memory_space<vmem_shared>>) offsets(%dma_start3A_122 : memref<128xi32, #tpu.memory_space<vmem>>) semaphore(%arg27 : memref<!tpu.dma_semaphore, #tpu.memory_space<semaphore_mem>>) {add = true}
      %dma_wait3A_126 = arith.constant 0 : i32
      %dma_wait3A_127 = tpu.memref_slice %arg7[%add3A_38, %dma_wait3A_126] : memref<80x128xi32, #tpu.memory_space<vmem>> -> memref<1x128xi32, #tpu.memory_space<vmem>>
      %dma_wait3A_128 = tpu.memref_squeeze %dma_wait3A_127 : memref<1x128xi32, #tpu.memory_space<vmem>> -> memref<128xi32, #tpu.memory_space<vmem>>
      %dma_wait3A_129 = arith.constant 0 : i32
      %dma_wait3A_130 = arith.constant 0 : i32
      %dma_wait3A_131 = tpu.memref_slice %arg2[%dma_wait3A_129, %dma_wait3A_130] : memref<10000x32xf32, #tpu.memory_space<hbm>> -> memref<10000x32xf32, #tpu.memory_space<hbm>>
      tpu.wait_indirect_dma semaphore(%arg20 : memref<!tpu.dma_semaphore, #tpu.memory_space<semaphore_mem>>) src(%dma_wait3A_131 : memref<10000x32xf32, #tpu.memory_space<hbm>>) dst(%arg11 : memref<128x32xf32, #tpu.memory_space<vmem>>)
      %mul3A_132 = arith.constant 8 : i32
      %mul3A_133 = arith.muli %scan3A_15, %mul3A_132 : i32
      %add3A_134 = arith.constant 2 : i32
      %add3A_135 = arith.addi %mul3A_133, %add3A_134 : i32
      %dma_start3A_136 = arith.constant 0 : i32
      %dma_start3A_137 = tpu.memref_slice %arg8[%add3A_135, %dma_start3A_136] : memref<80x128xi32, #tpu.memory_space<vmem>> -> memref<1x128xi32, #tpu.memory_space<vmem>>
      %dma_start3A_138 = tpu.memref_squeeze %dma_start3A_137 : memref<1x128xi32, #tpu.memory_space<vmem>> -> memref<128xi32, #tpu.memory_space<vmem>>
      %dma_start3A_139 = arith.constant 0 : i32
      %dma_start3A_140 = arith.constant 0 : i32
      %dma_start3A_141 = tpu.memref_slice %arg17[%dma_start3A_139, %dma_start3A_140] : memref<10240x32xf32, #tpu.memory_space<vmem_shared>> -> memref<10240x32xf32, #tpu.memory_space<vmem_shared>>
      tpu.enqueue_indirect_dma source(%arg11 : memref<128x32xf32, #tpu.memory_space<vmem>>) target(%dma_start3A_141 : memref<10240x32xf32, #tpu.memory_space<vmem_shared>>) offsets(%dma_start3A_138 : memref<128xi32, #tpu.memory_space<vmem>>) semaphore(%arg28 : memref<!tpu.dma_semaphore, #tpu.memory_space<semaphore_mem>>) {add = true}
      %dma_wait3A_142 = arith.constant 0 : i32
      %dma_wait3A_143 = tpu.memref_slice %arg7[%add3A_48, %dma_wait3A_142] : memref<80x128xi32, #tpu.memory_space<vmem>> -> memref<1x128xi32, #tpu.memory_space<vmem>>
      %dma_wait3A_144 = tpu.memref_squeeze %dma_wait3A_143 : memref<1x128xi32, #tpu.memory_space<vmem>> -> memref<128xi32, #tpu.memory_space<vmem>>
      %dma_wait3A_145 = arith.constant 0 : i32
      %dma_wait3A_146 = arith.constant 0 : i32
      %dma_wait3A_147 = tpu.memref_slice %arg2[%dma_wait3A_145, %dma_wait3A_146] : memref<10000x32xf32, #tpu.memory_space<hbm>> -> memref<10000x32xf32, #tpu.memory_space<hbm>>
      tpu.wait_indirect_dma semaphore(%arg21 : memref<!tpu.dma_semaphore, #tpu.memory_space<semaphore_mem>>) src(%dma_wait3A_147 : memref<10000x32xf32, #tpu.memory_space<hbm>>) dst(%arg12 : memref<128x32xf32, #tpu.memory_space<vmem>>)
      %mul3A_148 = arith.constant 8 : i32
      %mul3A_149 = arith.muli %scan3A_15, %mul3A_148 : i32
      %add3A_150 = arith.constant 3 : i32
      %add3A_151 = arith.addi %mul3A_149, %add3A_150 : i32
      %dma_start3A_152 = arith.constant 0 : i32
      %dma_start3A_153 = tpu.memref_slice %arg8[%add3A_151, %dma_start3A_152] : memref<80x128xi32, #tpu.memory_space<vmem>> -> memref<1x128xi32, #tpu.memory_space<vmem>>
      %dma_start3A_154 = tpu.memref_squeeze %dma_start3A_153 : memref<1x128xi32, #tpu.memory_space<vmem>> -> memref<128xi32, #tpu.memory_space<vmem>>
      %dma_start3A_155 = arith.constant 0 : i32
      %dma_start3A_156 = arith.constant 0 : i32
      %dma_start3A_157 = tpu.memref_slice %arg17[%dma_start3A_155, %dma_start3A_156] : memref<10240x32xf32, #tpu.memory_space<vmem_shared>> -> memref<10240x32xf32, #tpu.memory_space<vmem_shared>>
      tpu.enqueue_indirect_dma source(%arg12 : memref<128x32xf32, #tpu.memory_space<vmem>>) target(%dma_start3A_157 : memref<10240x32xf32, #tpu.memory_space<vmem_shared>>) offsets(%dma_start3A_154 : memref<128xi32, #tpu.memory_space<vmem>>) semaphore(%arg29 : memref<!tpu.dma_semaphore, #tpu.memory_space<semaphore_mem>>) {add = true}
      %dma_wait3A_158 = arith.constant 0 : i32
      %dma_wait3A_159 = tpu.memref_slice %arg7[%add3A_58, %dma_wait3A_158] : memref<80x128xi32, #tpu.memory_space<vmem>> -> memref<1x128xi32, #tpu.memory_space<vmem>>
      %dma_wait3A_160 = tpu.memref_squeeze %dma_wait3A_159 : memref<1x128xi32, #tpu.memory_space<vmem>> -> memref<128xi32, #tpu.memory_space<vmem>>
      %dma_wait3A_161 = arith.constant 0 : i32
      %dma_wait3A_162 = arith.constant 0 : i32
      %dma_wait3A_163 = tpu.memref_slice %arg2[%dma_wait3A_161, %dma_wait3A_162] : memref<10000x32xf32, #tpu.memory_space<hbm>> -> memref<10000x32xf32, #tpu.memory_space<hbm>>
      tpu.wait_indirect_dma semaphore(%arg22 : memref<!tpu.dma_semaphore, #tpu.memory_space<semaphore_mem>>) src(%dma_wait3A_163 : memref<10000x32xf32, #tpu.memory_space<hbm>>) dst(%arg13 : memref<128x32xf32, #tpu.memory_space<vmem>>)
      %mul3A_164 = arith.constant 8 : i32
      %mul3A_165 = arith.muli %scan3A_15, %mul3A_164 : i32
      %add3A_166 = arith.constant 4 : i32
      %add3A_167 = arith.addi %mul3A_165, %add3A_166 : i32
      %dma_start3A_168 = arith.constant 0 : i32
      %dma_start3A_169 = tpu.memref_slice %arg8[%add3A_167, %dma_start3A_168] : memref<80x128xi32, #tpu.memory_space<vmem>> -> memref<1x128xi32, #tpu.memory_space<vmem>>
      %dma_start3A_170 = tpu.memref_squeeze %dma_start3A_169 : memref<1x128xi32, #tpu.memory_space<vmem>> -> memref<128xi32, #tpu.memory_space<vmem>>
      %dma_start3A_171 = arith.constant 0 : i32
      %dma_start3A_172 = arith.constant 0 : i32
      %dma_start3A_173 = tpu.memref_slice %arg17[%dma_start3A_171, %dma_start3A_172] : memref<10240x32xf32, #tpu.memory_space<vmem_shared>> -> memref<10240x32xf32, #tpu.memory_space<vmem_shared>>
      tpu.enqueue_indirect_dma source(%arg13 : memref<128x32xf32, #tpu.memory_space<vmem>>) target(%dma_start3A_173 : memref<10240x32xf32, #tpu.memory_space<vmem_shared>>) offsets(%dma_start3A_170 : memref<128xi32, #tpu.memory_space<vmem>>) semaphore(%arg30 : memref<!tpu.dma_semaphore, #tpu.memory_space<semaphore_mem>>) {add = true}
      %dma_wait3A_174 = arith.constant 0 : i32
      %dma_wait3A_175 = tpu.memref_slice %arg7[%add3A_68, %dma_wait3A_174] : memref<80x128xi32, #tpu.memory_space<vmem>> -> memref<1x128xi32, #tpu.memory_space<vmem>>
      %dma_wait3A_176 = tpu.memref_squeeze %dma_wait3A_175 : memref<1x128xi32, #tpu.memory_space<vmem>> -> memref<128xi32, #tpu.memory_space<vmem>>
      %dma_wait3A_177 = arith.constant 0 : i32
      %dma_wait3A_178 = arith.constant 0 : i32
      %dma_wait3A_179 = tpu.memref_slice %arg2[%dma_wait3A_177, %dma_wait3A_178] : memref<10000x32xf32, #tpu.memory_space<hbm>> -> memref<10000x32xf32, #tpu.memory_space<hbm>>
      tpu.wait_indirect_dma semaphore(%arg23 : memref<!tpu.dma_semaphore, #tpu.memory_space<semaphore_mem>>) src(%dma_wait3A_179 : memref<10000x32xf32, #tpu.memory_space<hbm>>) dst(%arg14 : memref<128x32xf32, #tpu.memory_space<vmem>>)
      %mul3A_180 = arith.constant 8 : i32
      %mul3A_181 = arith.muli %scan3A_15, %mul3A_180 : i32
      %add3A_182 = arith.constant 5 : i32
      %add3A_183 = arith.addi %mul3A_181, %add3A_182 : i32
      %dma_start3A_184 = arith.constant 0 : i32
      %dma_start3A_185 = tpu.memref_slice %arg8[%add3A_183, %dma_start3A_184] : memref<80x128xi32, #tpu.memory_space<vmem>> -> memref<1x128xi32, #tpu.memory_space<vmem>>
      %dma_start3A_186 = tpu.memref_squeeze %dma_start3A_185 : memref<1x128xi32, #tpu.memory_space<vmem>> -> memref<128xi32, #tpu.memory_space<vmem>>
      %dma_start3A_187 = arith.constant 0 : i32
      %dma_start3A_188 = arith.constant 0 : i32
      %dma_start3A_189 = tpu.memref_slice %arg17[%dma_start3A_187, %dma_start3A_188] : memref<10240x32xf32, #tpu.memory_space<vmem_shared>> -> memref<10240x32xf32, #tpu.memory_space<vmem_shared>>
      tpu.enqueue_indirect_dma source(%arg14 : memref<128x32xf32, #tpu.memory_space<vmem>>) target(%dma_start3A_189 : memref<10240x32xf32, #tpu.memory_space<vmem_shared>>) offsets(%dma_start3A_186 : memref<128xi32, #tpu.memory_space<vmem>>) semaphore(%arg31 : memref<!tpu.dma_semaphore, #tpu.memory_space<semaphore_mem>>) {add = true}
      %dma_wait3A_190 = arith.constant 0 : i32
      %dma_wait3A_191 = tpu.memref_slice %arg7[%add3A_78, %dma_wait3A_190] : memref<80x128xi32, #tpu.memory_space<vmem>> -> memref<1x128xi32, #tpu.memory_space<vmem>>
      %dma_wait3A_192 = tpu.memref_squeeze %dma_wait3A_191 : memref<1x128xi32, #tpu.memory_space<vmem>> -> memref<128xi32, #tpu.memory_space<vmem>>
      %dma_wait3A_193 = arith.constant 0 : i32
      %dma_wait3A_194 = arith.constant 0 : i32
      %dma_wait3A_195 = tpu.memref_slice %arg2[%dma_wait3A_193, %dma_wait3A_194] : memref<10000x32xf32, #tpu.memory_space<hbm>> -> memref<10000x32xf32, #tpu.memory_space<hbm>>
      tpu.wait_indirect_dma semaphore(%arg24 : memref<!tpu.dma_semaphore, #tpu.memory_space<semaphore_mem>>) src(%dma_wait3A_195 : memref<10000x32xf32, #tpu.memory_space<hbm>>) dst(%arg15 : memref<128x32xf32, #tpu.memory_space<vmem>>)
      %mul3A_196 = arith.constant 8 : i32
      %mul3A_197 = arith.muli %scan3A_15, %mul3A_196 : i32
      %add3A_198 = arith.constant 6 : i32
      %add3A_199 = arith.addi %mul3A_197, %add3A_198 : i32
      %dma_start3A_200 = arith.constant 0 : i32
      %dma_start3A_201 = tpu.memref_slice %arg8[%add3A_199, %dma_start3A_200] : memref<80x128xi32, #tpu.memory_space<vmem>> -> memref<1x128xi32, #tpu.memory_space<vmem>>
      %dma_start3A_202 = tpu.memref_squeeze %dma_start3A_201 : memref<1x128xi32, #tpu.memory_space<vmem>> -> memref<128xi32, #tpu.memory_space<vmem>>
      %dma_start3A_203 = arith.constant 0 : i32
      %dma_start3A_204 = arith.constant 0 : i32
      %dma_start3A_205 = tpu.memref_slice %arg17[%dma_start3A_203, %dma_start3A_204] : memref<10240x32xf32, #tpu.memory_space<vmem_shared>> -> memref<10240x32xf32, #tpu.memory_space<vmem_shared>>
      tpu.enqueue_indirect_dma source(%arg15 : memref<128x32xf32, #tpu.memory_space<vmem>>) target(%dma_start3A_205 : memref<10240x32xf32, #tpu.memory_space<vmem_shared>>) offsets(%dma_start3A_202 : memref<128xi32, #tpu.memory_space<vmem>>) semaphore(%arg32 : memref<!tpu.dma_semaphore, #tpu.memory_space<semaphore_mem>>) {add = true}
      %dma_wait3A_206 = arith.constant 0 : i32
      %dma_wait3A_207 = tpu.memref_slice %arg7[%add3A_88, %dma_wait3A_206] : memref<80x128xi32, #tpu.memory_space<vmem>> -> memref<1x128xi32, #tpu.memory_space<vmem>>
      %dma_wait3A_208 = tpu.memref_squeeze %dma_wait3A_207 : memref<1x128xi32, #tpu.memory_space<vmem>> -> memref<128xi32, #tpu.memory_space<vmem>>
      %dma_wait3A_209 = arith.constant 0 : i32
      %dma_wait3A_210 = arith.constant 0 : i32
      %dma_wait3A_211 = tpu.memref_slice %arg2[%dma_wait3A_209, %dma_wait3A_210] : memref<10000x32xf32, #tpu.memory_space<hbm>> -> memref<10000x32xf32, #tpu.memory_space<hbm>>
      tpu.wait_indirect_dma semaphore(%arg25 : memref<!tpu.dma_semaphore, #tpu.memory_space<semaphore_mem>>) src(%dma_wait3A_211 : memref<10000x32xf32, #tpu.memory_space<hbm>>) dst(%arg16 : memref<128x32xf32, #tpu.memory_space<vmem>>)
      %mul3A_212 = arith.constant 8 : i32
      %mul3A_213 = arith.muli %scan3A_15, %mul3A_212 : i32
      %add3A_214 = arith.constant 7 : i32
      %add3A_215 = arith.addi %mul3A_213, %add3A_214 : i32
      %dma_start3A_216 = arith.constant 0 : i32
      %dma_start3A_217 = tpu.memref_slice %arg8[%add3A_215, %dma_start3A_216] : memref<80x128xi32, #tpu.memory_space<vmem>> -> memref<1x128xi32, #tpu.memory_space<vmem>>
      %dma_start3A_218 = tpu.memref_squeeze %dma_start3A_217 : memref<1x128xi32, #tpu.memory_space<vmem>> -> memref<128xi32, #tpu.memory_space<vmem>>
      %dma_start3A_219 = arith.constant 0 : i32
      %dma_start3A_220 = arith.constant 0 : i32
      %dma_start3A_221 = tpu.memref_slice %arg17[%dma_start3A_219, %dma_start3A_220] : memref<10240x32xf32, #tpu.memory_space<vmem_shared>> -> memref<10240x32xf32, #tpu.memory_space<vmem_shared>>
      tpu.enqueue_indirect_dma source(%arg16 : memref<128x32xf32, #tpu.memory_space<vmem>>) target(%dma_start3A_221 : memref<10240x32xf32, #tpu.memory_space<vmem_shared>>) offsets(%dma_start3A_218 : memref<128xi32, #tpu.memory_space<vmem>>) semaphore(%arg33 : memref<!tpu.dma_semaphore, #tpu.memory_space<semaphore_mem>>) {add = true}
      %dma_wait3A_222 = arith.constant 0 : i32
      %dma_wait3A_223 = tpu.memref_slice %arg8[%add3A_103, %dma_wait3A_222] : memref<80x128xi32, #tpu.memory_space<vmem>> -> memref<1x128xi32, #tpu.memory_space<vmem>>
      %dma_wait3A_224 = tpu.memref_squeeze %dma_wait3A_223 : memref<1x128xi32, #tpu.memory_space<vmem>> -> memref<128xi32, #tpu.memory_space<vmem>>
      %dma_wait3A_225 = arith.constant 0 : i32
      %dma_wait3A_226 = arith.constant 0 : i32
      %dma_wait3A_227 = tpu.memref_slice %arg17[%dma_wait3A_225, %dma_wait3A_226] : memref<10240x32xf32, #tpu.memory_space<vmem_shared>> -> memref<10240x32xf32, #tpu.memory_space<vmem_shared>>
      tpu.wait_indirect_dma semaphore(%arg26 : memref<!tpu.dma_semaphore, #tpu.memory_space<semaphore_mem>>) src(%arg9 : memref<128x32xf32, #tpu.memory_space<vmem>>) dst(%dma_wait3A_227 : memref<10240x32xf32, #tpu.memory_space<vmem_shared>>)
      %dma_wait3A_228 = arith.constant 0 : i32
      %dma_wait3A_229 = tpu.memref_slice %arg8[%add3A_119, %dma_wait3A_228] : memref<80x128xi32, #tpu.memory_space<vmem>> -> memref<1x128xi32, #tpu.memory_space<vmem>>
      %dma_wait3A_230 = tpu.memref_squeeze %dma_wait3A_229 : memref<1x128xi32, #tpu.memory_space<vmem>> -> memref<128xi32, #tpu.memory_space<vmem>>
      %dma_wait3A_231 = arith.constant 0 : i32
      %dma_wait3A_232 = arith.constant 0 : i32
      %dma_wait3A_233 = tpu.memref_slice %arg17[%dma_wait3A_231, %dma_wait3A_232] : memref<10240x32xf32, #tpu.memory_space<vmem_shared>> -> memref<10240x32xf32, #tpu.memory_space<vmem_shared>>
      tpu.wait_indirect_dma semaphore(%arg27 : memref<!tpu.dma_semaphore, #tpu.memory_space<semaphore_mem>>) src(%arg10 : memref<128x32xf32, #tpu.memory_space<vmem>>) dst(%dma_wait3A_233 : memref<10240x32xf32, #tpu.memory_space<vmem_shared>>)
      %dma_wait3A_234 = arith.constant 0 : i32
      %dma_wait3A_235 = tpu.memref_slice %arg8[%add3A_135, %dma_wait3A_234] : memref<80x128xi32, #tpu.memory_space<vmem>> -> memref<1x128xi32, #tpu.memory_space<vmem>>
      %dma_wait3A_236 = tpu.memref_squeeze %dma_wait3A_235 : memref<1x128xi32, #tpu.memory_space<vmem>> -> memref<128xi32, #tpu.memory_space<vmem>>
      %dma_wait3A_237 = arith.constant 0 : i32
      %dma_wait3A_238 = arith.constant 0 : i32
      %dma_wait3A_239 = tpu.memref_slice %arg17[%dma_wait3A_237, %dma_wait3A_238] : memref<10240x32xf32, #tpu.memory_space<vmem_shared>> -> memref<10240x32xf32, #tpu.memory_space<vmem_shared>>
      tpu.wait_indirect_dma semaphore(%arg28 : memref<!tpu.dma_semaphore, #tpu.memory_space<semaphore_mem>>) src(%arg11 : memref<128x32xf32, #tpu.memory_space<vmem>>) dst(%dma_wait3A_239 : memref<10240x32xf32, #tpu.memory_space<vmem_shared>>)
      %dma_wait3A_240 = arith.constant 0 : i32
      %dma_wait3A_241 = tpu.memref_slice %arg8[%add3A_151, %dma_wait3A_240] : memref<80x128xi32, #tpu.memory_space<vmem>> -> memref<1x128xi32, #tpu.memory_space<vmem>>
      %dma_wait3A_242 = tpu.memref_squeeze %dma_wait3A_241 : memref<1x128xi32, #tpu.memory_space<vmem>> -> memref<128xi32, #tpu.memory_space<vmem>>
      %dma_wait3A_243 = arith.constant 0 : i32
      %dma_wait3A_244 = arith.constant 0 : i32
      %dma_wait3A_245 = tpu.memref_slice %arg17[%dma_wait3A_243, %dma_wait3A_244] : memref<10240x32xf32, #tpu.memory_space<vmem_shared>> -> memref<10240x32xf32, #tpu.memory_space<vmem_shared>>
      tpu.wait_indirect_dma semaphore(%arg29 : memref<!tpu.dma_semaphore, #tpu.memory_space<semaphore_mem>>) src(%arg12 : memref<128x32xf32, #tpu.memory_space<vmem>>) dst(%dma_wait3A_245 : memref<10240x32xf32, #tpu.memory_space<vmem_shared>>)
      %dma_wait3A_246 = arith.constant 0 : i32
      %dma_wait3A_247 = tpu.memref_slice %arg8[%add3A_167, %dma_wait3A_246] : memref<80x128xi32, #tpu.memory_space<vmem>> -> memref<1x128xi32, #tpu.memory_space<vmem>>
      %dma_wait3A_248 = tpu.memref_squeeze %dma_wait3A_247 : memref<1x128xi32, #tpu.memory_space<vmem>> -> memref<128xi32, #tpu.memory_space<vmem>>
      %dma_wait3A_249 = arith.constant 0 : i32
      %dma_wait3A_250 = arith.constant 0 : i32
      %dma_wait3A_251 = tpu.memref_slice %arg17[%dma_wait3A_249, %dma_wait3A_250] : memref<10240x32xf32, #tpu.memory_space<vmem_shared>> -> memref<10240x32xf32, #tpu.memory_space<vmem_shared>>
      tpu.wait_indirect_dma semaphore(%arg30 : memref<!tpu.dma_semaphore, #tpu.memory_space<semaphore_mem>>) src(%arg13 : memref<128x32xf32, #tpu.memory_space<vmem>>) dst(%dma_wait3A_251 : memref<10240x32xf32, #tpu.memory_space<vmem_shared>>)
      %dma_wait3A_252 = arith.constant 0 : i32
      %dma_wait3A_253 = tpu.memref_slice %arg8[%add3A_183, %dma_wait3A_252] : memref<80x128xi32, #tpu.memory_space<vmem>> -> memref<1x128xi32, #tpu.memory_space<vmem>>
      %dma_wait3A_254 = tpu.memref_squeeze %dma_wait3A_253 : memref<1x128xi32, #tpu.memory_space<vmem>> -> memref<128xi32, #tpu.memory_space<vmem>>
      %dma_wait3A_255 = arith.constant 0 : i32
      %dma_wait3A_256 = arith.constant 0 : i32
      %dma_wait3A_257 = tpu.memref_slice %arg17[%dma_wait3A_255, %dma_wait3A_256] : memref<10240x32xf32, #tpu.memory_space<vmem_shared>> -> memref<10240x32xf32, #tpu.memory_space<vmem_shared>>
      tpu.wait_indirect_dma semaphore(%arg31 : memref<!tpu.dma_semaphore, #tpu.memory_space<semaphore_mem>>) src(%arg14 : memref<128x32xf32, #tpu.memory_space<vmem>>) dst(%dma_wait3A_257 : memref<10240x32xf32, #tpu.memory_space<vmem_shared>>)
      %dma_wait3A_258 = arith.constant 0 : i32
      %dma_wait3A_259 = tpu.memref_slice %arg8[%add3A_199, %dma_wait3A_258] : memref<80x128xi32, #tpu.memory_space<vmem>> -> memref<1x128xi32, #tpu.memory_space<vmem>>
      %dma_wait3A_260 = tpu.memref_squeeze %dma_wait3A_259 : memref<1x128xi32, #tpu.memory_space<vmem>> -> memref<128xi32, #tpu.memory_space<vmem>>
      %dma_wait3A_261 = arith.constant 0 : i32
      %dma_wait3A_262 = arith.constant 0 : i32
      %dma_wait3A_263 = tpu.memref_slice %arg17[%dma_wait3A_261, %dma_wait3A_262] : memref<10240x32xf32, #tpu.memory_space<vmem_shared>> -> memref<10240x32xf32, #tpu.memory_space<vmem_shared>>
      tpu.wait_indirect_dma semaphore(%arg32 : memref<!tpu.dma_semaphore, #tpu.memory_space<semaphore_mem>>) src(%arg15 : memref<128x32xf32, #tpu.memory_space<vmem>>) dst(%dma_wait3A_263 : memref<10240x32xf32, #tpu.memory_space<vmem_shared>>)
      %dma_wait3A_264 = arith.constant 0 : i32
      %dma_wait3A_265 = tpu.memref_slice %arg8[%add3A_215, %dma_wait3A_264] : memref<80x128xi32, #tpu.memory_space<vmem>> -> memref<1x128xi32, #tpu.memory_space<vmem>>
      %dma_wait3A_266 = tpu.memref_squeeze %dma_wait3A_265 : memref<1x128xi32, #tpu.memory_space<vmem>> -> memref<128xi32, #tpu.memory_space<vmem>>
      %dma_wait3A_267 = arith.constant 0 : i32
      %dma_wait3A_268 = arith.constant 0 : i32
      %dma_wait3A_269 = tpu.memref_slice %arg17[%dma_wait3A_267, %dma_wait3A_268] : memref<10240x32xf32, #tpu.memory_space<vmem_shared>> -> memref<10240x32xf32, #tpu.memory_space<vmem_shared>>
      tpu.wait_indirect_dma semaphore(%arg33 : memref<!tpu.dma_semaphore, #tpu.memory_space<semaphore_mem>>) src(%arg16 : memref<128x32xf32, #tpu.memory_space<vmem>>) dst(%dma_wait3A_269 : memref<10240x32xf32, #tpu.memory_space<vmem_shared>>)
    }
    %scan3A_9 = arith.constant 10 : i32
    %barrier3A_10 = arith.constant 0 : index
    tpu.barrier barrier_id(%barrier3A_10)
    %mul3A_11 = arith.constant 640 : i32
    %mul3A_12 = arith.muli %arg1, %mul3A_11 : i32
    %mul3A_13 = arith.constant 640 : i32
    %mul3A_14 = arith.muli %arg1, %mul3A_13 : i32
    "tpu.region"() ({
      %run_scoped3A = tpu.sem_alloc : memref<!tpu.dma_semaphore, #tpu.memory_space<semaphore_mem>>
      %dma_start3A = arith.constant 0 : i32
      %dma_start3A_15 = tpu.memref_slice %arg6[%arg0, %mul3A_14, %dma_start3A] : memref<2x10240x32xf32, #tpu.memory_space<hbm>> -> memref<1x640x32xf32, #tpu.memory_space<hbm>>
      %dma_start3A_16 = tpu.memref_squeeze %dma_start3A_15 : memref<1x640x32xf32, #tpu.memory_space<hbm>> -> memref<640x32xf32, #tpu.memory_space<hbm>>
      %dma_start3A_17 = arith.constant 0 : i32
      %dma_start3A_18 = tpu.memref_slice %arg17[%mul3A_12, %dma_start3A_17] : memref<10240x32xf32, #tpu.memory_space<vmem_shared>> -> memref<640x32xf32, #tpu.memory_space<vmem_shared>>
      tpu.enqueue_dma source(%dma_start3A_18 : memref<640x32xf32, #tpu.memory_space<vmem_shared>>) target(%dma_start3A_16 : memref<640x32xf32, #tpu.memory_space<hbm>>) target_semaphore(%run_scoped3A : memref<!tpu.dma_semaphore, #tpu.memory_space<semaphore_mem>>)
      %dma_wait3A = arith.constant 0 : i32
      %dma_wait3A_19 = tpu.memref_slice %arg6[%arg0, %mul3A_14, %dma_wait3A] : memref<2x10240x32xf32, #tpu.memory_space<hbm>> -> memref<1x640x32xf32, #tpu.memory_space<hbm>>
      %dma_wait3A_20 = tpu.memref_squeeze %dma_wait3A_19 : memref<1x640x32xf32, #tpu.memory_space<hbm>> -> memref<640x32xf32, #tpu.memory_space<hbm>>
      %dma_wait3A_21 = arith.constant 0 : i32
      %dma_wait3A_22 = tpu.memref_slice %arg17[%mul3A_12, %dma_wait3A_21] : memref<10240x32xf32, #tpu.memory_space<vmem_shared>> -> memref<640x32xf32, #tpu.memory_space<vmem_shared>>
      tpu.wait_dma2 semaphore(%run_scoped3A : memref<!tpu.dma_semaphore, #tpu.memory_space<semaphore_mem>>) src(%dma_wait3A_22 : memref<640x32xf32, #tpu.memory_space<vmem_shared>>) dst(%dma_wait3A_20 : memref<640x32xf32, #tpu.memory_space<hbm>>)
      tpu.yield
    }) : () -> ()
    return
  }
}

module attributes {stable_mosaic.version = 14 : i64} {
  func.func @_dinv_body(%arg0: memref<80x128xf32, #tpu.memory_space<vmem>>, %arg1: memref<80x128xf32, #tpu.memory_space<vmem>>, %arg2: memref<80x128xf32, #tpu.memory_space<vmem>>) attributes {dimension_semantics = [], scalar_prefetch = 0 : i64, scratch_operands = 0 : i64, tpu.core_type = #tpu.core_type<tc>} {
    %get3A = arith.constant 0 : index
    %get3A_0 = arith.constant 0 : index
    %get3A_1 = vector.load %arg0[%get3A, %get3A_0] : memref<80x128xf32, #tpu.memory_space<vmem>>, vector<80x128xf32>
    %get3A_2 = arith.constant 0 : index
    %get3A_3 = arith.constant 0 : index
    %get3A_4 = vector.load %arg1[%get3A_2, %get3A_3] : memref<80x128xf32, #tpu.memory_space<vmem>>, vector<80x128xf32>
    %add3A = arith.addf %get3A_1, %get3A_4 : vector<80x128xf32>
    %add3A_5 = arith.constant 1.000000e+00 : f32
    %add3A_6 = vector.broadcast %add3A_5 : f32 to vector<80x128xf32>
    %add3A_7 = arith.addf %add3A, %add3A_6 : vector<80x128xf32>
    %rsqrt3A = math.rsqrt %add3A_7 : vector<80x128xf32>
    %swap3A = arith.constant 0 : index
    %swap3A_8 = arith.constant 0 : index
    %swap3A_9 = vector.load %arg2[%swap3A, %swap3A_8] : memref<80x128xf32, #tpu.memory_space<vmem>>, vector<80x128xf32>
    tpu.vector_store %arg2[%swap3A, %swap3A_8], %rsqrt3A {strides = array<i32>} : memref<80x128xf32, #tpu.memory_space<vmem>>, vector<80x128xf32>,
    return
  }
}

module attributes {stable_mosaic.version = 14 : i64} {
  func.func @_dense1_body(%arg0: memref<10000x128xf32, #tpu.memory_space<vmem>>, %arg1: memref<128x32xf32, #tpu.memory_space<vmem>>, %arg2: memref<10000x1xf32, #tpu.memory_space<vmem>>, %arg3: memref<10000x32xf32, #tpu.memory_space<vmem>>) attributes {dimension_semantics = [], scalar_prefetch = 0 : i64, scratch_operands = 0 : i64, tpu.core_type = #tpu.core_type<tc>} {
    %get3A = arith.constant 0 : index
    %get3A_0 = arith.constant 0 : index
    %get3A_1 = vector.load %arg0[%get3A, %get3A_0] : memref<10000x128xf32, #tpu.memory_space<vmem>>, vector<10000x128xf32>
    %get3A_2 = arith.constant 0 : index
    %get3A_3 = arith.constant 0 : index
    %get3A_4 = vector.load %arg1[%get3A_2, %get3A_3] : memref<128x32xf32, #tpu.memory_space<vmem>>, vector<128x32xf32>
    %dot_general3A = arith.constant dense<0.000000e+00> : vector<10000x32xf32>
    %dot_general3A_5 = tpu.matmul %get3A_1, %get3A_4, %dot_general3A {dimension_numbers = #tpu.dot_dimension_numbers<[1], [0], [0], [1], [0, 0, 1, 1], [], []>, transpose_lhs_hint = false} : vector<10000x128xf32>, vector<128x32xf32>, vector<10000x32xf32> -> vector<10000x32xf32>
    %get3A_6 = arith.constant 0 : index
    %get3A_7 = arith.constant 0 : index
    %get3A_8 = vector.load %arg2[%get3A_6, %get3A_7] : memref<10000x1xf32, #tpu.memory_space<vmem>>, vector<10000x1xf32>
    %mul3A = vector.broadcast %get3A_8 : vector<10000x1xf32> to vector<10000x32xf32>
    %mul3A_9 = arith.mulf %mul3A, %dot_general3A_5 : vector<10000x32xf32>
    %swap3A = arith.constant 0 : index
    %swap3A_10 = arith.constant 0 : index
    %swap3A_11 = vector.load %arg3[%swap3A, %swap3A_10] : memref<10000x32xf32, #tpu.memory_space<vmem>>, vector<10000x32xf32>
    tpu.vector_store %arg3[%swap3A, %swap3A_10], %mul3A_9 {strides = array<i32>} : memref<10000x32xf32, #tpu.memory_space<vmem>>, vector<10000x32xf32>,
    return
  }
}

module attributes {stable_mosaic.version = 14 : i64} {
  func.func @_combine_body(%arg0: memref<2x2560x128xf32, #tpu.memory_space<vmem>>, %arg1: memref<2500x128xf32, #tpu.memory_space<vmem>>, %arg2: memref<2500x128xf32, #tpu.memory_space<vmem>>, %arg3: memref<1x128xf32, #tpu.memory_space<vmem>>, %arg4: memref<128x128xf32, #tpu.memory_space<vmem>>, %arg5: memref<2500x128xf32, #tpu.memory_space<vmem>>) attributes {dimension_semantics = [], scalar_prefetch = 0 : i64, scratch_operands = 0 : i64, tpu.core_type = #tpu.core_type<tc>} {
    %get3A = arith.constant 0 : index
    %get3A_0 = arith.constant 0 : index
    %get3A_1 = arith.constant 0 : index
    %get3A_2 = vector.load %arg0[%get3A, %get3A_0, %get3A_1] : memref<2x2560x128xf32, #tpu.memory_space<vmem>>, vector<1x2500x128xf32>
    %get3A_3 = vector.shape_cast %get3A_2 : vector<1x2500x128xf32> to vector<2500x128xf32>
    %get3A_4 = arith.constant 1 : index
    %get3A_5 = arith.constant 0 : index
    %get3A_6 = arith.constant 0 : index
    %get3A_7 = vector.load %arg0[%get3A_4, %get3A_5, %get3A_6] : memref<2x2560x128xf32, #tpu.memory_space<vmem>>, vector<1x2500x128xf32>
    %get3A_8 = vector.shape_cast %get3A_7 : vector<1x2500x128xf32> to vector<2500x128xf32>
    %add3A = arith.addf %get3A_3, %get3A_8 : vector<2500x128xf32>
    %get3A_9 = arith.constant 0 : index
    %get3A_10 = arith.constant 0 : index
    %get3A_11 = vector.load %arg1[%get3A_9, %get3A_10] : memref<2500x128xf32, #tpu.memory_space<vmem>>, vector<2500x128xf32>
    %add3A_12 = arith.addf %add3A, %get3A_11 : vector<2500x128xf32>
    %get3A_13 = arith.constant 0 : index
    %get3A_14 = arith.constant 0 : index
    %get3A_15 = vector.load %arg2[%get3A_13, %get3A_14] : memref<2500x128xf32, #tpu.memory_space<vmem>>, vector<2500x128xf32>
    %mul3A = arith.mulf %get3A_15, %add3A_12 : vector<2500x128xf32>
    %get3A_16 = arith.constant 0 : index
    %get3A_17 = arith.constant 0 : index
    %get3A_18 = vector.load %arg3[%get3A_16, %get3A_17] : memref<1x128xf32, #tpu.memory_space<vmem>>, vector<1x128xf32>
    %add3A_19 = vector.broadcast %get3A_18 : vector<1x128xf32> to vector<2500x128xf32>
    %add3A_20 = arith.addf %mul3A, %add3A_19 : vector<2500x128xf32>
    %max3A = arith.constant 0.000000e+00 : f32
    %max3A_21 = vector.broadcast %max3A : f32 to vector<2500x128xf32>
    %max3A_22 = arith.maximumf %add3A_20, %max3A_21 : vector<2500x128xf32>
    %get3A_23 = arith.constant 0 : index
    %get3A_24 = arith.constant 0 : index
    %get3A_25 = vector.load %arg2[%get3A_23, %get3A_24] : memref<2500x128xf32, #tpu.memory_space<vmem>>, vector<2500x128xf32>
    %get3A_26 = arith.constant 0 : index
    %get3A_27 = arith.constant 0 : index
    %get3A_28 = vector.load %arg4[%get3A_26, %get3A_27] : memref<128x128xf32, #tpu.memory_space<vmem>>, vector<128x128xf32>
    %dot_general3A = arith.constant dense<0.000000e+00> : vector<2500x128xf32>
    %dot_general3A_29 = tpu.matmul %max3A_22, %get3A_28, %dot_general3A {dimension_numbers = #tpu.dot_dimension_numbers<[1], [0], [0], [1], [0, 0, 1, 1], [], []>, transpose_lhs_hint = false} : vector<2500x128xf32>, vector<128x128xf32>, vector<2500x128xf32> -> vector<2500x128xf32>
    %mul3A_30 = arith.mulf %get3A_25, %dot_general3A_29 : vector<2500x128xf32>
    %swap3A = arith.constant 0 : index
    %swap3A_31 = arith.constant 0 : index
    %swap3A_32 = vector.load %arg5[%swap3A, %swap3A_31] : memref<2500x128xf32, #tpu.memory_space<vmem>>, vector<2500x128xf32>
    tpu.vector_store %arg5[%swap3A, %swap3A_31], %mul3A_30 {strides = array<i32>} : memref<2500x128xf32, #tpu.memory_space<vmem>>, vector<2500x128xf32>,
    return
  }
}

module attributes {stable_mosaic.version = 14 : i64} {
  func.func @_final_body(%arg0: memref<2x10240x32xf32, #tpu.memory_space<vmem>>, %arg1: memref<10000x32xf32, #tpu.memory_space<vmem>>, %arg2: memref<10000x1xf32, #tpu.memory_space<vmem>>, %arg3: memref<1x32xf32, #tpu.memory_space<vmem>>, %arg4: memref<10000x32xf32, #tpu.memory_space<vmem>>) attributes {dimension_semantics = [], scalar_prefetch = 0 : i64, scratch_operands = 0 : i64, tpu.core_type = #tpu.core_type<tc>} {
    %get3A = arith.constant 0 : index
    %get3A_0 = arith.constant 0 : index
    %get3A_1 = vector.load %arg2[%get3A, %get3A_0] : memref<10000x1xf32, #tpu.memory_space<vmem>>, vector<10000x1xf32>
    %get3A_2 = arith.constant 0 : index
    %get3A_3 = arith.constant 0 : index
    %get3A_4 = arith.constant 0 : index
    %get3A_5 = vector.load %arg0[%get3A_2, %get3A_3, %get3A_4] : memref<2x10240x32xf32, #tpu.memory_space<vmem>>, vector<1x10000x32xf32>
    %get3A_6 = vector.shape_cast %get3A_5 : vector<1x10000x32xf32> to vector<10000x32xf32>
    %get3A_7 = arith.constant 1 : index
    %get3A_8 = arith.constant 0 : index
    %get3A_9 = arith.constant 0 : index
    %get3A_10 = vector.load %arg0[%get3A_7, %get3A_8, %get3A_9] : memref<2x10240x32xf32, #tpu.memory_space<vmem>>, vector<1x10000x32xf32>
    %get3A_11 = vector.shape_cast %get3A_10 : vector<1x10000x32xf32> to vector<10000x32xf32>
    %add3A = arith.addf %get3A_6, %get3A_11 : vector<10000x32xf32>
    %get3A_12 = arith.constant 0 : index
    %get3A_13 = arith.constant 0 : index
    %get3A_14 = vector.load %arg1[%get3A_12, %get3A_13] : memref<10000x32xf32, #tpu.memory_space<vmem>>, vector<10000x32xf32>
    %add3A_15 = arith.addf %add3A, %get3A_14 : vector<10000x32xf32>
    %mul3A = vector.broadcast %get3A_1 : vector<10000x1xf32> to vector<10000x32xf32>
    %mul3A_16 = arith.mulf %mul3A, %add3A_15 : vector<10000x32xf32>
    %get3A_17 = arith.constant 0 : index
    %get3A_18 = arith.constant 0 : index
    %get3A_19 = vector.load %arg3[%get3A_17, %get3A_18] : memref<1x32xf32, #tpu.memory_space<vmem>>, vector<1x32xf32>
    %add3A_20 = vector.broadcast %get3A_19 : vector<1x32xf32> to vector<10000x32xf32>
    %add3A_21 = arith.addf %mul3A_16, %add3A_20 : vector<10000x32xf32>
    %reduce_max3A = arith.constant dense<0xFF800000> : vector<10000xf32>
    %reduce_max3A_22 = vector.multi_reduction <maximumf>, %add3A_21, %reduce_max3A [1] : vector<10000x32xf32> to vector<10000xf32>
    %broadcast_in_dim3A = vector.shape_cast %reduce_max3A_22 : vector<10000xf32> to vector<10000x1xf32>
    %sub3A = vector.broadcast %broadcast_in_dim3A : vector<10000x1xf32> to vector<10000x32xf32>
    %sub3A_23 = arith.subf %add3A_21, %sub3A : vector<10000x32xf32>
    %exp3A = math.exp %sub3A_23 : vector<10000x32xf32>
    %reduce_sum3A = arith.constant dense<0.000000e+00> : vector<10000xf32>
    %reduce_sum3A_24 = vector.multi_reduction <add>, %exp3A, %reduce_sum3A [1] : vector<10000x32xf32> to vector<10000xf32>
    %broadcast_in_dim3A_25 = vector.shape_cast %reduce_sum3A_24 : vector<10000xf32> to vector<10000x1xf32>
    %log3A = math.log %broadcast_in_dim3A_25 : vector<10000x1xf32>
    %add3A_26 = arith.addf %log3A, %broadcast_in_dim3A : vector<10000x1xf32>
    %sub3A_27 = vector.broadcast %add3A_26 : vector<10000x1xf32> to vector<10000x32xf32>
    %sub3A_28 = arith.subf %add3A_21, %sub3A_27 : vector<10000x32xf32>
    %swap3A = arith.constant 0 : index
    %swap3A_29 = arith.constant 0 : index
    %swap3A_30 = vector.load %arg4[%swap3A, %swap3A_29] : memref<10000x32xf32, #tpu.memory_space<vmem>>, vector<10000x32xf32>
    tpu.vector_store %arg4[%swap3A, %swap3A_29], %sub3A_28 {strides = array<i32>} : memref<10000x32xf32, #tpu.memory_space<vmem>>, vector<10000x32xf32>,
    return
  }
}

</mosaic_0001>

<sc_bundles>
// kernel: kernel.11.cloned.1.call-start
scs
__scs_entry_jumppad:
0x0: {  	(pc) =	sbr.rel $0x88, $3  }
0x1: {  	(tag) =	ssettag $0x0;
	lr =	simm.s32 $0x1  }
0x2: {  	[smem:$0x3F99] =	sst lr;
	_ =	strace $0xD0000000  }
0x3: {  	_ = 	snop  }
0x4: {  	_ = 	snop  }
0x5: {  	_ = 	snop  }
0x6: {  	_ = 	snop  }
0x7: {  	_ = 	snop  }
__scs_overlays_trampoline_lowered:
0x8: {  	[smem:$0x3FA8] =	sst s0  }
0x9: {  	[smem:$0x3FA9] =	sst s1  }
0xa: {  	[smem:$0x3FAA] =	sst s2  }
0xb: {  	[smem:$0x3FAB] =	sst s3  }
0xc: {  	[smem:$0x3FAC] =	sst s4  }
0xd: {  	[smem:$0x3FAD] =	sst s5  }
0xe: {  	[smem:$0x3FAE] =	sst s6  }
0xf: {  	[smem:$0x3FAF] =	sst s7  }
0x10: {  	[smem:$0x3FB0] =	sst s8  }
0x11: {  	[smem:$0x3FB1] =	sst s9;
	s0 =	simm.s32 @!p0 $0x0  }
0x12: {  	s1 =	sld [smem:$0x3F97];
	s0 =	simm.s32 @p0 $0x1  }
0x13: {  	[smem:$0x3FB2] =	sst s0;
	s0 =	simm.s32 @!p1 $0x0  }
0x14: {  	s2 =	sld [smem:$0x3F96];
	s0 =	simm.s32 @p1 $0x1  }
0x15: {  	[smem:$0x3FB3] =	sst s0;
	s0 =	simm.s32 @!p2 $0x0  }
0x16: {  	s3 =	sld [smem:$0x3FDB];
	s0 =	simm.s32 @p2 $0x1  }
0x17: {  	s4 =	simm.s32 $0x1BF5;
	[smem:$0x3FB5] =	sst s0  }
0x18: {  	s0 =	sld [smem:$0x3F98];
	_ =	swait.ge [sflag:s4], $0x0  }
0x19: {  	s7 =	sld [smem:$0x3F99]  }
0x1a: {  	s8 =	sadd.s32 $0xFFFFE003, lr  }
0x1b: {  	s9 =	sadd.s32 $0xFFFFFEF7, lr;
	s5 =	simm.s32 $0xFFFFFFFF;
	p2 =	slt.u32 s8, $0xFFFFF086  }
0x1c: {  	p1 =	slt.u32 s9, $0xF7A;
	s5 =	simm.s32 @!p2 $0x0  }
0x1d: {  	s5 =	simm.s32 @p1 $0x1;
	p0 =	seq.s32 s7, s2  }
0x1e: {  	s7 =	smul.u32 @!p0 $0xF7A, s2;
	p2 =	seq.s32 @!p0 s5, $0x0  }
0x1f: {  	s9 =	smul.u32 $0xF7A, s1;
	s8 =	simm.s32 @!p0 $0x1BF5;
	p2 =	por !p2, p0  }
0x20: {  	[sflag:s8] =	ssyncset.s32 @!p0 $0xFFFFF086;
	s6 =	sadd.s32 @!p0 s3, s7;
	s7 =	simm.s32 @!p0 $0x108  }
0x21: {  	s3 =	sadd.s32 s3, s9;
	s6 =	sadd.s32 @!p0 $0x88, s6;
	s7 =	simm.s32 @p2 $0x1082  }
0x22: {  	[simem:s7], [sflag:s8] =	dma.local @!p0 [hbm:s6], $0xF7A  }
0x23: {  	s9 =	sor.u32 $0xD0000000, s2;
	s6 =	simm.s32 $0x108;
	_ =	swait.ge @!p0 [sflag:s8], $0x0  }
0x24: {  	s3 =	sadd.s32 $0x88, s3;
	s6 =	simm.s32 @!p1 $0x1082;
	[sflag:s4] =	ssyncset.s32 $0xFFFFF086  }
0x25: {  	[simem:s6], [sflag:s4] =	dma.local [hbm:s3], $0xF7A  }
0x26: {  	[smem:$0x3F99] =	sst s1;
	(tag) =	ssettag s2;
	_ =	strace s9  }
0x27: {  	s1 =	sld [smem:$0x3FA9]  }
0x28: {  	s2 =	sld [smem:$0x3FAA]  }
0x29: {  	s4 =	sld [smem:$0x3FAC]  }
0x2a: {  	p0 =	seq.s32 s5, $0x0;
	s5 =	sld [smem:$0x3FAD]  }
0x2b: {  	s6 =	sld [smem:$0x3FAE]  }
0x2c: {  	s7 =	sld [smem:$0x3FAF]  }
0x2d: {  	s3 =	simm.s32 $0x108;
	s8 =	sld [smem:$0x3FB0]  }
0x2e: {  	s3 =	simm.s32 @!p0 $0x1082;
	s9 =	sld [smem:$0x3FB1]  }
0x2f: {  	lr =	sadd.s32 s0, s3;
	s0 =	sld [smem:$0x3FA8]  }
0x30: {  	s3 =	sld [smem:$0x3FAB]  }
0x31: {  	[smem:$0x3FB4] =	sst s10  }
0x32: {  	s10 =	sld [smem:$0x3FB2];
	_ =	sdelay $0x3  }
0x33: {  	p0 =	seq.s32 s10, $0x1;
	s10 =	sld [smem:$0x3FB4];
	_ =	sdelay $0x3  }
0x34: {  	[smem:$0x3FB4] =	sst s10  }
0x35: {  	s10 =	sld [smem:$0x3FB3];
	_ =	sdelay $0x3  }
0x36: {  	p1 =	seq.s32 s10, $0x1;
	s10 =	sld [smem:$0x3FB4];
	_ =	sdelay $0x3  }
0x37: {  	[smem:$0x3FB4] =	sst s10  }
0x38: {  	s10 =	sld [smem:$0x3FB5]  }
0x39: {  	_ = 	snop;
	(pc) =	sbr.ind lr, $3  }
0x3a: {  	_ = 	snop  }
0x3b: {  	_ = 	snop  }
0x3c: {  	p2 =	seq.s32 s10, $0x1;
	s10 =	sld [smem:$0x3FB4]  }
0x3d: {  	_ =	shalt  }
0x3e: {  	_ =	shalt  }
0x3f: {  	_ =	shalt  }
0x40: {  	_ =	shalt  }
0x41: {  	_ =	shalt  }
0x42: {  	_ =	shalt  }
0x43: {  	_ =	shalt  }
0x44: {  	_ =	shalt  }
0x45: {  	_ =	shalt  }
0x46: {  	_ =	shalt  }
0x47: {  	_ =	shalt  }
0x48: {  	_ =	shalt  }
0x49: {  	_ =	shalt  }
0x4a: {  	_ =	shalt  }
0x4b: {  	_ =	shalt  }
0x4c: {  	_ =	shalt  }
0x4d: {  	_ =	shalt  }
0x4e: {  	_ =	shalt  }
0x4f: {  	_ =	shalt  }
0x50: {  	_ =	shalt  }
0x51: {  	_ =	shalt  }
0x52: {  	_ =	shalt  }
0x53: {  	_ =	shalt  }
0x54: {  	_ =	shalt  }
0x55: {  	_ =	shalt  }
0x56: {  	_ =	shalt  }
0x57: {  	_ =	shalt  }
0x58: {  	_ =	shalt  }
0x59: {  	_ =	shalt  }
0x5a: {  	_ =	shalt  }
0x5b: {  	_ =	shalt  }
0x5c: {  	_ =	shalt  }
0x5d: {  	_ =	shalt  }
0x5e: {  	_ =	shalt  }
0x5f: {  	_ =	shalt  }
0x60: {  	_ =	shalt  }
0x61: {  	_ =	shalt  }
0x62: {  	_ =	shalt  }
0x63: {  	_ =	shalt  }
0x64: {  	_ =	shalt  }
0x65: {  	_ =	shalt  }
0x66: {  	_ =	shalt  }
0x67: {  	_ =	shalt  }
0x68: {  	_ =	shalt  }
0x69: {  	_ =	shalt  }
0x6a: {  	_ =	shalt  }
0x6b: {  	_ =	shalt  }
0x6c: {  	_ =	shalt  }
0x6d: {  	_ =	shalt  }
0x6e: {  	_ =	shalt  }
0x6f: {  	_ =	shalt  }
0x70: {  	_ =	shalt  }
0x71: {  	_ =	shalt  }
0x72: {  	_ =	shalt  }
0x73: {  	_ =	shalt  }
0x74: {  	_ =	shalt  }
0x75: {  	_ =	shalt  }
0x76: {  	_ =	shalt  }
0x77: {  	_ =	shalt  }
0x78: {  	_ =	shalt  }
0x79: {  	_ =	shalt  }
0x7a: {  	_ =	shalt  }
0x7b: {  	_ =	shalt  }
0x7c: {  	_ =	shalt  }
0x7d: {  	_ =	shalt  }
0x7e: {  	_ =	shalt  }
0x7f: {  	_ =	shalt  }
0x80: {  	_ =	shalt  }
0x81: {  	_ =	shalt  }
0x82: {  	_ =	shalt  }
0x83: {  	_ =	shalt  }
0x84: {  	_ =	shalt  }
0x85: {  	_ =	shalt  }
0x86: {  	_ =	shalt  }
0x87: {  	_ =	shalt  }
.Lfunc_end0:
.L_simem_size_0:
called_computation_lowered:
.L_overlay_start_0:
0x88: {  	s2 =	sld [smem:$0x3FD9]  }
0x89: {  	s3 =	sld [smem:$0x3FFE];
	_ =	sdelay $0x1  }
0x8a: {  	s1 =	srdreg.scid  }
0x8b: {  	s0 =	sand.u32 $0x1, s1  }
0x8c: {  	s17 =	sshll.u32 s0, $0xA;
	s2 =	sadd.s32 s3, s2  }
0x8d: {  	s2 =	sadd.s32 s2, s17  }
0x8e: {  	[smem:$0x3FC0] =	sst s2  }
0x8f: {  	_ = 	snop  }
0x90: {  	s2 =	sld [smem:$0x3FD0];
	(tm) =	ssettm $0x1  }
0x91: {  	s18 =	sld [smem:$0x3FFB];
	_ =	sdelay $0x3  }
0x92: {  	_ =	strace s18  }
0x93: {  	s3 =	sld [smem:$0x3FFC];
	_ =	sdelay $0x3  }
0x94: {  	_ =	strace s3  }
0x95: {  	s3 =	sld [smem:$0x3FFD];
	_ =	sdelay $0x3  }
0x96: {  	_ =	strace s3  }
0x97: {  	_ =	strace $0x8FFFFFFF  }
0x98: {  	s19 =	sld [smem:$0x3FDB];
	_ =	sdelay $0x1  }
0x99: {  	s4 =	simm.s32 $_scs_section_size  }
0x9a: {  	s5 =	simm.s32 $_size__tile_overlayer_lowered;
	s6 =	simm.s32 $_tile_overlayer_lowered  }
0x9b: {  	s22 =	simm.s32 $0x1BFF;
	s21 =	sshll.u32 s6, $0x1;
	s3 =	sadd.s32 s4, s19  }
0x9c: {  	s7 =	simm.s32 $0x0;
	s20 =	sshll.u32 s5, $0x1;
	s5 =	sadd.s32 s21, s3  }
0x9d: {  	[timem:s7], [sflag:s22] =	dma.local [hbm:s5], s20  }
0x9e: {  	_ =	swait.ge [sflag:s22], s20  }
0x9f: {  	s4 =	ssub.s32 $0x0, s20;
	[sflag:s22] =	ssyncset.done $0x0  }
0xa0: {  	[sflag:s22] =	ssyncadd.s32 s4;
	_ =	sdelay $0x1  }
0xa1: {  	s23 =	simm.s32 $0x1B8B  }
0xa2: {  	_ =	swait.ge [sflag:s23], $0x1  }
0xa3: {  	[sflag:s23] =	ssyncset.done $0x0  }
0xa4: {  	s25 =	simm.s32 $0x1B8E;
	s24 =	sld [smem:$0x3FFE];
	[sflag:s23] =	ssyncadd.s32 $0xFFFFFFFF  }
0xa5: {  	s26 =	simm.s32 $execute0_lowered;
	[smem:$0x3FD2] =	sst s25  }
0xa6: {  	s5 =	sshll.u32 s26, $0x1;
	_ =	strace $0x80000046;
	[dreg:$0x1] =	wrdreg $0xFFFFFFFF  }
0xa7: {  	s28 =	simm.s32 $_size_execute0_lowered;
	s3 =	sadd.s32 s3, s5;
	[dreg:$0x0] =	wrdreg $0x0  }
0xa8: {  	s5 =	sshll.u32 s28, $0x1;
	[dreg:$0x2] =	wrdreg s3  }
0xa9: {  	[dreg:$0x3] =	wrdreg s5  }
0xaa: {  	[dreg:$0x4] =	wrdreg $0xC0  }
0xab: {  	_ =	task [dreg:s7], $0x5FFFF  }
0xac: {  	[dreg:$0x1] =	wrdreg $0xFFFFFFFF  }
0xad: {  	[dreg:$0x0] =	wrdreg $0x60  }
0xae: {  	[dreg:$0x2] =	wrdreg s24  }
0xaf: {  	[dreg:$0x3] =	wrdreg s2  }
0xb0: {  	[dreg:$0x4] =	wrdreg $0x28800  }
0xb1: {  	[dreg:$0x5] =	wrdreg $0x9  }
0xb2: {  	_ =	task.clear_ibuf [dreg:s7], $0x6FFFF;
	_ =	strace $0x90000046  }
0xb3: {  	s29 =	simm.s32 $0x9;
	_ =	strace $0x80000048  }
0xb4: {  	_ =	swait.ge [sflag:s29], $0x1  }
0xb5: {  	[sflag:s29] =	ssyncadd.s32 $0xFFFFFFFF  }
0xb6: {  	_ =	strace $0x90000048  }
0xb7: {  	_ =	sfence  }
0xb8: {  	s30 =	sld [smem:$0x0];
	_ =	sdelay $0x2  }
0xb9: {  	s31 =	sshll.u32 s1, $0xD;
	s1 =	sshrl.u32 s1, $0x2  }
0xba: {  	s3 =	sand.u32 $0x4000, s31;
	s1 =	sadd.s32 s1, s30  }
0xbb: {  	s0 =	sor.u32 s3, s0;
	s1 =	sshll.u32 s1, $0x11  }
0xbc: {  	s0 =	sor.u32 s1, s0  }
0xbd: {  	s0 =	sadd.s32 $0x8F2B, s0  }
0xbe: {  	[sflag:s0] =	ssyncadd.remote.s32 $0x1  }
0xbf: {  	_ =	sfence.sel $0xFFFF  }
0xc0: {  	[dreg:$0x0] =	wrdreg $0xFFFFFFFF;
	(pc) =	sbr.abs _section_cstart, $3  }
0xc1: {  	[dreg:$0x1] =	wrdreg $0xFFFFFFFF  }
0xc2: {  	_ =	task.clear_ibuf [dreg:s7], $0x2FFFF;
	_ =	strace $0x9FFFFFFF  }
0xc3: {  	(tm) =	ssettm $0x7FFFFFFF  }
tec
execute0_lowered:
.L_overlay_start_1:
0x0: {  	(tag) =	ssettag $0x1  }
0x1: {  	s4 =	rddreg [dreg:$0x0]  }
0x2: {  	s6 =	rddreg [dreg:$0x1];
	s1 =	srdreg.scid  }
0x3: {  	s0 =	stileid.u32;
	s2 =	rddreg [dreg:$0x2]  }
0x4: {  	s3 =	simm.s32 $0x0;
	s13 =	simm.s32 $0x20;
	s14 =	simm.s32 $0x10  }
0x5: {  	s15 =	simm.s32 $0x0;
	s5 =	sand.u32 $0x1, s1;
	s1 =	rddreg [dreg:$0x3]  }
0x6: {  	s7 =	sshll.u32 s0, $0x1;
	[smem:$0x7FF] =	sst s3;
	s8 =	smul.u32 $0x280, s0  }
0x7: {  	s10 =	smul.u32 $0x500, s0;
	s31 =	sshll.u32 s0, $0x6;
	s7 =	sor.u32 s5, s7  }
0x8: {  	_ =	strace $0x80000047;
	s9 =	ssub.s32 $0x2, s5;
	s5 =	sshll.u32 s5, $0x7  }
0x9: {  	s7 =	smul.u32 $0x500, s7;
	s11 =	sshrl.u32 s8, $0x3;
	s12 =	sshrl.u32 s9, $0x1  }
0xa: {  	s5 =	sor.u32 s5, s10;
	s29 =	sadd.s32 s8, s2;
	s8 =	simm.s32 $0x1  }
0xb: {  	s11 =	sadd.s32 s11, s4;
	s9 =	ssub.s32 s9, s12;
	s30 =	sshrl.u32 s5, $0x3  }
0xc: {  	s10 =	sshrl.u32 s29, $0x3;
	s12 =	simm.s32 $0x2800;
	s7 =	sadd.s32 s7, s4  }
0xd: {  	s5 =	sadd.s32 $0xCA00, s11;
	s6 =	sadd.s32 s6, s30;
	s11 =	simm.s32 $0x80  }
0xe: {  	v0 =	vimm.f32 $1.000000000e+00;
	s4 =	sadd.s32 $0x2A00, s7;
	s7 =	smax.u32 s9, $0x1;
	s9 =	sor.u32 $0x1C01, s31  }
.LBB2_1:
0xf: {  	[tilespmem:s3], [sflag:$0x1] =	stream.linear.gather [hbm4b:s4+s3], $0x2800, $0x38;
	[tilespmem:$0x2B00] =	vst v63  }
0x10: {  	_ =	swait.ge [sflag:s8], $0x2800  }
0x11: {  	[sflag:s8] =	ssyncset.done $0x0  }
0x12: {  	[sflag:s8] =	ssyncadd.s32 $0xFFFFD800  }
0x13: {  	[tilespmem:$0x2800] =	vst v0  }
0x14: {  	[tilespmem:$0x2810] =	vst v0  }
0x15: {  	[tilespmem:$0x2820] =	vst v0  }
0x16: {  	[tilespmem:$0x2830] =	vst v0  }
0x17: {  	[tilespmem:$0x2840] =	vst v0  }
0x18: {  	[tilespmem:$0x2850] =	vst v0  }
0x19: {  	[tilespmem:$0x2860] =	vst v0  }
0x1a: {  	[tilespmem:$0x2870] =	vst v0  }
0x1b: {  	[spmem:s10], [sflag:s9] =	dma.local [hbm:s5], $0x50  }
0x1c: {  	_ =	swait.ge [sflag:s8], $0x50  }
0x1d: {  	[sflag:s8] =	ssyncset.done $0x0  }
0x1e: {  	[sflag:s8] =	ssyncadd.s32 $0xFFFFFFB0  }
0x1f: {  	s16 =	simm.s32 $0x0;
	[bflag:$0x0] =	sbarrier.arrive $0xFFFF  }
0x20: {  	[spmem:s2] =	stream.indirect.scatter.add.f32 [tilespmem:s12], [sflag:$0x1], $0x1, s16, s11, $0xb8;
	[tilespmem:$0x2B00] =	vst v63  }
0x21: {  	_ =	swait.ge [sflag:s8], $0x80  }
0x22: {  	s16 =	simm.s32 $0x200;
	[sflag:s8] =	ssyncset.done $0x0  }
.LBB2_2:
0x23: {  	s17 =	sshra.s32 s16, $0x2;
	[sflag:s8] =	ssyncadd.s32 $0xFFFFFF80;
	p0 =	sne.s32 s16, $0x9E00  }
0x24: {  	[spmem:s2] =	stream.indirect.scatter.add.f32 [tilespmem:s12], [sflag:$0x1], $0x1, s17, s11, $0xb8;
	[tilespmem:$0x2B00] =	vst v63  }
.Ltmp0:
0x25: {  	_ = 	snop;
	(pc) =	sbr.rel @p0 .LBB2_2-.Ltmp0, $4  }
0x26: {  	_ = 	snop  }
0x27: {  	s16 =	sadd.s32 $0x200, s16  }
0x28: {  	_ =	swait.ge [sflag:s8], $0x80  }
0x29: {  	[sflag:s8] =	ssyncset.done $0x0  }
0x2a: {  	s15 =	sadd.s32 $0x1, s15  }
0x2b: {  	[sflag:s8] =	ssyncadd.s32 $0xFFFFFF80;
	p0 =	sne.s32 s15, s7  }
.Ltmp1:
0x2c: {  	[bflag:$0x0] =	sbarrier.arrive $0xFFFF;
	(pc) =	sbr.rel @p0 .LBB2_1-.Ltmp1, $4  }
0x2d: {  	[hbm:s6@s13], [sflag:s9] =	dma.strided [spmem:s10@s14], $0x50, s8, $0x10   }
0x2e: {  	_ =	swait.ge [sflag:s8], $0x50  }
0x2f: {  	[sflag:s8] =	ssyncset.done $0x0  }
0x30: {  	[sflag:s8] =	ssyncadd.s32 $0xFFFFFFB0  }
0x31: {  	_ =	sfence.sel $0x180000  }
0x32: {  	[bflag:$0x0] =	sbarrier.arrive $0xFFFF  }
0x33: {  	p0 =	sne.s32 s0, $0x0;
	_ =	strace $0x90000047  }
0x34: {  	s0 =	sadd.s32 @!p0 $0x100000, s1;
	[bflag:$0x2] =	sbarrier.arrive $0xFFFF  }
0x35: {  	[sflag:s0] =	ssyncadd.tile.s32 @!p0 $0x1;
	_ =	shalt  }
.Lfunc_end2:
_tile_overlayer_lowered:
.L_overlay_start_2:
0x36: {  	(tag) =	ssettag $0x2  }
0x37: {  	s0 =	rddreg [dreg:$0x0];
	s2 =	stileid.u32  }
0x38: {  	s1 =	rddreg [dreg:$0x1];
	p0 =	sne.s32 s2, $0x0  }
0x39: {  	s3 =	rddreg [dreg:$0x2];
	[bflag:$0x3] =	sbarrier.arrive $0xFFFF;
	s2 =	simm.s32 @!p0 $0x1C01  }
0x3a: {  	[timem:s3], [sflag:s2] =	dma.local @!p0 [hbm:s0], s1  }
0x3b: {  	s0 =	simm.s32 @!p0 $0x1  }
0x3c: {  	_ =	swait.ge @!p0 [sflag:s0], s1  }
0x3d: {  	s1 =	ssub.s32 @!p0 $0x0, s1;
	[sflag:s0] =	ssyncset.done @!p0 $0x0  }
0x3e: {  	[sflag:s0] =	ssyncadd.s32 @!p0 s1  }
0x3f: {  	[bflag:$0x3] =	sbarrier.arrive $0xFFFF  }
0x40: {  	_ =	shalt  }

// kernel: kernel.14.cloned.1.call-start
scs
__scs_entry_jumppad:
0x0: {  	(pc) =	sbr.rel $0x88, $3  }
0x1: {  	(tag) =	ssettag $0x0;
	lr =	simm.s32 $0x1  }
0x2: {  	[smem:$0x3F99] =	sst lr;
	_ =	strace $0xD0000000  }
0x3: {  	_ = 	snop  }
0x4: {  	_ = 	snop  }
0x5: {  	_ = 	snop  }
0x6: {  	_ = 	snop  }
0x7: {  	_ = 	snop  }
__scs_overlays_trampoline_lowered:
0x8: {  	[smem:$0x3FA8] =	sst s0  }
0x9: {  	[smem:$0x3FA9] =	sst s1  }
0xa: {  	[smem:$0x3FAA] =	sst s2  }
0xb: {  	[smem:$0x3FAB] =	sst s3  }
0xc: {  	[smem:$0x3FAC] =	sst s4  }
0xd: {  	[smem:$0x3FAD] =	sst s5  }
0xe: {  	[smem:$0x3FAE] =	sst s6  }
0xf: {  	[smem:$0x3FAF] =	sst s7  }
0x10: {  	[smem:$0x3FB0] =	sst s8  }
0x11: {  	[smem:$0x3FB1] =	sst s9;
	s0 =	simm.s32 @!p0 $0x0  }
0x12: {  	s1 =	sld [smem:$0x3F97];
	s0 =	simm.s32 @p0 $0x1  }
0x13: {  	[smem:$0x3FB2] =	sst s0;
	s0 =	simm.s32 @!p1 $0x0  }
0x14: {  	s2 =	sld [smem:$0x3F96];
	s0 =	simm.s32 @p1 $0x1  }
0x15: {  	[smem:$0x3FB3] =	sst s0;
	s0 =	simm.s32 @!p2 $0x0  }
0x16: {  	s3 =	sld [smem:$0x3FDB];
	s0 =	simm.s32 @p2 $0x1  }
0x17: {  	s4 =	simm.s32 $0x1BF5;
	[smem:$0x3FB5] =	sst s0  }
0x18: {  	s0 =	sld [smem:$0x3F98];
	_ =	swait.ge [sflag:s4], $0x0  }
0x19: {  	s7 =	sld [smem:$0x3F99]  }
0x1a: {  	s8 =	sadd.s32 $0xFFFFE003, lr  }
0x1b: {  	s9 =	sadd.s32 $0xFFFFFEF7, lr;
	s5 =	simm.s32 $0xFFFFFFFF;
	p2 =	slt.u32 s8, $0xFFFFF086  }
0x1c: {  	p1 =	slt.u32 s9, $0xF7A;
	s5 =	simm.s32 @!p2 $0x0  }
0x1d: {  	s5 =	simm.s32 @p1 $0x1;
	p0 =	seq.s32 s7, s2  }
0x1e: {  	s7 =	smul.u32 @!p0 $0xF7A, s2;
	p2 =	seq.s32 @!p0 s5, $0x0  }
0x1f: {  	s9 =	smul.u32 $0xF7A, s1;
	s8 =	simm.s32 @!p0 $0x1BF5;
	p2 =	por !p2, p0  }
0x20: {  	[sflag:s8] =	ssyncset.s32 @!p0 $0xFFFFF086;
	s6 =	sadd.s32 @!p0 s3, s7;
	s7 =	simm.s32 @!p0 $0x108  }
0x21: {  	s3 =	sadd.s32 s3, s9;
	s6 =	sadd.s32 @!p0 $0x88, s6;
	s7 =	simm.s32 @p2 $0x1082  }
0x22: {  	[simem:s7], [sflag:s8] =	dma.local @!p0 [hbm:s6], $0xF7A  }
0x23: {  	s9 =	sor.u32 $0xD0000000, s2;
	s6 =	simm.s32 $0x108;
	_ =	swait.ge @!p0 [sflag:s8], $0x0  }
0x24: {  	s3 =	sadd.s32 $0x88, s3;
	s6 =	simm.s32 @!p1 $0x1082;
	[sflag:s4] =	ssyncset.s32 $0xFFFFF086  }
0x25: {  	[simem:s6], [sflag:s4] =	dma.local [hbm:s3], $0xF7A  }
0x26: {  	[smem:$0x3F99] =	sst s1;
	(tag) =	ssettag s2;
	_ =	strace s9  }
0x27: {  	s1 =	sld [smem:$0x3FA9]  }
0x28: {  	s2 =	sld [smem:$0x3FAA]  }
0x29: {  	s4 =	sld [smem:$0x3FAC]  }
0x2a: {  	p0 =	seq.s32 s5, $0x0;
	s5 =	sld [smem:$0x3FAD]  }
0x2b: {  	s6 =	sld [smem:$0x3FAE]  }
0x2c: {  	s7 =	sld [smem:$0x3FAF]  }
0x2d: {  	s3 =	simm.s32 $0x108;
	s8 =	sld [smem:$0x3FB0]  }
0x2e: {  	s3 =	simm.s32 @!p0 $0x1082;
	s9 =	sld [smem:$0x3FB1]  }
0x2f: {  	lr =	sadd.s32 s0, s3;
	s0 =	sld [smem:$0x3FA8]  }
0x30: {  	s3 =	sld [smem:$0x3FAB]  }
0x31: {  	[smem:$0x3FB4] =	sst s10  }
0x32: {  	s10 =	sld [smem:$0x3FB2];
	_ =	sdelay $0x3  }
0x33: {  	p0 =	seq.s32 s10, $0x1;
	s10 =	sld [smem:$0x3FB4];
	_ =	sdelay $0x3  }
0x34: {  	[smem:$0x3FB4] =	sst s10  }
0x35: {  	s10 =	sld [smem:$0x3FB3];
	_ =	sdelay $0x3  }
0x36: {  	p1 =	seq.s32 s10, $0x1;
	s10 =	sld [smem:$0x3FB4];
	_ =	sdelay $0x3  }
0x37: {  	[smem:$0x3FB4] =	sst s10  }
0x38: {  	s10 =	sld [smem:$0x3FB5]  }
0x39: {  	_ = 	snop;
	(pc) =	sbr.ind lr, $3  }
0x3a: {  	_ = 	snop  }
0x3b: {  	_ = 	snop  }
0x3c: {  	p2 =	seq.s32 s10, $0x1;
	s10 =	sld [smem:$0x3FB4]  }
0x3d: {  	_ =	shalt  }
0x3e: {  	_ =	shalt  }
0x3f: {  	_ =	shalt  }
0x40: {  	_ =	shalt  }
0x41: {  	_ =	shalt  }
0x42: {  	_ =	shalt  }
0x43: {  	_ =	shalt  }
0x44: {  	_ =	shalt  }
0x45: {  	_ =	shalt  }
0x46: {  	_ =	shalt  }
0x47: {  	_ =	shalt  }
0x48: {  	_ =	shalt  }
0x49: {  	_ =	shalt  }
0x4a: {  	_ =	shalt  }
0x4b: {  	_ =	shalt  }
0x4c: {  	_ =	shalt  }
0x4d: {  	_ =	shalt  }
0x4e: {  	_ =	shalt  }
0x4f: {  	_ =	shalt  }
0x50: {  	_ =	shalt  }
0x51: {  	_ =	shalt  }
0x52: {  	_ =	shalt  }
0x53: {  	_ =	shalt  }
0x54: {  	_ =	shalt  }
0x55: {  	_ =	shalt  }
0x56: {  	_ =	shalt  }
0x57: {  	_ =	shalt  }
0x58: {  	_ =	shalt  }
0x59: {  	_ =	shalt  }
0x5a: {  	_ =	shalt  }
0x5b: {  	_ =	shalt  }
0x5c: {  	_ =	shalt  }
0x5d: {  	_ =	shalt  }
0x5e: {  	_ =	shalt  }
0x5f: {  	_ =	shalt  }
0x60: {  	_ =	shalt  }
0x61: {  	_ =	shalt  }
0x62: {  	_ =	shalt  }
0x63: {  	_ =	shalt  }
0x64: {  	_ =	shalt  }
0x65: {  	_ =	shalt  }
0x66: {  	_ =	shalt  }
0x67: {  	_ =	shalt  }
0x68: {  	_ =	shalt  }
0x69: {  	_ =	shalt  }
0x6a: {  	_ =	shalt  }
0x6b: {  	_ =	shalt  }
0x6c: {  	_ =	shalt  }
0x6d: {  	_ =	shalt  }
0x6e: {  	_ =	shalt  }
0x6f: {  	_ =	shalt  }
0x70: {  	_ =	shalt  }
0x71: {  	_ =	shalt  }
0x72: {  	_ =	shalt  }
0x73: {  	_ =	shalt  }
0x74: {  	_ =	shalt  }
0x75: {  	_ =	shalt  }
0x76: {  	_ =	shalt  }
0x77: {  	_ =	shalt  }
0x78: {  	_ =	shalt  }
0x79: {  	_ =	shalt  }
0x7a: {  	_ =	shalt  }
0x7b: {  	_ =	shalt  }
0x7c: {  	_ =	shalt  }
0x7d: {  	_ =	shalt  }
0x7e: {  	_ =	shalt  }
0x7f: {  	_ =	shalt  }
0x80: {  	_ =	shalt  }
0x81: {  	_ =	shalt  }
0x82: {  	_ =	shalt  }
0x83: {  	_ =	shalt  }
0x84: {  	_ =	shalt  }
0x85: {  	_ =	shalt  }
0x86: {  	_ =	shalt  }
0x87: {  	_ =	shalt  }
.Lfunc_end0:
.L_simem_size_0:
called_computation.1_lowered:
.L_overlay_start_0:
0x88: {  	s2 =	sld [smem:$0x3FD9]  }
0x89: {  	s3 =	sld [smem:$0x3FFE];
	_ =	sdelay $0x1  }
0x8a: {  	s1 =	srdreg.scid  }
0x8b: {  	s0 =	sand.u32 $0x1, s1  }
0x8c: {  	s17 =	sshll.u32 s0, $0xA;
	s2 =	sadd.s32 s3, s2  }
0x8d: {  	s2 =	sadd.s32 s2, s17  }
0x8e: {  	[smem:$0x3FC0] =	sst s2  }
0x8f: {  	_ = 	snop  }
0x90: {  	s2 =	sld [smem:$0x3FD0];
	(tm) =	ssettm $0x1  }
0x91: {  	s18 =	sld [smem:$0x3FFB];
	_ =	sdelay $0x3  }
0x92: {  	_ =	strace s18  }
0x93: {  	s3 =	sld [smem:$0x3FFC];
	_ =	sdelay $0x3  }
0x94: {  	_ =	strace s3  }
0x95: {  	s3 =	sld [smem:$0x3FFD];
	_ =	sdelay $0x3  }
0x96: {  	_ =	strace s3  }
0x97: {  	_ =	strace $0x8FFFFFFF  }
0x98: {  	s19 =	sld [smem:$0x3FDB];
	_ =	sdelay $0x1  }
0x99: {  	s4 =	simm.s32 $_scs_section_size  }
0x9a: {  	s5 =	simm.s32 $_size__tile_overlayer_lowered;
	s6 =	simm.s32 $_tile_overlayer_lowered  }
0x9b: {  	s22 =	simm.s32 $0x1BFF;
	s21 =	sshll.u32 s6, $0x1;
	s3 =	sadd.s32 s4, s19  }
0x9c: {  	s7 =	simm.s32 $0x0;
	s20 =	sshll.u32 s5, $0x1;
	s5 =	sadd.s32 s21, s3  }
0x9d: {  	[timem:s7], [sflag:s22] =	dma.local [hbm:s5], s20  }
0x9e: {  	_ =	swait.ge [sflag:s22], s20  }
0x9f: {  	s4 =	ssub.s32 $0x0, s20;
	[sflag:s22] =	ssyncset.done $0x0  }
0xa0: {  	[sflag:s22] =	ssyncadd.s32 s4;
	_ =	sdelay $0x1  }
0xa1: {  	s23 =	simm.s32 $0x1B8B  }
0xa2: {  	_ =	swait.ge [sflag:s23], $0x1  }
0xa3: {  	[sflag:s23] =	ssyncset.done $0x0  }
0xa4: {  	s25 =	simm.s32 $0x1B8E;
	s24 =	sld [smem:$0x3FFE];
	[sflag:s23] =	ssyncadd.s32 $0xFFFFFFFF  }
0xa5: {  	s26 =	simm.s32 $execute0_lowered;
	[smem:$0x3FD2] =	sst s25  }
0xa6: {  	s5 =	sshll.u32 s26, $0x1;
	_ =	strace $0x80000049;
	[dreg:$0x1] =	wrdreg $0xFFFFFFFF  }
0xa7: {  	s28 =	simm.s32 $_size_execute0_lowered;
	s3 =	sadd.s32 s3, s5;
	[dreg:$0x0] =	wrdreg $0x0  }
0xa8: {  	s5 =	sshll.u32 s28, $0x1;
	[dreg:$0x2] =	wrdreg s3  }
0xa9: {  	[dreg:$0x3] =	wrdreg s5  }
0xaa: {  	[dreg:$0x4] =	wrdreg $0xC0  }
0xab: {  	_ =	task [dreg:s7], $0x5FFFF  }
0xac: {  	[dreg:$0x1] =	wrdreg $0xFFFFFFFF  }
0xad: {  	[dreg:$0x0] =	wrdreg $0x60  }
0xae: {  	[dreg:$0x2] =	wrdreg s2  }
0xaf: {  	[dreg:$0x3] =	wrdreg s24  }
0xb0: {  	[dreg:$0x4] =	wrdreg $0xD0000  }
0xb1: {  	[dreg:$0x5] =	wrdreg $0x9  }
0xb2: {  	_ =	task.clear_ibuf [dreg:s7], $0x6FFFF;
	_ =	strace $0x90000049  }
0xb3: {  	s29 =	simm.s32 $0x9;
	_ =	strace $0x8000004B  }
0xb4: {  	_ =	swait.ge [sflag:s29], $0x1  }
0xb5: {  	[sflag:s29] =	ssyncadd.s32 $0xFFFFFFFF  }
0xb6: {  	_ =	strace $0x9000004B  }
0xb7: {  	_ =	sfence  }
0xb8: {  	s30 =	sld [smem:$0x0];
	_ =	sdelay $0x2  }
0xb9: {  	s31 =	sshll.u32 s1, $0xD;
	s1 =	sshrl.u32 s1, $0x2  }
0xba: {  	s3 =	sand.u32 $0x4000, s31;
	s1 =	sadd.s32 s1, s30  }
0xbb: {  	s0 =	sor.u32 s3, s0;
	s1 =	sshll.u32 s1, $0x11  }
0xbc: {  	s0 =	sor.u32 s1, s0  }
0xbd: {  	s0 =	sadd.s32 $0x8F2B, s0  }
0xbe: {  	[sflag:s0] =	ssyncadd.remote.s32 $0x1  }
0xbf: {  	_ =	sfence.sel $0xFFFF  }
0xc0: {  	[dreg:$0x0] =	wrdreg $0xFFFFFFFF;
	(pc) =	sbr.abs _section_cstart, $3  }
0xc1: {  	[dreg:$0x1] =	wrdreg $0xFFFFFFFF  }
0xc2: {  	_ =	task.clear_ibuf [dreg:s7], $0x2FFFF;
	_ =	strace $0x9FFFFFFF  }
0xc3: {  	(tm) =	ssettm $0x7FFFFFFF  }
tec
execute0_lowered:
.L_overlay_start_1:
0x0: {  	(tag) =	ssettag $0x1  }
0x1: {  	s0 =	srdreg.scid;
	s1 =	rddreg [dreg:$0x0]  }
0x2: {  	s9 =	stileid.u32;
	s4 =	rddreg [dreg:$0x1]  }
0x3: {  	s3 =	rddreg [dreg:$0x2];
	s6 =	simm.s32 $0x0;
	s12 =	simm.s32 $0x11  }
0x4: {  	s14 =	simm.s32 $0x80;
	s15 =	simm.s32 $0x5000;
	s16 =	simm.s32 $0x6000  }
0x5: {  	s17 =	simm.s32 $0x7000;
	s18 =	simm.s32 $0x8000;
	s19 =	simm.s32 $0x9000  }
0x6: {  	s20 =	simm.s32 $0xA000;
	s21 =	simm.s32 $0xB000;
	s28 =	simm.s32 $0x5  }
0x7: {  	s29 =	simm.s32 $0x6;
	s30 =	simm.s32 $0x7;
	s31 =	simm.s32 $0x8  }
0x8: {  	s11 =	simm.s32 $0xB;
	s0 =	sand.u32 $0x1, s0;
	s2 =	sshll.u32 s9, $0x1  }
0x9: {  	s5 =	smul.u32 $0x5000, s9;
	[smem:$0x7FF] =	sst s6;
	s26 =	sshll.u32 s9, $0x6  }
0xa: {  	s9 =	simm.s32 $0x0;
	s2 =	sor.u32 s0, s2;
	s22 =	smul.u32 $0x50000, s0  }
0xb: {  	_ =	strace $0x8000004A;
	s0 =	ssub.s32 $0x2, s0;
	s10 =	sor.u32 $0x1C11, s26  }
0xc: {  	s26 =	simm.s32 $0x4;
	[dreg:$0xb] =	wrdreg s9;
	s2 =	smul.u32 $0x500, s2  }
0xd: {  	s7 =	sshrl.u32 s5, $0x3;
	s8 =	sshrl.u32 s0, $0x1;
	s24 =	sadd.s32 s5, s3  }
0xe: {  	[dreg:$0x9] =	wrdreg s10;
	s6 =	sadd.s32 s5, s22;
	s7 =	sadd.s32 s7, s4  }
0xf: {  	s0 =	ssub.s32 s0, s8;
	s13 =	sshrl.u32 s24, $0x3;
	s22 =	simm.s32 $0xC000  }
0x10: {  	s24 =	simm.s32 $0x2;
	s5 =	simm.s32 $0xD;
	s8 =	simm.s32 $0x10  }
0x11: {  	s2 =	sadd.s32 s2, s4;
	s6 =	sshrl.u32 s6, $0x3;
	s25 =	sadd.s32 $0x17000, s7  }
0x12: {  	s0 =	smax.u32 s0, $0x1;
	s7 =	simm.s32 $0xF;
	[dreg:$0xa] =	wrdreg s13  }
0x13: {  	s4 =	sadd.s32 s6, s4;
	s23 =	sadd.s32 $0xD000, s2;
	[dreg:$0x6] =	wrdreg s25  }
0x14: {  	s2 =	sadd.s32 $0x2A00, s2;
	[dreg:$0x8] =	wrdreg s0;
	s25 =	simm.s32 $0x3  }
0x15: {  	s0 =	simm.s32 $0xA;
	s6 =	simm.s32 $0xE;
	[dreg:$0x4] =	wrdreg s23  }
0x16: {  	[dreg:$0x5] =	wrdreg s2;
	s4 =	sadd.s32 $0x21000, s4;
	s23 =	simm.s32 $0x1  }
0x17: {  	s2 =	simm.s32 $0x9;
	[dreg:$0x7] =	wrdreg s4;
	s4 =	simm.s32 $0xC  }
.LBB2_1:
0x18: {  	s9 =	simm.s32 $0x0;
	s10 =	rddreg [dreg:$0x4]  }
0x19: {  	[tilespmem:s9], [sflag:$0x11] =	stream.linear.gather [hbm4b:s10+s9], $0x2800, $0x38;
	[tilespmem:$0x12000] =	vst v63  }
0x1a: {  	_ =	swait.ge [sflag:s12], $0x2800  }
0x1b: {  	[sflag:s12] =	ssyncset.done $0x0  }
0x1c: {  	s13 =	simm.s32 $0x2800;
	s10 =	rddreg [dreg:$0x5];
	[sflag:s12] =	ssyncadd.s32 $0xFFFFD800  }
0x1d: {  	[tilespmem:s13], [sflag:$0x11] =	stream.linear.gather [hbm4b:s10+s9], $0x2800, $0x38;
	[tilespmem:$0x12000] =	vst v63  }
0x1e: {  	_ =	swait.ge [sflag:s12], $0x2800  }
0x1f: {  	s9 =	rddreg [dreg:$0x6]  }
0x20: {  	[sflag:s12] =	ssyncset.done $0x0;
	s10 =	rddreg [dreg:$0x9]  }
0x21: {  	s13 =	rddreg [dreg:$0xa];
	[sflag:s12] =	ssyncadd.s32 $0xFFFFD800  }
0x22: {  	[spmem:s13], [sflag:s10] =	dma.local [hbm:s9], $0xA00  }
0x23: {  	_ =	swait.ge [sflag:s12], $0xA00  }
0x24: {  	[sflag:s12] =	ssyncset.done $0x0  }
0x25: {  	[sflag:s12] =	ssyncadd.s32 $0xFFFFF600  }
0x26: {  	s13 =	simm.s32 $0x0;
	[bflag:$0x0] =	sbarrier.arrive $0xFFFF  }
0x27: {  	[tilespmem:s15], [sflag:$0x1] =	stream.indirect.gather [hbm4b:s1+s14], $0x20, s13, s14, $0xb8;
	[tilespmem:$0x12000] =	vst v63  }
0x28: {  	s10 =	simm.s32 $0x80  }
0x29: {  	[tilespmem:s16], [sflag:$0x2] =	stream.indirect.gather [hbm4b:s1+s14], $0x20, s10, s14, $0xb8;
	[tilespmem:$0x12000] =	vst v63  }
0x2a: {  	s12 =	simm.s32 $0x100  }
0x2b: {  	[tilespmem:s17], [sflag:$0x3] =	stream.indirect.gather [hbm4b:s1+s14], $0x20, s12, s14, $0xb8;
	[tilespmem:$0x12000] =	vst v63  }
0x2c: {  	s13 =	simm.s32 $0x180  }
0x2d: {  	[tilespmem:s18], [sflag:$0x4] =	stream.indirect.gather [hbm4b:s1+s14], $0x20, s13, s14, $0xb8;
	[tilespmem:$0x12000] =	vst v63  }
0x2e: {  	s10 =	simm.s32 $0x200  }
0x2f: {  	[tilespmem:s19], [sflag:$0x5] =	stream.indirect.gather [hbm4b:s1+s14], $0x20, s10, s14, $0xb8;
	[tilespmem:$0x12000] =	vst v63  }
0x30: {  	s12 =	simm.s32 $0x280  }
0x31: {  	[tilespmem:s20], [sflag:$0x6] =	stream.indirect.gather [hbm4b:s1+s14], $0x20, s12, s14, $0xb8;
	[tilespmem:$0x12000] =	vst v63  }
0x32: {  	s13 =	simm.s32 $0x300  }
0x33: {  	[tilespmem:s21], [sflag:$0x7] =	stream.indirect.gather [hbm4b:s1+s14], $0x20, s13, s14, $0xb8;
	[tilespmem:$0x12000] =	vst v63  }
0x34: {  	s10 =	simm.s32 $0x380  }
0x35: {  	[tilespmem:s22], [sflag:$0x8] =	stream.indirect.gather [hbm4b:s1+s14], $0x20, s10, s14, $0xb8;
	[tilespmem:$0x12000] =	vst v63  }
0x36: {  	_ =	swait.ge [sflag:s23], $0x1000  }
0x37: {  	[sflag:s23] =	ssyncset.done $0x0  }
0x38: {  	s12 =	simm.s32 $0x2800;
	[sflag:s23] =	ssyncadd.s32 $0xFFFFF000  }
0x39: {  	[spmem:s3] =	stream.indirect.scatter.add.f32 [tilespmem:s15], [sflag:$0x9], $0x20, s12, s14, $0xb8;
	[tilespmem:$0x12000] =	vst v63  }
0x3a: {  	_ =	swait.ge [sflag:s24], $0x1000  }
0x3b: {  	[sflag:s24] =	ssyncset.done $0x0  }
0x3c: {  	s13 =	simm.s32 $0x2880;
	[sflag:s24] =	ssyncadd.s32 $0xFFFFF000  }
0x3d: {  	[spmem:s3] =	stream.indirect.scatter.add.f32 [tilespmem:s16], [sflag:$0xA], $0x20, s13, s14, $0xb8;
	[tilespmem:$0x12000] =	vst v63  }
0x3e: {  	_ =	swait.ge [sflag:s25], $0x1000  }
0x3f: {  	[sflag:s25] =	ssyncset.done $0x0  }
0x40: {  	s10 =	simm.s32 $0x2900;
	[sflag:s25] =	ssyncadd.s32 $0xFFFFF000  }
0x41: {  	[spmem:s3] =	stream.indirect.scatter.add.f32 [tilespmem:s17], [sflag:$0xB], $0x20, s10, s14, $0xb8;
	[tilespmem:$0x12000] =	vst v63  }
0x42: {  	_ =	swait.ge [sflag:s26], $0x1000  }
0x43: {  	[sflag:s26] =	ssyncset.done $0x0  }
0x44: {  	s12 =	simm.s32 $0x2980;
	[sflag:s26] =	ssyncadd.s32 $0xFFFFF000  }
0x45: {  	[spmem:s3] =	stream.indirect.scatter.add.f32 [tilespmem:s18], [sflag:$0xC], $0x20, s12, s14, $0xb8;
	[tilespmem:$0x12000] =	vst v63  }
0x46: {  	_ =	swait.ge [sflag:s28], $0x1000  }
0x47: {  	[sflag:s28] =	ssyncset.done $0x0  }
0x48: {  	s13 =	simm.s32 $0x2A00;
	[sflag:s28] =	ssyncadd.s32 $0xFFFFF000  }
0x49: {  	[spmem:s3] =	stream.indirect.scatter.add.f32 [tilespmem:s19], [sflag:$0xD], $0x20, s13, s14, $0xb8;
	[tilespmem:$0x12000] =	vst v63  }
0x4a: {  	_ =	swait.ge [sflag:s29], $0x1000  }
0x4b: {  	[sflag:s29] =	ssyncset.done $0x0  }
0x4c: {  	s10 =	simm.s32 $0x2A80;
	[sflag:s29] =	ssyncadd.s32 $0xFFFFF000  }
0x4d: {  	[spmem:s3] =	stream.indirect.scatter.add.f32 [tilespmem:s20], [sflag:$0xE], $0x20, s10, s14, $0xb8;
	[tilespmem:$0x12000] =	vst v63  }
0x4e: {  	_ =	swait.ge [sflag:s30], $0x1000  }
0x4f: {  	[sflag:s30] =	ssyncset.done $0x0  }
0x50: {  	s12 =	simm.s32 $0x2B00;
	[sflag:s30] =	ssyncadd.s32 $0xFFFFF000  }
0x51: {  	[spmem:s3] =	stream.indirect.scatter.add.f32 [tilespmem:s21], [sflag:$0xF], $0x20, s12, s14, $0xb8;
	[tilespmem:$0x12000] =	vst v63  }
0x52: {  	_ =	swait.ge [sflag:s31], $0x1000  }
0x53: {  	[sflag:s31] =	ssyncset.done $0x0  }
0x54: {  	s13 =	simm.s32 $0x2B80;
	[sflag:s31] =	ssyncadd.s32 $0xFFFFF000  }
0x55: {  	[spmem:s3] =	stream.indirect.scatter.add.f32 [tilespmem:s22], [sflag:$0x10], $0x20, s13, s14, $0xb8;
	[tilespmem:$0x12000] =	vst v63  }
0x56: {  	_ =	swait.ge [sflag:s2], $0x1000  }
0x57: {  	[sflag:s2] =	ssyncset.done $0x0  }
0x58: {  	[sflag:s2] =	ssyncadd.s32 $0xFFFFF000  }
0x59: {  	_ =	swait.ge [sflag:s0], $0x1000  }
0x5a: {  	[sflag:s0] =	ssyncset.done $0x0  }
0x5b: {  	[sflag:s0] =	ssyncadd.s32 $0xFFFFF000  }
0x5c: {  	_ =	swait.ge [sflag:s11], $0x1000  }
0x5d: {  	[sflag:s11] =	ssyncset.done $0x0  }
0x5e: {  	[sflag:s11] =	ssyncadd.s32 $0xFFFFF000  }
0x5f: {  	_ =	swait.ge [sflag:s4], $0x1000  }
0x60: {  	[sflag:s4] =	ssyncset.done $0x0  }
0x61: {  	[sflag:s4] =	ssyncadd.s32 $0xFFFFF000  }
0x62: {  	_ =	swait.ge [sflag:s5], $0x1000  }
0x63: {  	[sflag:s5] =	ssyncset.done $0x0  }
0x64: {  	[sflag:s5] =	ssyncadd.s32 $0xFFFFF000  }
0x65: {  	_ =	swait.ge [sflag:s6], $0x1000  }
0x66: {  	[sflag:s6] =	ssyncset.done $0x0  }
0x67: {  	[sflag:s6] =	ssyncadd.s32 $0xFFFFF000  }
0x68: {  	_ =	swait.ge [sflag:s7], $0x1000  }
0x69: {  	[sflag:s7] =	ssyncset.done $0x0  }
0x6a: {  	[sflag:s7] =	ssyncadd.s32 $0xFFFFF000  }
0x6b: {  	_ =	swait.ge [sflag:s8], $0x1000  }
0x6c: {  	s12 =	simm.s32 $0x1000;
	s13 =	simm.s32 $0x2000;
	[sflag:s8] =	ssyncset.done $0x0  }
.LBB2_2:
0x6d: {  	s10 =	sshra.s32 s12, $0x2  }
0x6e: {  	[sflag:s8] =	ssyncadd.s32 $0xFFFFF000;
	s12 =	smov.u32 s13;
	s9 =	sadd.s32 $0x1000, s13  }
0x6f: {  	[tilespmem:s15], [sflag:$0x1] =	stream.indirect.gather [hbm4b:s1+s14], $0x20, s10, s14, $0xb8;
	[tilespmem:$0x12000] =	vst v63  }
0x70: {  	p0 =	sne.s32 s13, $0x9000;
	s13 =	sadd.s32 $0x80, s10  }
0x71: {  	[tilespmem:s16], [sflag:$0x2] =	stream.indirect.gather [hbm4b:s1+s14], $0x20, s13, s14, $0xb8;
	[tilespmem:$0x12000] =	vst v63  }
0x72: {  	s13 =	sadd.s32 $0x100, s10  }
0x73: {  	[tilespmem:s17], [sflag:$0x3] =	stream.indirect.gather [hbm4b:s1+s14], $0x20, s13, s14, $0xb8;
	[tilespmem:$0x12000] =	vst v63  }
0x74: {  	s13 =	sadd.s32 $0x180, s10  }
0x75: {  	[tilespmem:s18], [sflag:$0x4] =	stream.indirect.gather [hbm4b:s1+s14], $0x20, s13, s14, $0xb8;
	[tilespmem:$0x12000] =	vst v63  }
0x76: {  	s13 =	sadd.s32 $0x200, s10  }
0x77: {  	[tilespmem:s19], [sflag:$0x5] =	stream.indirect.gather [hbm4b:s1+s14], $0x20, s13, s14, $0xb8;
	[tilespmem:$0x12000] =	vst v63  }
0x78: {  	s13 =	sadd.s32 $0x280, s10  }
0x79: {  	[tilespmem:s20], [sflag:$0x6] =	stream.indirect.gather [hbm4b:s1+s14], $0x20, s13, s14, $0xb8;
	[tilespmem:$0x12000] =	vst v63  }
0x7a: {  	s13 =	sadd.s32 $0x300, s10  }
0x7b: {  	[tilespmem:s21], [sflag:$0x7] =	stream.indirect.gather [hbm4b:s1+s14], $0x20, s13, s14, $0xb8;
	[tilespmem:$0x12000] =	vst v63  }
0x7c: {  	s13 =	sadd.s32 $0x380, s10  }
0x7d: {  	[tilespmem:s22], [sflag:$0x8] =	stream.indirect.gather [hbm4b:s1+s14], $0x20, s13, s14, $0xb8;
	[tilespmem:$0x12000] =	vst v63  }
0x7e: {  	_ =	swait.ge [sflag:s23], $0x1000  }
0x7f: {  	[sflag:s23] =	ssyncset.done $0x0  }
0x80: {  	s13 =	sadd.s32 $0x2800, s10;
	[sflag:s23] =	ssyncadd.s32 $0xFFFFF000  }
0x81: {  	[spmem:s3] =	stream.indirect.scatter.add.f32 [tilespmem:s15], [sflag:$0x9], $0x20, s13, s14, $0xb8;
	[tilespmem:$0x12000] =	vst v63  }
0x82: {  	_ =	swait.ge [sflag:s24], $0x1000  }
0x83: {  	[sflag:s24] =	ssyncset.done $0x0  }
0x84: {  	s13 =	sadd.s32 $0x2880, s10;
	[sflag:s24] =	ssyncadd.s32 $0xFFFFF000  }
0x85: {  	[spmem:s3] =	stream.indirect.scatter.add.f32 [tilespmem:s16], [sflag:$0xA], $0x20, s13, s14, $0xb8;
	[tilespmem:$0x12000] =	vst v63  }
0x86: {  	_ =	swait.ge [sflag:s25], $0x1000  }
0x87: {  	[sflag:s25] =	ssyncset.done $0x0  }
0x88: {  	s13 =	sadd.s32 $0x2900, s10;
	[sflag:s25] =	ssyncadd.s32 $0xFFFFF000  }
0x89: {  	[spmem:s3] =	stream.indirect.scatter.add.f32 [tilespmem:s17], [sflag:$0xB], $0x20, s13, s14, $0xb8;
	[tilespmem:$0x12000] =	vst v63  }
0x8a: {  	_ =	swait.ge [sflag:s26], $0x1000  }
0x8b: {  	[sflag:s26] =	ssyncset.done $0x0  }
0x8c: {  	s13 =	sadd.s32 $0x2980, s10;
	[sflag:s26] =	ssyncadd.s32 $0xFFFFF000  }
0x8d: {  	[spmem:s3] =	stream.indirect.scatter.add.f32 [tilespmem:s18], [sflag:$0xC], $0x20, s13, s14, $0xb8;
	[tilespmem:$0x12000] =	vst v63  }
0x8e: {  	_ =	swait.ge [sflag:s28], $0x1000  }
0x8f: {  	[sflag:s28] =	ssyncset.done $0x0  }
0x90: {  	s13 =	sadd.s32 $0x2A00, s10;
	[sflag:s28] =	ssyncadd.s32 $0xFFFFF000  }
0x91: {  	[spmem:s3] =	stream.indirect.scatter.add.f32 [tilespmem:s19], [sflag:$0xD], $0x20, s13, s14, $0xb8;
	[tilespmem:$0x12000] =	vst v63  }
0x92: {  	_ =	swait.ge [sflag:s29], $0x1000  }
0x93: {  	[sflag:s29] =	ssyncset.done $0x0  }
0x94: {  	s13 =	sadd.s32 $0x2A80, s10;
	[sflag:s29] =	ssyncadd.s32 $0xFFFFF000  }
0x95: {  	[spmem:s3] =	stream.indirect.scatter.add.f32 [tilespmem:s20], [sflag:$0xE], $0x20, s13, s14, $0xb8;
	[tilespmem:$0x12000] =	vst v63  }
0x96: {  	_ =	swait.ge [sflag:s30], $0x1000  }
0x97: {  	[sflag:s30] =	ssyncset.done $0x0  }
0x98: {  	s13 =	sadd.s32 $0x2B00, s10;
	[sflag:s30] =	ssyncadd.s32 $0xFFFFF000  }
0x99: {  	[spmem:s3] =	stream.indirect.scatter.add.f32 [tilespmem:s21], [sflag:$0xF], $0x20, s13, s14, $0xb8;
	[tilespmem:$0x12000] =	vst v63  }
0x9a: {  	_ =	swait.ge [sflag:s31], $0x1000  }
0x9b: {  	[sflag:s31] =	ssyncset.done $0x0  }
0x9c: {  	s10 =	sadd.s32 $0x2B80, s10;
	[sflag:s31] =	ssyncadd.s32 $0xFFFFF000  }
0x9d: {  	[spmem:s3] =	stream.indirect.scatter.add.f32 [tilespmem:s22], [sflag:$0x10], $0x20, s10, s14, $0xb8;
	[tilespmem:$0x12000] =	vst v63  }
0x9e: {  	_ =	swait.ge [sflag:s2], $0x1000  }
0x9f: {  	[sflag:s2] =	ssyncset.done $0x0  }
0xa0: {  	[sflag:s2] =	ssyncadd.s32 $0xFFFFF000  }
0xa1: {  	_ =	swait.ge [sflag:s0], $0x1000  }
0xa2: {  	[sflag:s0] =	ssyncset.done $0x0  }
0xa3: {  	[sflag:s0] =	ssyncadd.s32 $0xFFFFF000  }
0xa4: {  	_ =	swait.ge [sflag:s11], $0x1000  }
0xa5: {  	[sflag:s11] =	ssyncset.done $0x0  }
0xa6: {  	[sflag:s11] =	ssyncadd.s32 $0xFFFFF000  }
0xa7: {  	_ =	swait.ge [sflag:s4], $0x1000  }
0xa8: {  	[sflag:s4] =	ssyncset.done $0x0  }
0xa9: {  	[sflag:s4] =	ssyncadd.s32 $0xFFFFF000  }
0xaa: {  	_ =	swait.ge [sflag:s5], $0x1000  }
0xab: {  	[sflag:s5] =	ssyncset.done $0x0  }
0xac: {  	[sflag:s5] =	ssyncadd.s32 $0xFFFFF000  }
0xad: {  	_ =	swait.ge [sflag:s6], $0x1000  }
0xae: {  	[sflag:s6] =	ssyncset.done $0x0  }
0xaf: {  	[sflag:s6] =	ssyncadd.s32 $0xFFFFF000  }
.Ltmp0:
0xb0: {  	_ =	swait.ge [sflag:s7], $0x1000;
	(pc) =	sbr.rel @p0 .LBB2_2-.Ltmp0, $4  }
0xb1: {  	[sflag:s7] =	ssyncset.done $0x0  }
0xb2: {  	[sflag:s7] =	ssyncadd.s32 $0xFFFFF000  }
0xb3: {  	_ =	swait.ge [sflag:s8], $0x1000  }
0xb4: {  	s13 =	smov.u32 s9;
	[sflag:s8] =	ssyncset.done $0x0  }
0xb5: {  	s9 =	sshra.s32 s12, $0x2;
	[sflag:s8] =	ssyncadd.s32 $0xFFFFF000  }
0xb6: {  	[tilespmem:s15], [sflag:$0x1] =	stream.indirect.gather [hbm4b:s1+s14], $0x20, s9, s14, $0xb8;
	[tilespmem:$0x12000] =	vst v63  }
0xb7: {  	s10 =	sadd.s32 $0x80, s9  }
0xb8: {  	[tilespmem:s16], [sflag:$0x2] =	stream.indirect.gather [hbm4b:s1+s14], $0x20, s10, s14, $0xb8;
	[tilespmem:$0x12000] =	vst v63  }
0xb9: {  	s13 =	sadd.s32 $0x100, s9  }
0xba: {  	[tilespmem:s17], [sflag:$0x3] =	stream.indirect.gather [hbm4b:s1+s14], $0x20, s13, s14, $0xb8;
	[tilespmem:$0x12000] =	vst v63  }
0xbb: {  	s12 =	sadd.s32 $0x180, s9  }
0xbc: {  	[tilespmem:s18], [sflag:$0x4] =	stream.indirect.gather [hbm4b:s1+s14], $0x20, s12, s14, $0xb8;
	[tilespmem:$0x12000] =	vst v63  }
0xbd: {  	s13 =	sadd.s32 $0x200, s9  }
0xbe: {  	[tilespmem:s19], [sflag:$0x5] =	stream.indirect.gather [hbm4b:s1+s14], $0x20, s13, s14, $0xb8;
	[tilespmem:$0x12000] =	vst v63  }
0xbf: {  	s12 =	sadd.s32 $0x280, s9  }
0xc0: {  	[tilespmem:s20], [sflag:$0x6] =	stream.indirect.gather [hbm4b:s1+s14], $0x20, s12, s14, $0xb8;
	[tilespmem:$0x12000] =	vst v63  }
0xc1: {  	s13 =	sadd.s32 $0x300, s9  }
0xc2: {  	[tilespmem:s21], [sflag:$0x7] =	stream.indirect.gather [hbm4b:s1+s14], $0x20, s13, s14, $0xb8;
	[tilespmem:$0x12000] =	vst v63  }
0xc3: {  	s12 =	sadd.s32 $0x380, s9  }
0xc4: {  	[tilespmem:s22], [sflag:$0x8] =	stream.indirect.gather [hbm4b:s1+s14], $0x20, s12, s14, $0xb8;
	[tilespmem:$0x12000] =	vst v63  }
0xc5: {  	_ =	swait.ge [sflag:s23], $0x1000  }
0xc6: {  	[sflag:s23] =	ssyncset.done $0x0  }
0xc7: {  	s13 =	sadd.s32 $0x2800, s9;
	[sflag:s23] =	ssyncadd.s32 $0xFFFFF000  }
0xc8: {  	[spmem:s3] =	stream.indirect.scatter.add.f32 [tilespmem:s15], [sflag:$0x9], $0x20, s13, s14, $0xb8;
	[tilespmem:$0x12000] =	vst v63  }
0xc9: {  	_ =	swait.ge [sflag:s24], $0x1000  }
0xca: {  	[sflag:s24] =	ssyncset.done $0x0  }
0xcb: {  	s12 =	sadd.s32 $0x2880, s9;
	[sflag:s24] =	ssyncadd.s32 $0xFFFFF000  }
0xcc: {  	[spmem:s3] =	stream.indirect.scatter.add.f32 [tilespmem:s16], [sflag:$0xA], $0x20, s12, s14, $0xb8;
	[tilespmem:$0x12000] =	vst v63  }
0xcd: {  	_ =	swait.ge [sflag:s25], $0x1000  }
0xce: {  	[sflag:s25] =	ssyncset.done $0x0  }
0xcf: {  	s13 =	sadd.s32 $0x2900, s9;
	[sflag:s25] =	ssyncadd.s32 $0xFFFFF000  }
0xd0: {  	[spmem:s3] =	stream.indirect.scatter.add.f32 [tilespmem:s17], [sflag:$0xB], $0x20, s13, s14, $0xb8;
	[tilespmem:$0x12000] =	vst v63  }
0xd1: {  	_ =	swait.ge [sflag:s26], $0x1000  }
0xd2: {  	[sflag:s26] =	ssyncset.done $0x0  }
0xd3: {  	s12 =	sadd.s32 $0x2980, s9;
	[sflag:s26] =	ssyncadd.s32 $0xFFFFF000  }
0xd4: {  	[spmem:s3] =	stream.indirect.scatter.add.f32 [tilespmem:s18], [sflag:$0xC], $0x20, s12, s14, $0xb8;
	[tilespmem:$0x12000] =	vst v63  }
0xd5: {  	_ =	swait.ge [sflag:s28], $0x1000  }
0xd6: {  	[sflag:s28] =	ssyncset.done $0x0  }
0xd7: {  	s13 =	sadd.s32 $0x2A00, s9;
	[sflag:s28] =	ssyncadd.s32 $0xFFFFF000  }
0xd8: {  	[spmem:s3] =	stream.indirect.scatter.add.f32 [tilespmem:s19], [sflag:$0xD], $0x20, s13, s14, $0xb8;
	[tilespmem:$0x12000] =	vst v63  }
0xd9: {  	_ =	swait.ge [sflag:s29], $0x1000  }
0xda: {  	[sflag:s29] =	ssyncset.done $0x0  }
0xdb: {  	s12 =	sadd.s32 $0x2A80, s9;
	[sflag:s29] =	ssyncadd.s32 $0xFFFFF000  }
0xdc: {  	[spmem:s3] =	stream.indirect.scatter.add.f32 [tilespmem:s20], [sflag:$0xE], $0x20, s12, s14, $0xb8;
	[tilespmem:$0x12000] =	vst v63  }
0xdd: {  	_ =	swait.ge [sflag:s30], $0x1000  }
0xde: {  	[sflag:s30] =	ssyncset.done $0x0  }
0xdf: {  	s13 =	sadd.s32 $0x2B00, s9;
	[sflag:s30] =	ssyncadd.s32 $0xFFFFF000  }
0xe0: {  	[spmem:s3] =	stream.indirect.scatter.add.f32 [tilespmem:s21], [sflag:$0xF], $0x20, s13, s14, $0xb8;
	[tilespmem:$0x12000] =	vst v63  }
0xe1: {  	_ =	swait.ge [sflag:s31], $0x1000  }
0xe2: {  	[sflag:s31] =	ssyncset.done $0x0  }
0xe3: {  	s9 =	sadd.s32 $0x2B80, s9;
	[sflag:s31] =	ssyncadd.s32 $0xFFFFF000  }
0xe4: {  	[spmem:s3] =	stream.indirect.scatter.add.f32 [tilespmem:s22], [sflag:$0x10], $0x20, s9, s14, $0xb8;
	[tilespmem:$0x12000] =	vst v63  }
0xe5: {  	_ =	swait.ge [sflag:s2], $0x1000  }
0xe6: {  	[sflag:s2] =	ssyncset.done $0x0  }
0xe7: {  	[sflag:s2] =	ssyncadd.s32 $0xFFFFF000  }
0xe8: {  	_ =	swait.ge [sflag:s0], $0x1000  }
0xe9: {  	[sflag:s0] =	ssyncset.done $0x0  }
0xea: {  	[sflag:s0] =	ssyncadd.s32 $0xFFFFF000  }
0xeb: {  	_ =	swait.ge [sflag:s11], $0x1000  }
0xec: {  	[sflag:s11] =	ssyncset.done $0x0  }
0xed: {  	[sflag:s11] =	ssyncadd.s32 $0xFFFFF000  }
0xee: {  	_ =	swait.ge [sflag:s4], $0x1000  }
0xef: {  	[sflag:s4] =	ssyncset.done $0x0  }
0xf0: {  	[sflag:s4] =	ssyncadd.s32 $0xFFFFF000  }
0xf1: {  	_ =	swait.ge [sflag:s5], $0x1000  }
0xf2: {  	[sflag:s5] =	ssyncset.done $0x0  }
0xf3: {  	[sflag:s5] =	ssyncadd.s32 $0xFFFFF000  }
0xf4: {  	_ =	swait.ge [sflag:s6], $0x1000  }
0xf5: {  	[sflag:s6] =	ssyncset.done $0x0  }
0xf6: {  	[sflag:s6] =	ssyncadd.s32 $0xFFFFF000  }
0xf7: {  	_ =	swait.ge [sflag:s7], $0x1000  }
0xf8: {  	[sflag:s7] =	ssyncset.done $0x0  }
0xf9: {  	[sflag:s7] =	ssyncadd.s32 $0xFFFFF000  }
0xfa: {  	_ =	swait.ge [sflag:s8], $0x1000  }
0xfb: {  	[sflag:s8] =	ssyncset.done $0x0  }
0xfc: {  	[sflag:s8] =	ssyncadd.s32 $0xFFFFF000  }
0xfd: {  	[bflag:$0x0] =	sbarrier.arrive $0xFFFF  }
0xfe: {  	s12 =	rddreg [dreg:$0x7]  }
0xff: {  	s10 =	rddreg [dreg:$0x9]  }
0x100: {  	s13 =	rddreg [dreg:$0xa]  }
0x101: {  	[hbm:s12], [sflag:s10] =	dma.local [spmem:s13], $0xA00  }
0x102: {  	s12 =	simm.s32 $0x11  }
0x103: {  	_ =	swait.ge [sflag:s12], $0xA00  }
0x104: {  	s13 =	rddreg [dreg:$0xb]  }
0x105: {  	s10 =	rddreg [dreg:$0x8];
	s13 =	sadd.s32 $0x1, s13  }
0x106: {  	p0 =	sne.s32 s13, s10  }
.Ltmp1:
0x107: {  	_ = 	snop;
	(pc) =	sbr.rel @p0 .LBB2_1-.Ltmp1, $3  }
0x108: {  	_ =	sdelay $0x1  }
0x109: {  	[sflag:s12] =	ssyncset.done $0x0  }
0x10a: {  	[sflag:s12] =	ssyncadd.s32 $0xFFFFF600;
	[dreg:$0xb] =	wrdreg s13  }
0x10b: {  	_ =	sfence.sel $0x180000  }
0x10c: {  	[bflag:$0x0] =	sbarrier.arrive $0xFFFF  }
0x10d: {  	_ =	strace $0x9000004A  }
0x10e: {  	s0 =	stileid.u32;
	[bflag:$0x2] =	sbarrier.arrive $0xFFFF  }
0x10f: {  	p0 =	sne.s32 s0, $0x0;
	s0 =	rddreg [dreg:$0x3]  }
0x110: {  	s0 =	sadd.s32 @!p0 $0x100000, s0  }
0x111: {  	[sflag:s0] =	ssyncadd.tile.s32 @!p0 $0x1;
	_ =	shalt  }
.Lfunc_end2:
_tile_overlayer_lowered:
.L_overlay_start_2:
0x112: {  	(tag) =	ssettag $0x2  }
0x113: {  	s0 =	rddreg [dreg:$0x0];
	s2 =	stileid.u32  }
0x114: {  	s1 =	rddreg [dreg:$0x1];
	p0 =	sne.s32 s2, $0x0  }
0x115: {  	s3 =	rddreg [dreg:$0x2];
	[bflag:$0x3] =	sbarrier.arrive $0xFFFF;
	s2 =	simm.s32 @!p0 $0x1C11  }
0x116: {  	[timem:s3], [sflag:s2] =	dma.local @!p0 [hbm:s0], s1  }
0x117: {  	s0 =	simm.s32 @!p0 $0x11  }
0x118: {  	_ =	swait.ge @!p0 [sflag:s0], s1  }
0x119: {  	s1 =	ssub.s32 @!p0 $0x0, s1;
	[sflag:s0] =	ssyncset.done @!p0 $0x0  }
0x11a: {  	[sflag:s0] =	ssyncadd.s32 @!p0 s1  }
0x11b: {  	[bflag:$0x3] =	sbarrier.arrive $0xFFFF  }
0x11c: {  	_ =	shalt  }

// kernel: kernel.17.cloned.1.call-start
scs
__scs_entry_jumppad:
0x0: {  	(pc) =	sbr.rel $0x88, $3  }
0x1: {  	(tag) =	ssettag $0x0;
	lr =	simm.s32 $0x1  }
0x2: {  	[smem:$0x3F99] =	sst lr;
	_ =	strace $0xD0000000  }
0x3: {  	_ = 	snop  }
0x4: {  	_ = 	snop  }
0x5: {  	_ = 	snop  }
0x6: {  	_ = 	snop  }
0x7: {  	_ = 	snop  }
__scs_overlays_trampoline_lowered:
0x8: {  	[smem:$0x3FA8] =	sst s0  }
0x9: {  	[smem:$0x3FA9] =	sst s1  }
0xa: {  	[smem:$0x3FAA] =	sst s2  }
0xb: {  	[smem:$0x3FAB] =	sst s3  }
0xc: {  	[smem:$0x3FAC] =	sst s4  }
0xd: {  	[smem:$0x3FAD] =	sst s5  }
0xe: {  	[smem:$0x3FAE] =	sst s6  }
0xf: {  	[smem:$0x3FAF] =	sst s7  }
0x10: {  	[smem:$0x3FB0] =	sst s8  }
0x11: {  	[smem:$0x3FB1] =	sst s9;
	s0 =	simm.s32 @!p0 $0x0  }
0x12: {  	s1 =	sld [smem:$0x3F97];
	s0 =	simm.s32 @p0 $0x1  }
0x13: {  	[smem:$0x3FB2] =	sst s0;
	s0 =	simm.s32 @!p1 $0x0  }
0x14: {  	s2 =	sld [smem:$0x3F96];
	s0 =	simm.s32 @p1 $0x1  }
0x15: {  	[smem:$0x3FB3] =	sst s0;
	s0 =	simm.s32 @!p2 $0x0  }
0x16: {  	s3 =	sld [smem:$0x3FDB];
	s0 =	simm.s32 @p2 $0x1  }
0x17: {  	s4 =	simm.s32 $0x1BF5;
	[smem:$0x3FB5] =	sst s0  }
0x18: {  	s0 =	sld [smem:$0x3F98];
	_ =	swait.ge [sflag:s4], $0x0  }
0x19: {  	s7 =	sld [smem:$0x3F99]  }
0x1a: {  	s8 =	sadd.s32 $0xFFFFE003, lr  }
0x1b: {  	s9 =	sadd.s32 $0xFFFFFEF7, lr;
	s5 =	simm.s32 $0xFFFFFFFF;
	p2 =	slt.u32 s8, $0xFFFFF086  }
0x1c: {  	p1 =	slt.u32 s9, $0xF7A;
	s5 =	simm.s32 @!p2 $0x0  }
0x1d: {  	s5 =	simm.s32 @p1 $0x1;
	p0 =	seq.s32 s7, s2  }
0x1e: {  	s7 =	smul.u32 @!p0 $0xF7A, s2;
	p2 =	seq.s32 @!p0 s5, $0x0  }
0x1f: {  	s9 =	smul.u32 $0xF7A, s1;
	s8 =	simm.s32 @!p0 $0x1BF5;
	p2 =	por !p2, p0  }
0x20: {  	[sflag:s8] =	ssyncset.s32 @!p0 $0xFFFFF086;
	s6 =	sadd.s32 @!p0 s3, s7;
	s7 =	simm.s32 @!p0 $0x108  }
0x21: {  	s3 =	sadd.s32 s3, s9;
	s6 =	sadd.s32 @!p0 $0x88, s6;
	s7 =	simm.s32 @p2 $0x1082  }
0x22: {  	[simem:s7], [sflag:s8] =	dma.local @!p0 [hbm:s6], $0xF7A  }
0x23: {  	s9 =	sor.u32 $0xD0000000, s2;
	s6 =	simm.s32 $0x108;
	_ =	swait.ge @!p0 [sflag:s8], $0x0  }
0x24: {  	s3 =	sadd.s32 $0x88, s3;
	s6 =	simm.s32 @!p1 $0x1082;
	[sflag:s4] =	ssyncset.s32 $0xFFFFF086  }
0x25: {  	[simem:s6], [sflag:s4] =	dma.local [hbm:s3], $0xF7A  }
0x26: {  	[smem:$0x3F99] =	sst s1;
	(tag) =	ssettag s2;
	_ =	strace s9  }
0x27: {  	s1 =	sld [smem:$0x3FA9]  }
0x28: {  	s2 =	sld [smem:$0x3FAA]  }
0x29: {  	s4 =	sld [smem:$0x3FAC]  }
0x2a: {  	p0 =	seq.s32 s5, $0x0;
	s5 =	sld [smem:$0x3FAD]  }
0x2b: {  	s6 =	sld [smem:$0x3FAE]  }
0x2c: {  	s7 =	sld [smem:$0x3FAF]  }
0x2d: {  	s3 =	simm.s32 $0x108;
	s8 =	sld [smem:$0x3FB0]  }
0x2e: {  	s3 =	simm.s32 @!p0 $0x1082;
	s9 =	sld [smem:$0x3FB1]  }
0x2f: {  	lr =	sadd.s32 s0, s3;
	s0 =	sld [smem:$0x3FA8]  }
0x30: {  	s3 =	sld [smem:$0x3FAB]  }
0x31: {  	[smem:$0x3FB4] =	sst s10  }
0x32: {  	s10 =	sld [smem:$0x3FB2];
	_ =	sdelay $0x3  }
0x33: {  	p0 =	seq.s32 s10, $0x1;
	s10 =	sld [smem:$0x3FB4];
	_ =	sdelay $0x3  }
0x34: {  	[smem:$0x3FB4] =	sst s10  }
0x35: {  	s10 =	sld [smem:$0x3FB3];
	_ =	sdelay $0x3  }
0x36: {  	p1 =	seq.s32 s10, $0x1;
	s10 =	sld [smem:$0x3FB4];
	_ =	sdelay $0x3  }
0x37: {  	[smem:$0x3FB4] =	sst s10  }
0x38: {  	s10 =	sld [smem:$0x3FB5]  }
0x39: {  	_ = 	snop;
	(pc) =	sbr.ind lr, $3  }
0x3a: {  	_ = 	snop  }
0x3b: {  	_ = 	snop  }
0x3c: {  	p2 =	seq.s32 s10, $0x1;
	s10 =	sld [smem:$0x3FB4]  }
0x3d: {  	_ =	shalt  }
0x3e: {  	_ =	shalt  }
0x3f: {  	_ =	shalt  }
0x40: {  	_ =	shalt  }
0x41: {  	_ =	shalt  }
0x42: {  	_ =	shalt  }
0x43: {  	_ =	shalt  }
0x44: {  	_ =	shalt  }
0x45: {  	_ =	shalt  }
0x46: {  	_ =	shalt  }
0x47: {  	_ =	shalt  }
0x48: {  	_ =	shalt  }
0x49: {  	_ =	shalt  }
0x4a: {  	_ =	shalt  }
0x4b: {  	_ =	shalt  }
0x4c: {  	_ =	shalt  }
0x4d: {  	_ =	shalt  }
0x4e: {  	_ =	shalt  }
0x4f: {  	_ =	shalt  }
0x50: {  	_ =	shalt  }
0x51: {  	_ =	shalt  }
0x52: {  	_ =	shalt  }
0x53: {  	_ =	shalt  }
0x54: {  	_ =	shalt  }
0x55: {  	_ =	shalt  }
0x56: {  	_ =	shalt  }
0x57: {  	_ =	shalt  }
0x58: {  	_ =	shalt  }
0x59: {  	_ =	shalt  }
0x5a: {  	_ =	shalt  }
0x5b: {  	_ =	shalt  }
0x5c: {  	_ =	shalt  }
0x5d: {  	_ =	shalt  }
0x5e: {  	_ =	shalt  }
0x5f: {  	_ =	shalt  }
0x60: {  	_ =	shalt  }
0x61: {  	_ =	shalt  }
0x62: {  	_ =	shalt  }
0x63: {  	_ =	shalt  }
0x64: {  	_ =	shalt  }
0x65: {  	_ =	shalt  }
0x66: {  	_ =	shalt  }
0x67: {  	_ =	shalt  }
0x68: {  	_ =	shalt  }
0x69: {  	_ =	shalt  }
0x6a: {  	_ =	shalt  }
0x6b: {  	_ =	shalt  }
0x6c: {  	_ =	shalt  }
0x6d: {  	_ =	shalt  }
0x6e: {  	_ =	shalt  }
0x6f: {  	_ =	shalt  }
0x70: {  	_ =	shalt  }
0x71: {  	_ =	shalt  }
0x72: {  	_ =	shalt  }
0x73: {  	_ =	shalt  }
0x74: {  	_ =	shalt  }
0x75: {  	_ =	shalt  }
0x76: {  	_ =	shalt  }
0x77: {  	_ =	shalt  }
0x78: {  	_ =	shalt  }
0x79: {  	_ =	shalt  }
0x7a: {  	_ =	shalt  }
0x7b: {  	_ =	shalt  }
0x7c: {  	_ =	shalt  }
0x7d: {  	_ =	shalt  }
0x7e: {  	_ =	shalt  }
0x7f: {  	_ =	shalt  }
0x80: {  	_ =	shalt  }
0x81: {  	_ =	shalt  }
0x82: {  	_ =	shalt  }
0x83: {  	_ =	shalt  }
0x84: {  	_ =	shalt  }
0x85: {  	_ =	shalt  }
0x86: {  	_ =	shalt  }
0x87: {  	_ =	shalt  }
.Lfunc_end0:
.L_simem_size_0:
called_computation.2_lowered:
.L_overlay_start_0:
0x88: {  	s2 =	sld [smem:$0x3FD9]  }
0x89: {  	s3 =	sld [smem:$0x3FFE];
	_ =	sdelay $0x1  }
0x8a: {  	s1 =	srdreg.scid  }
0x8b: {  	s0 =	sand.u32 $0x1, s1  }
0x8c: {  	s17 =	sshll.u32 s0, $0xA;
	s2 =	sadd.s32 s3, s2  }
0x8d: {  	s2 =	sadd.s32 s2, s17  }
0x8e: {  	[smem:$0x3FC0] =	sst s2  }
0x8f: {  	_ = 	snop  }
0x90: {  	s2 =	sld [smem:$0x3FD0];
	(tm) =	ssettm $0x1  }
0x91: {  	s18 =	sld [smem:$0x3FFB];
	_ =	sdelay $0x3  }
0x92: {  	_ =	strace s18  }
0x93: {  	s3 =	sld [smem:$0x3FFC];
	_ =	sdelay $0x3  }
0x94: {  	_ =	strace s3  }
0x95: {  	s3 =	sld [smem:$0x3FFD];
	_ =	sdelay $0x3  }
0x96: {  	_ =	strace s3  }
0x97: {  	_ =	strace $0x8FFFFFFF  }
0x98: {  	s19 =	sld [smem:$0x3FDB];
	_ =	sdelay $0x1  }
0x99: {  	s4 =	simm.s32 $_scs_section_size  }
0x9a: {  	s5 =	simm.s32 $_size__tile_overlayer_lowered;
	s6 =	simm.s32 $_tile_overlayer_lowered  }
0x9b: {  	s22 =	simm.s32 $0x1BFF;
	s21 =	sshll.u32 s6, $0x1;
	s3 =	sadd.s32 s4, s19  }
0x9c: {  	s7 =	simm.s32 $0x0;
	s20 =	sshll.u32 s5, $0x1;
	s5 =	sadd.s32 s21, s3  }
0x9d: {  	[timem:s7], [sflag:s22] =	dma.local [hbm:s5], s20  }
0x9e: {  	_ =	swait.ge [sflag:s22], s20  }
0x9f: {  	s4 =	ssub.s32 $0x0, s20;
	[sflag:s22] =	ssyncset.done $0x0  }
0xa0: {  	[sflag:s22] =	ssyncadd.s32 s4;
	_ =	sdelay $0x1  }
0xa1: {  	s23 =	simm.s32 $0x1B8B  }
0xa2: {  	_ =	swait.ge [sflag:s23], $0x1  }
0xa3: {  	[sflag:s23] =	ssyncset.done $0x0  }
0xa4: {  	s25 =	simm.s32 $0x1B8E;
	s24 =	sld [smem:$0x3FFE];
	[sflag:s23] =	ssyncadd.s32 $0xFFFFFFFF  }
0xa5: {  	s26 =	simm.s32 $execute0_lowered;
	[smem:$0x3FD2] =	sst s25  }
0xa6: {  	s5 =	sshll.u32 s26, $0x1;
	_ =	strace $0x8000004C;
	[dreg:$0x1] =	wrdreg $0xFFFFFFFF  }
0xa7: {  	s28 =	simm.s32 $_size_execute0_lowered;
	s3 =	sadd.s32 s3, s5;
	[dreg:$0x0] =	wrdreg $0x0  }
0xa8: {  	s5 =	sshll.u32 s28, $0x1;
	[dreg:$0x2] =	wrdreg s3  }
0xa9: {  	[dreg:$0x3] =	wrdreg s5  }
0xaa: {  	[dreg:$0x4] =	wrdreg $0xC0  }
0xab: {  	_ =	task [dreg:s7], $0x5FFFF  }
0xac: {  	[dreg:$0x1] =	wrdreg $0xFFFFFFFF  }
0xad: {  	[dreg:$0x0] =	wrdreg $0x60  }
0xae: {  	[dreg:$0x2] =	wrdreg s2  }
0xaf: {  	[dreg:$0x3] =	wrdreg s24  }
0xb0: {  	[dreg:$0x4] =	wrdreg $0xD0000  }
0xb1: {  	[dreg:$0x5] =	wrdreg $0x9  }
0xb2: {  	_ =	task.clear_ibuf [dreg:s7], $0x6FFFF;
	_ =	strace $0x9000004C  }
0xb3: {  	s29 =	simm.s32 $0x9;
	_ =	strace $0x8000004E  }
0xb4: {  	_ =	swait.ge [sflag:s29], $0x1  }
0xb5: {  	[sflag:s29] =	ssyncadd.s32 $0xFFFFFFFF  }
0xb6: {  	_ =	strace $0x9000004E  }
0xb7: {  	_ =	sfence  }
0xb8: {  	s30 =	sld [smem:$0x0];
	_ =	sdelay $0x2  }
0xb9: {  	s31 =	sshll.u32 s1, $0xD;
	s1 =	sshrl.u32 s1, $0x2  }
0xba: {  	s3 =	sand.u32 $0x4000, s31;
	s1 =	sadd.s32 s1, s30  }
0xbb: {  	s0 =	sor.u32 s3, s0;
	s1 =	sshll.u32 s1, $0x11  }
0xbc: {  	s0 =	sor.u32 s1, s0  }
0xbd: {  	s0 =	sadd.s32 $0x8F2B, s0  }
0xbe: {  	[sflag:s0] =	ssyncadd.remote.s32 $0x1  }
0xbf: {  	_ =	sfence.sel $0xFFFF  }
0xc0: {  	[dreg:$0x0] =	wrdreg $0xFFFFFFFF;
	(pc) =	sbr.abs _section_cstart, $3  }
0xc1: {  	[dreg:$0x1] =	wrdreg $0xFFFFFFFF  }
0xc2: {  	_ =	task.clear_ibuf [dreg:s7], $0x2FFFF;
	_ =	strace $0x9FFFFFFF  }
0xc3: {  	(tm) =	ssettm $0x7FFFFFFF  }
tec
execute0_lowered:
.L_overlay_start_1:
0x0: {  	(tag) =	ssettag $0x1  }
0x1: {  	s0 =	srdreg.scid;
	s1 =	rddreg [dreg:$0x0]  }
0x2: {  	s9 =	stileid.u32;
	s4 =	rddreg [dreg:$0x1]  }
0x3: {  	s3 =	rddreg [dreg:$0x2];
	s6 =	simm.s32 $0x0;
	s12 =	simm.s32 $0x11  }
0x4: {  	s14 =	simm.s32 $0x80;
	s15 =	simm.s32 $0x5000;
	s16 =	simm.s32 $0x6000  }
0x5: {  	s17 =	simm.s32 $0x7000;
	s18 =	simm.s32 $0x8000;
	s19 =	simm.s32 $0x9000  }
0x6: {  	s20 =	simm.s32 $0xA000;
	s21 =	simm.s32 $0xB000;
	s28 =	simm.s32 $0x5  }
0x7: {  	s29 =	simm.s32 $0x6;
	s30 =	simm.s32 $0x7;
	s31 =	simm.s32 $0x8  }
0x8: {  	s11 =	simm.s32 $0xB;
	s0 =	sand.u32 $0x1, s0;
	s2 =	sshll.u32 s9, $0x1  }
0x9: {  	s5 =	smul.u32 $0x5000, s9;
	[smem:$0x7FF] =	sst s6;
	s26 =	sshll.u32 s9, $0x6  }
0xa: {  	s9 =	simm.s32 $0x0;
	s2 =	sor.u32 s0, s2;
	s22 =	smul.u32 $0x50000, s0  }
0xb: {  	_ =	strace $0x8000004D;
	s0 =	ssub.s32 $0x2, s0;
	s10 =	sor.u32 $0x1C11, s26  }
0xc: {  	s26 =	simm.s32 $0x4;
	[dreg:$0xb] =	wrdreg s9;
	s2 =	smul.u32 $0x500, s2  }
0xd: {  	s7 =	sshrl.u32 s5, $0x3;
	s8 =	sshrl.u32 s0, $0x1;
	s24 =	sadd.s32 s5, s3  }
0xe: {  	[dreg:$0x9] =	wrdreg s10;
	s6 =	sadd.s32 s5, s22;
	s7 =	sadd.s32 s7, s4  }
0xf: {  	s0 =	ssub.s32 s0, s8;
	s13 =	sshrl.u32 s24, $0x3;
	s22 =	simm.s32 $0xC000  }
0x10: {  	s24 =	simm.s32 $0x2;
	s5 =	simm.s32 $0xD;
	s8 =	simm.s32 $0x10  }
0x11: {  	s2 =	sadd.s32 s2, s4;
	s6 =	sshrl.u32 s6, $0x3;
	s25 =	sadd.s32 $0x17000, s7  }
0x12: {  	s0 =	smax.u32 s0, $0x1;
	s7 =	simm.s32 $0xF;
	[dreg:$0xa] =	wrdreg s13  }
0x13: {  	s4 =	sadd.s32 s6, s4;
	s23 =	sadd.s32 $0xD000, s2;
	[dreg:$0x6] =	wrdreg s25  }
0x14: {  	s2 =	sadd.s32 $0x2A00, s2;
	[dreg:$0x8] =	wrdreg s0;
	s25 =	simm.s32 $0x3  }
0x15: {  	s0 =	simm.s32 $0xA;
	s6 =	simm.s32 $0xE;
	[dreg:$0x4] =	wrdreg s23  }
0x16: {  	[dreg:$0x5] =	wrdreg s2;
	s4 =	sadd.s32 $0x21000, s4;
	s23 =	simm.s32 $0x1  }
0x17: {  	s2 =	simm.s32 $0x9;
	[dreg:$0x7] =	wrdreg s4;
	s4 =	simm.s32 $0xC  }
.LBB2_1:
0x18: {  	s9 =	simm.s32 $0x0;
	s10 =	rddreg [dreg:$0x4]  }
0x19: {  	[tilespmem:s9], [sflag:$0x11] =	stream.linear.gather [hbm4b:s10+s9], $0x2800, $0x38;
	[tilespmem:$0x12000] =	vst v63  }
0x1a: {  	_ =	swait.ge [sflag:s12], $0x2800  }
0x1b: {  	[sflag:s12] =	ssyncset.done $0x0  }
0x1c: {  	s13 =	simm.s32 $0x2800;
	s10 =	rddreg [dreg:$0x5];
	[sflag:s12] =	ssyncadd.s32 $0xFFFFD800  }
0x1d: {  	[tilespmem:s13], [sflag:$0x11] =	stream.linear.gather [hbm4b:s10+s9], $0x2800, $0x38;
	[tilespmem:$0x12000] =	vst v63  }
0x1e: {  	_ =	swait.ge [sflag:s12], $0x2800  }
0x1f: {  	s9 =	rddreg [dreg:$0x6]  }
0x20: {  	[sflag:s12] =	ssyncset.done $0x0;
	s10 =	rddreg [dreg:$0x9]  }
0x21: {  	s13 =	rddreg [dreg:$0xa];
	[sflag:s12] =	ssyncadd.s32 $0xFFFFD800  }
0x22: {  	[spmem:s13], [sflag:s10] =	dma.local [hbm:s9], $0xA00  }
0x23: {  	_ =	swait.ge [sflag:s12], $0xA00  }
0x24: {  	[sflag:s12] =	ssyncset.done $0x0  }
0x25: {  	[sflag:s12] =	ssyncadd.s32 $0xFFFFF600  }
0x26: {  	s13 =	simm.s32 $0x0;
	[bflag:$0x0] =	sbarrier.arrive $0xFFFF  }
0x27: {  	[tilespmem:s15], [sflag:$0x1] =	stream.indirect.gather [hbm4b:s1+s14], $0x20, s13, s14, $0xb8;
	[tilespmem:$0x12000] =	vst v63  }
0x28: {  	s10 =	simm.s32 $0x80  }
0x29: {  	[tilespmem:s16], [sflag:$0x2] =	stream.indirect.gather [hbm4b:s1+s14], $0x20, s10, s14, $0xb8;
	[tilespmem:$0x12000] =	vst v63  }
0x2a: {  	s12 =	simm.s32 $0x100  }
0x2b: {  	[tilespmem:s17], [sflag:$0x3] =	stream.indirect.gather [hbm4b:s1+s14], $0x20, s12, s14, $0xb8;
	[tilespmem:$0x12000] =	vst v63  }
0x2c: {  	s13 =	simm.s32 $0x180  }
0x2d: {  	[tilespmem:s18], [sflag:$0x4] =	stream.indirect.gather [hbm4b:s1+s14], $0x20, s13, s14, $0xb8;
	[tilespmem:$0x12000] =	vst v63  }
0x2e: {  	s10 =	simm.s32 $0x200  }
0x2f: {  	[tilespmem:s19], [sflag:$0x5] =	stream.indirect.gather [hbm4b:s1+s14], $0x20, s10, s14, $0xb8;
	[tilespmem:$0x12000] =	vst v63  }
0x30: {  	s12 =	simm.s32 $0x280  }
0x31: {  	[tilespmem:s20], [sflag:$0x6] =	stream.indirect.gather [hbm4b:s1+s14], $0x20, s12, s14, $0xb8;
	[tilespmem:$0x12000] =	vst v63  }
0x32: {  	s13 =	simm.s32 $0x300  }
0x33: {  	[tilespmem:s21], [sflag:$0x7] =	stream.indirect.gather [hbm4b:s1+s14], $0x20, s13, s14, $0xb8;
	[tilespmem:$0x12000] =	vst v63  }
0x34: {  	s10 =	simm.s32 $0x380  }
0x35: {  	[tilespmem:s22], [sflag:$0x8] =	stream.indirect.gather [hbm4b:s1+s14], $0x20, s10, s14, $0xb8;
	[tilespmem:$0x12000] =	vst v63  }
0x36: {  	_ =	swait.ge [sflag:s23], $0x1000  }
0x37: {  	[sflag:s23] =	ssyncset.done $0x0  }
0x38: {  	s12 =	simm.s32 $0x2800;
	[sflag:s23] =	ssyncadd.s32 $0xFFFFF000  }
0x39: {  	[spmem:s3] =	stream.indirect.scatter.add.f32 [tilespmem:s15], [sflag:$0x9], $0x20, s12, s14, $0xb8;
	[tilespmem:$0x12000] =	vst v63  }
0x3a: {  	_ =	swait.ge [sflag:s24], $0x1000  }
0x3b: {  	[sflag:s24] =	ssyncset.done $0x0  }
0x3c: {  	s13 =	simm.s32 $0x2880;
	[sflag:s24] =	ssyncadd.s32 $0xFFFFF000  }
0x3d: {  	[spmem:s3] =	stream.indirect.scatter.add.f32 [tilespmem:s16], [sflag:$0xA], $0x20, s13, s14, $0xb8;
	[tilespmem:$0x12000] =	vst v63  }
0x3e: {  	_ =	swait.ge [sflag:s25], $0x1000  }
0x3f: {  	[sflag:s25] =	ssyncset.done $0x0  }
0x40: {  	s10 =	simm.s32 $0x2900;
	[sflag:s25] =	ssyncadd.s32 $0xFFFFF000  }
0x41: {  	[spmem:s3] =	stream.indirect.scatter.add.f32 [tilespmem:s17], [sflag:$0xB], $0x20, s10, s14, $0xb8;
	[tilespmem:$0x12000] =	vst v63  }
0x42: {  	_ =	swait.ge [sflag:s26], $0x1000  }
0x43: {  	[sflag:s26] =	ssyncset.done $0x0  }
0x44: {  	s12 =	simm.s32 $0x2980;
	[sflag:s26] =	ssyncadd.s32 $0xFFFFF000  }
0x45: {  	[spmem:s3] =	stream.indirect.scatter.add.f32 [tilespmem:s18], [sflag:$0xC], $0x20, s12, s14, $0xb8;
	[tilespmem:$0x12000] =	vst v63  }
0x46: {  	_ =	swait.ge [sflag:s28], $0x1000  }
0x47: {  	[sflag:s28] =	ssyncset.done $0x0  }
0x48: {  	s13 =	simm.s32 $0x2A00;
	[sflag:s28] =	ssyncadd.s32 $0xFFFFF000  }
0x49: {  	[spmem:s3] =	stream.indirect.scatter.add.f32 [tilespmem:s19], [sflag:$0xD], $0x20, s13, s14, $0xb8;
	[tilespmem:$0x12000] =	vst v63  }
0x4a: {  	_ =	swait.ge [sflag:s29], $0x1000  }
0x4b: {  	[sflag:s29] =	ssyncset.done $0x0  }
0x4c: {  	s10 =	simm.s32 $0x2A80;
	[sflag:s29] =	ssyncadd.s32 $0xFFFFF000  }
0x4d: {  	[spmem:s3] =	stream.indirect.scatter.add.f32 [tilespmem:s20], [sflag:$0xE], $0x20, s10, s14, $0xb8;
	[tilespmem:$0x12000] =	vst v63  }
0x4e: {  	_ =	swait.ge [sflag:s30], $0x1000  }
0x4f: {  	[sflag:s30] =	ssyncset.done $0x0  }
0x50: {  	s12 =	simm.s32 $0x2B00;
	[sflag:s30] =	ssyncadd.s32 $0xFFFFF000  }
0x51: {  	[spmem:s3] =	stream.indirect.scatter.add.f32 [tilespmem:s21], [sflag:$0xF], $0x20, s12, s14, $0xb8;
	[tilespmem:$0x12000] =	vst v63  }
0x52: {  	_ =	swait.ge [sflag:s31], $0x1000  }
0x53: {  	[sflag:s31] =	ssyncset.done $0x0  }
0x54: {  	s13 =	simm.s32 $0x2B80;
	[sflag:s31] =	ssyncadd.s32 $0xFFFFF000  }
0x55: {  	[spmem:s3] =	stream.indirect.scatter.add.f32 [tilespmem:s22], [sflag:$0x10], $0x20, s13, s14, $0xb8;
	[tilespmem:$0x12000] =	vst v63  }
0x56: {  	_ =	swait.ge [sflag:s2], $0x1000  }
0x57: {  	[sflag:s2] =	ssyncset.done $0x0  }
0x58: {  	[sflag:s2] =	ssyncadd.s32 $0xFFFFF000  }
0x59: {  	_ =	swait.ge [sflag:s0], $0x1000  }
0x5a: {  	[sflag:s0] =	ssyncset.done $0x0  }
0x5b: {  	[sflag:s0] =	ssyncadd.s32 $0xFFFFF000  }
0x5c: {  	_ =	swait.ge [sflag:s11], $0x1000  }
0x5d: {  	[sflag:s11] =	ssyncset.done $0x0  }
0x5e: {  	[sflag:s11] =	ssyncadd.s32 $0xFFFFF000  }
0x5f: {  	_ =	swait.ge [sflag:s4], $0x1000  }
0x60: {  	[sflag:s4] =	ssyncset.done $0x0  }
0x61: {  	[sflag:s4] =	ssyncadd.s32 $0xFFFFF000  }
0x62: {  	_ =	swait.ge [sflag:s5], $0x1000  }
0x63: {  	[sflag:s5] =	ssyncset.done $0x0  }
0x64: {  	[sflag:s5] =	ssyncadd.s32 $0xFFFFF000  }
0x65: {  	_ =	swait.ge [sflag:s6], $0x1000  }
0x66: {  	[sflag:s6] =	ssyncset.done $0x0  }
0x67: {  	[sflag:s6] =	ssyncadd.s32 $0xFFFFF000  }
0x68: {  	_ =	swait.ge [sflag:s7], $0x1000  }
0x69: {  	[sflag:s7] =	ssyncset.done $0x0  }
0x6a: {  	[sflag:s7] =	ssyncadd.s32 $0xFFFFF000  }
0x6b: {  	_ =	swait.ge [sflag:s8], $0x1000  }
0x6c: {  	s12 =	simm.s32 $0x1000;
	s13 =	simm.s32 $0x2000;
	[sflag:s8] =	ssyncset.done $0x0  }
.LBB2_2:
0x6d: {  	s10 =	sshra.s32 s12, $0x2  }
0x6e: {  	[sflag:s8] =	ssyncadd.s32 $0xFFFFF000;
	s12 =	smov.u32 s13;
	s9 =	sadd.s32 $0x1000, s13  }
0x6f: {  	[tilespmem:s15], [sflag:$0x1] =	stream.indirect.gather [hbm4b:s1+s14], $0x20, s10, s14, $0xb8;
	[tilespmem:$0x12000] =	vst v63  }
0x70: {  	p0 =	sne.s32 s13, $0x9000;
	s13 =	sadd.s32 $0x80, s10  }
0x71: {  	[tilespmem:s16], [sflag:$0x2] =	stream.indirect.gather [hbm4b:s1+s14], $0x20, s13, s14, $0xb8;
	[tilespmem:$0x12000] =	vst v63  }
0x72: {  	s13 =	sadd.s32 $0x100, s10  }
0x73: {  	[tilespmem:s17], [sflag:$0x3] =	stream.indirect.gather [hbm4b:s1+s14], $0x20, s13, s14, $0xb8;
	[tilespmem:$0x12000] =	vst v63  }
0x74: {  	s13 =	sadd.s32 $0x180, s10  }
0x75: {  	[tilespmem:s18], [sflag:$0x4] =	stream.indirect.gather [hbm4b:s1+s14], $0x20, s13, s14, $0xb8;
	[tilespmem:$0x12000] =	vst v63  }
0x76: {  	s13 =	sadd.s32 $0x200, s10  }
0x77: {  	[tilespmem:s19], [sflag:$0x5] =	stream.indirect.gather [hbm4b:s1+s14], $0x20, s13, s14, $0xb8;
	[tilespmem:$0x12000] =	vst v63  }
0x78: {  	s13 =	sadd.s32 $0x280, s10  }
0x79: {  	[tilespmem:s20], [sflag:$0x6] =	stream.indirect.gather [hbm4b:s1+s14], $0x20, s13, s14, $0xb8;
	[tilespmem:$0x12000] =	vst v63  }
0x7a: {  	s13 =	sadd.s32 $0x300, s10  }
0x7b: {  	[tilespmem:s21], [sflag:$0x7] =	stream.indirect.gather [hbm4b:s1+s14], $0x20, s13, s14, $0xb8;
	[tilespmem:$0x12000] =	vst v63  }
0x7c: {  	s13 =	sadd.s32 $0x380, s10  }
0x7d: {  	[tilespmem:s22], [sflag:$0x8] =	stream.indirect.gather [hbm4b:s1+s14], $0x20, s13, s14, $0xb8;
	[tilespmem:$0x12000] =	vst v63  }
0x7e: {  	_ =	swait.ge [sflag:s23], $0x1000  }
0x7f: {  	[sflag:s23] =	ssyncset.done $0x0  }
0x80: {  	s13 =	sadd.s32 $0x2800, s10;
	[sflag:s23] =	ssyncadd.s32 $0xFFFFF000  }
0x81: {  	[spmem:s3] =	stream.indirect.scatter.add.f32 [tilespmem:s15], [sflag:$0x9], $0x20, s13, s14, $0xb8;
	[tilespmem:$0x12000] =	vst v63  }
0x82: {  	_ =	swait.ge [sflag:s24], $0x1000  }
0x83: {  	[sflag:s24] =	ssyncset.done $0x0  }
0x84: {  	s13 =	sadd.s32 $0x2880, s10;
	[sflag:s24] =	ssyncadd.s32 $0xFFFFF000  }
0x85: {  	[spmem:s3] =	stream.indirect.scatter.add.f32 [tilespmem:s16], [sflag:$0xA], $0x20, s13, s14, $0xb8;
	[tilespmem:$0x12000] =	vst v63  }
0x86: {  	_ =	swait.ge [sflag:s25], $0x1000  }
0x87: {  	[sflag:s25] =	ssyncset.done $0x0  }
0x88: {  	s13 =	sadd.s32 $0x2900, s10;
	[sflag:s25] =	ssyncadd.s32 $0xFFFFF000  }
0x89: {  	[spmem:s3] =	stream.indirect.scatter.add.f32 [tilespmem:s17], [sflag:$0xB], $0x20, s13, s14, $0xb8;
	[tilespmem:$0x12000] =	vst v63  }
0x8a: {  	_ =	swait.ge [sflag:s26], $0x1000  }
0x8b: {  	[sflag:s26] =	ssyncset.done $0x0  }
0x8c: {  	s13 =	sadd.s32 $0x2980, s10;
	[sflag:s26] =	ssyncadd.s32 $0xFFFFF000  }
0x8d: {  	[spmem:s3] =	stream.indirect.scatter.add.f32 [tilespmem:s18], [sflag:$0xC], $0x20, s13, s14, $0xb8;
	[tilespmem:$0x12000] =	vst v63  }
0x8e: {  	_ =	swait.ge [sflag:s28], $0x1000  }
0x8f: {  	[sflag:s28] =	ssyncset.done $0x0  }
0x90: {  	s13 =	sadd.s32 $0x2A00, s10;
	[sflag:s28] =	ssyncadd.s32 $0xFFFFF000  }
0x91: {  	[spmem:s3] =	stream.indirect.scatter.add.f32 [tilespmem:s19], [sflag:$0xD], $0x20, s13, s14, $0xb8;
	[tilespmem:$0x12000] =	vst v63  }
0x92: {  	_ =	swait.ge [sflag:s29], $0x1000  }
0x93: {  	[sflag:s29] =	ssyncset.done $0x0  }
0x94: {  	s13 =	sadd.s32 $0x2A80, s10;
	[sflag:s29] =	ssyncadd.s32 $0xFFFFF000  }
0x95: {  	[spmem:s3] =	stream.indirect.scatter.add.f32 [tilespmem:s20], [sflag:$0xE], $0x20, s13, s14, $0xb8;
	[tilespmem:$0x12000] =	vst v63  }
0x96: {  	_ =	swait.ge [sflag:s30], $0x1000  }
0x97: {  	[sflag:s30] =	ssyncset.done $0x0  }
0x98: {  	s13 =	sadd.s32 $0x2B00, s10;
	[sflag:s30] =	ssyncadd.s32 $0xFFFFF000  }
0x99: {  	[spmem:s3] =	stream.indirect.scatter.add.f32 [tilespmem:s21], [sflag:$0xF], $0x20, s13, s14, $0xb8;
	[tilespmem:$0x12000] =	vst v63  }
0x9a: {  	_ =	swait.ge [sflag:s31], $0x1000  }
0x9b: {  	[sflag:s31] =	ssyncset.done $0x0  }
0x9c: {  	s10 =	sadd.s32 $0x2B80, s10;
	[sflag:s31] =	ssyncadd.s32 $0xFFFFF000  }
0x9d: {  	[spmem:s3] =	stream.indirect.scatter.add.f32 [tilespmem:s22], [sflag:$0x10], $0x20, s10, s14, $0xb8;
	[tilespmem:$0x12000] =	vst v63  }
0x9e: {  	_ =	swait.ge [sflag:s2], $0x1000  }
0x9f: {  	[sflag:s2] =	ssyncset.done $0x0  }
0xa0: {  	[sflag:s2] =	ssyncadd.s32 $0xFFFFF000  }
0xa1: {  	_ =	swait.ge [sflag:s0], $0x1000  }
0xa2: {  	[sflag:s0] =	ssyncset.done $0x0  }
0xa3: {  	[sflag:s0] =	ssyncadd.s32 $0xFFFFF000  }
0xa4: {  	_ =	swait.ge [sflag:s11], $0x1000  }
0xa5: {  	[sflag:s11] =	ssyncset.done $0x0  }
0xa6: {  	[sflag:s11] =	ssyncadd.s32 $0xFFFFF000  }
0xa7: {  	_ =	swait.ge [sflag:s4], $0x1000  }
0xa8: {  	[sflag:s4] =	ssyncset.done $0x0  }
0xa9: {  	[sflag:s4] =	ssyncadd.s32 $0xFFFFF000  }
0xaa: {  	_ =	swait.ge [sflag:s5], $0x1000  }
0xab: {  	[sflag:s5] =	ssyncset.done $0x0  }
0xac: {  	[sflag:s5] =	ssyncadd.s32 $0xFFFFF000  }
0xad: {  	_ =	swait.ge [sflag:s6], $0x1000  }
0xae: {  	[sflag:s6] =	ssyncset.done $0x0  }
0xaf: {  	[sflag:s6] =	ssyncadd.s32 $0xFFFFF000  }
.Ltmp0:
0xb0: {  	_ =	swait.ge [sflag:s7], $0x1000;
	(pc) =	sbr.rel @p0 .LBB2_2-.Ltmp0, $4  }
0xb1: {  	[sflag:s7] =	ssyncset.done $0x0  }
0xb2: {  	[sflag:s7] =	ssyncadd.s32 $0xFFFFF000  }
0xb3: {  	_ =	swait.ge [sflag:s8], $0x1000  }
0xb4: {  	s13 =	smov.u32 s9;
	[sflag:s8] =	ssyncset.done $0x0  }
0xb5: {  	s9 =	sshra.s32 s12, $0x2;
	[sflag:s8] =	ssyncadd.s32 $0xFFFFF000  }
0xb6: {  	[tilespmem:s15], [sflag:$0x1] =	stream.indirect.gather [hbm4b:s1+s14], $0x20, s9, s14, $0xb8;
	[tilespmem:$0x12000] =	vst v63  }
0xb7: {  	s10 =	sadd.s32 $0x80, s9  }
0xb8: {  	[tilespmem:s16], [sflag:$0x2] =	stream.indirect.gather [hbm4b:s1+s14], $0x20, s10, s14, $0xb8;
	[tilespmem:$0x12000] =	vst v63  }
0xb9: {  	s13 =	sadd.s32 $0x100, s9  }
0xba: {  	[tilespmem:s17], [sflag:$0x3] =	stream.indirect.gather [hbm4b:s1+s14], $0x20, s13, s14, $0xb8;
	[tilespmem:$0x12000] =	vst v63  }
0xbb: {  	s12 =	sadd.s32 $0x180, s9  }
0xbc: {  	[tilespmem:s18], [sflag:$0x4] =	stream.indirect.gather [hbm4b:s1+s14], $0x20, s12, s14, $0xb8;
	[tilespmem:$0x12000] =	vst v63  }
0xbd: {  	s13 =	sadd.s32 $0x200, s9  }
0xbe: {  	[tilespmem:s19], [sflag:$0x5] =	stream.indirect.gather [hbm4b:s1+s14], $0x20, s13, s14, $0xb8;
	[tilespmem:$0x12000] =	vst v63  }
0xbf: {  	s12 =	sadd.s32 $0x280, s9  }
0xc0: {  	[tilespmem:s20], [sflag:$0x6] =	stream.indirect.gather [hbm4b:s1+s14], $0x20, s12, s14, $0xb8;
	[tilespmem:$0x12000] =	vst v63  }
0xc1: {  	s13 =	sadd.s32 $0x300, s9  }
0xc2: {  	[tilespmem:s21], [sflag:$0x7] =	stream.indirect.gather [hbm4b:s1+s14], $0x20, s13, s14, $0xb8;
	[tilespmem:$0x12000] =	vst v63  }
0xc3: {  	s12 =	sadd.s32 $0x380, s9  }
0xc4: {  	[tilespmem:s22], [sflag:$0x8] =	stream.indirect.gather [hbm4b:s1+s14], $0x20, s12, s14, $0xb8;
	[tilespmem:$0x12000] =	vst v63  }
0xc5: {  	_ =	swait.ge [sflag:s23], $0x1000  }
0xc6: {  	[sflag:s23] =	ssyncset.done $0x0  }
0xc7: {  	s13 =	sadd.s32 $0x2800, s9;
	[sflag:s23] =	ssyncadd.s32 $0xFFFFF000  }
0xc8: {  	[spmem:s3] =	stream.indirect.scatter.add.f32 [tilespmem:s15], [sflag:$0x9], $0x20, s13, s14, $0xb8;
	[tilespmem:$0x12000] =	vst v63  }
0xc9: {  	_ =	swait.ge [sflag:s24], $0x1000  }
0xca: {  	[sflag:s24] =	ssyncset.done $0x0  }
0xcb: {  	s12 =	sadd.s32 $0x2880, s9;
	[sflag:s24] =	ssyncadd.s32 $0xFFFFF000  }
0xcc: {  	[spmem:s3] =	stream.indirect.scatter.add.f32 [tilespmem:s16], [sflag:$0xA], $0x20, s12, s14, $0xb8;
	[tilespmem:$0x12000] =	vst v63  }
0xcd: {  	_ =	swait.ge [sflag:s25], $0x1000  }
0xce: {  	[sflag:s25] =	ssyncset.done $0x0  }
0xcf: {  	s13 =	sadd.s32 $0x2900, s9;
	[sflag:s25] =	ssyncadd.s32 $0xFFFFF000  }
0xd0: {  	[spmem:s3] =	stream.indirect.scatter.add.f32 [tilespmem:s17], [sflag:$0xB], $0x20, s13, s14, $0xb8;
	[tilespmem:$0x12000] =	vst v63  }
0xd1: {  	_ =	swait.ge [sflag:s26], $0x1000  }
0xd2: {  	[sflag:s26] =	ssyncset.done $0x0  }
0xd3: {  	s12 =	sadd.s32 $0x2980, s9;
	[sflag:s26] =	ssyncadd.s32 $0xFFFFF000  }
0xd4: {  	[spmem:s3] =	stream.indirect.scatter.add.f32 [tilespmem:s18], [sflag:$0xC], $0x20, s12, s14, $0xb8;
	[tilespmem:$0x12000] =	vst v63  }
0xd5: {  	_ =	swait.ge [sflag:s28], $0x1000  }
0xd6: {  	[sflag:s28] =	ssyncset.done $0x0  }
0xd7: {  	s13 =	sadd.s32 $0x2A00, s9;
	[sflag:s28] =	ssyncadd.s32 $0xFFFFF000  }
0xd8: {  	[spmem:s3] =	stream.indirect.scatter.add.f32 [tilespmem:s19], [sflag:$0xD], $0x20, s13, s14, $0xb8;
	[tilespmem:$0x12000] =	vst v63  }
0xd9: {  	_ =	swait.ge [sflag:s29], $0x1000  }
0xda: {  	[sflag:s29] =	ssyncset.done $0x0  }
0xdb: {  	s12 =	sadd.s32 $0x2A80, s9;
	[sflag:s29] =	ssyncadd.s32 $0xFFFFF000  }
0xdc: {  	[spmem:s3] =	stream.indirect.scatter.add.f32 [tilespmem:s20], [sflag:$0xE], $0x20, s12, s14, $0xb8;
	[tilespmem:$0x12000] =	vst v63  }
0xdd: {  	_ =	swait.ge [sflag:s30], $0x1000  }
0xde: {  	[sflag:s30] =	ssyncset.done $0x0  }
0xdf: {  	s13 =	sadd.s32 $0x2B00, s9;
	[sflag:s30] =	ssyncadd.s32 $0xFFFFF000  }
0xe0: {  	[spmem:s3] =	stream.indirect.scatter.add.f32 [tilespmem:s21], [sflag:$0xF], $0x20, s13, s14, $0xb8;
	[tilespmem:$0x12000] =	vst v63  }
0xe1: {  	_ =	swait.ge [sflag:s31], $0x1000  }
0xe2: {  	[sflag:s31] =	ssyncset.done $0x0  }
0xe3: {  	s9 =	sadd.s32 $0x2B80, s9;
	[sflag:s31] =	ssyncadd.s32 $0xFFFFF000  }
0xe4: {  	[spmem:s3] =	stream.indirect.scatter.add.f32 [tilespmem:s22], [sflag:$0x10], $0x20, s9, s14, $0xb8;
	[tilespmem:$0x12000] =	vst v63  }
0xe5: {  	_ =	swait.ge [sflag:s2], $0x1000  }
0xe6: {  	[sflag:s2] =	ssyncset.done $0x0  }
0xe7: {  	[sflag:s2] =	ssyncadd.s32 $0xFFFFF000  }
0xe8: {  	_ =	swait.ge [sflag:s0], $0x1000  }
0xe9: {  	[sflag:s0] =	ssyncset.done $0x0  }
0xea: {  	[sflag:s0] =	ssyncadd.s32 $0xFFFFF000  }
0xeb: {  	_ =	swait.ge [sflag:s11], $0x1000  }
0xec: {  	[sflag:s11] =	ssyncset.done $0x0  }
0xed: {  	[sflag:s11] =	ssyncadd.s32 $0xFFFFF000  }
0xee: {  	_ =	swait.ge [sflag:s4], $0x1000  }
0xef: {  	[sflag:s4] =	ssyncset.done $0x0  }
0xf0: {  	[sflag:s4] =	ssyncadd.s32 $0xFFFFF000  }
0xf1: {  	_ =	swait.ge [sflag:s5], $0x1000  }
0xf2: {  	[sflag:s5] =	ssyncset.done $0x0  }
0xf3: {  	[sflag:s5] =	ssyncadd.s32 $0xFFFFF000  }
0xf4: {  	_ =	swait.ge [sflag:s6], $0x1000  }
0xf5: {  	[sflag:s6] =	ssyncset.done $0x0  }
0xf6: {  	[sflag:s6] =	ssyncadd.s32 $0xFFFFF000  }
0xf7: {  	_ =	swait.ge [sflag:s7], $0x1000  }
0xf8: {  	[sflag:s7] =	ssyncset.done $0x0  }
0xf9: {  	[sflag:s7] =	ssyncadd.s32 $0xFFFFF000  }
0xfa: {  	_ =	swait.ge [sflag:s8], $0x1000  }
0xfb: {  	[sflag:s8] =	ssyncset.done $0x0  }
0xfc: {  	[sflag:s8] =	ssyncadd.s32 $0xFFFFF000  }
0xfd: {  	[bflag:$0x0] =	sbarrier.arrive $0xFFFF  }
0xfe: {  	s12 =	rddreg [dreg:$0x7]  }
0xff: {  	s10 =	rddreg [dreg:$0x9]  }
0x100: {  	s13 =	rddreg [dreg:$0xa]  }
0x101: {  	[hbm:s12], [sflag:s10] =	dma.local [spmem:s13], $0xA00  }
0x102: {  	s12 =	simm.s32 $0x11  }
0x103: {  	_ =	swait.ge [sflag:s12], $0xA00  }
0x104: {  	s13 =	rddreg [dreg:$0xb]  }
0x105: {  	s10 =	rddreg [dreg:$0x8];
	s13 =	sadd.s32 $0x1, s13  }
0x106: {  	p0 =	sne.s32 s13, s10  }
.Ltmp1:
0x107: {  	_ = 	snop;
	(pc) =	sbr.rel @p0 .LBB2_1-.Ltmp1, $3  }
0x108: {  	_ =	sdelay $0x1  }
0x109: {  	[sflag:s12] =	ssyncset.done $0x0  }
0x10a: {  	[sflag:s12] =	ssyncadd.s32 $0xFFFFF600;
	[dreg:$0xb] =	wrdreg s13  }
0x10b: {  	_ =	sfence.sel $0x180000  }
0x10c: {  	[bflag:$0x0] =	sbarrier.arrive $0xFFFF  }
0x10d: {  	_ =	strace $0x9000004D  }
0x10e: {  	s0 =	stileid.u32;
	[bflag:$0x2] =	sbarrier.arrive $0xFFFF  }
0x10f: {  	p0 =	sne.s32 s0, $0x0;
	s0 =	rddreg [dreg:$0x3]  }
0x110: {  	s0 =	sadd.s32 @!p0 $0x100000, s0  }
0x111: {  	[sflag:s0] =	ssyncadd.tile.s32 @!p0 $0x1;
	_ =	shalt  }
.Lfunc_end2:
_tile_overlayer_lowered:
.L_overlay_start_2:
0x112: {  	(tag) =	ssettag $0x2  }
0x113: {  	s0 =	rddreg [dreg:$0x0];
	s2 =	stileid.u32  }
0x114: {  	s1 =	rddreg [dreg:$0x1];
	p0 =	sne.s32 s2, $0x0  }
0x115: {  	s3 =	rddreg [dreg:$0x2];
	[bflag:$0x3] =	sbarrier.arrive $0xFFFF;
	s2 =	simm.s32 @!p0 $0x1C11  }
0x116: {  	[timem:s3], [sflag:s2] =	dma.local @!p0 [hbm:s0], s1  }
0x117: {  	s0 =	simm.s32 @!p0 $0x11  }
0x118: {  	_ =	swait.ge @!p0 [sflag:s0], s1  }
0x119: {  	s1 =	ssub.s32 @!p0 $0x0, s1;
	[sflag:s0] =	ssyncset.done @!p0 $0x0  }
0x11a: {  	[sflag:s0] =	ssyncadd.s32 @!p0 s1  }
0x11b: {  	[bflag:$0x3] =	sbarrier.arrive $0xFFFF  }
0x11c: {  	_ =	shalt  }

// kernel: kernel.20.cloned.1.call-start
scs
__scs_entry_jumppad:
0x0: {  	(pc) =	sbr.rel $0x88, $3  }
0x1: {  	(tag) =	ssettag $0x0;
	lr =	simm.s32 $0x1  }
0x2: {  	[smem:$0x3F99] =	sst lr;
	_ =	strace $0xD0000000  }
0x3: {  	_ = 	snop  }
0x4: {  	_ = 	snop  }
0x5: {  	_ = 	snop  }
0x6: {  	_ = 	snop  }
0x7: {  	_ = 	snop  }
__scs_overlays_trampoline_lowered:
0x8: {  	[smem:$0x3FA8] =	sst s0  }
0x9: {  	[smem:$0x3FA9] =	sst s1  }
0xa: {  	[smem:$0x3FAA] =	sst s2  }
0xb: {  	[smem:$0x3FAB] =	sst s3  }
0xc: {  	[smem:$0x3FAC] =	sst s4  }
0xd: {  	[smem:$0x3FAD] =	sst s5  }
0xe: {  	[smem:$0x3FAE] =	sst s6  }
0xf: {  	[smem:$0x3FAF] =	sst s7  }
0x10: {  	[smem:$0x3FB0] =	sst s8  }
0x11: {  	[smem:$0x3FB1] =	sst s9;
	s0 =	simm.s32 @!p0 $0x0  }
0x12: {  	s1 =	sld [smem:$0x3F97];
	s0 =	simm.s32 @p0 $0x1  }
0x13: {  	[smem:$0x3FB2] =	sst s0;
	s0 =	simm.s32 @!p1 $0x0  }
0x14: {  	s2 =	sld [smem:$0x3F96];
	s0 =	simm.s32 @p1 $0x1  }
0x15: {  	[smem:$0x3FB3] =	sst s0;
	s0 =	simm.s32 @!p2 $0x0  }
0x16: {  	s3 =	sld [smem:$0x3FDB];
	s0 =	simm.s32 @p2 $0x1  }
0x17: {  	s4 =	simm.s32 $0x1BF5;
	[smem:$0x3FB5] =	sst s0  }
0x18: {  	s0 =	sld [smem:$0x3F98];
	_ =	swait.ge [sflag:s4], $0x0  }
0x19: {  	s7 =	sld [smem:$0x3F99]  }
0x1a: {  	s8 =	sadd.s32 $0xFFFFE003, lr  }
0x1b: {  	s9 =	sadd.s32 $0xFFFFFEF7, lr;
	s5 =	simm.s32 $0xFFFFFFFF;
	p2 =	slt.u32 s8, $0xFFFFF086  }
0x1c: {  	p1 =	slt.u32 s9, $0xF7A;
	s5 =	simm.s32 @!p2 $0x0  }
0x1d: {  	s5 =	simm.s32 @p1 $0x1;
	p0 =	seq.s32 s7, s2  }
0x1e: {  	s7 =	smul.u32 @!p0 $0xF7A, s2;
	p2 =	seq.s32 @!p0 s5, $0x0  }
0x1f: {  	s9 =	smul.u32 $0xF7A, s1;
	s8 =	simm.s32 @!p0 $0x1BF5;
	p2 =	por !p2, p0  }
0x20: {  	[sflag:s8] =	ssyncset.s32 @!p0 $0xFFFFF086;
	s6 =	sadd.s32 @!p0 s3, s7;
	s7 =	simm.s32 @!p0 $0x108  }
0x21: {  	s3 =	sadd.s32 s3, s9;
	s6 =	sadd.s32 @!p0 $0x88, s6;
	s7 =	simm.s32 @p2 $0x1082  }
0x22: {  	[simem:s7], [sflag:s8] =	dma.local @!p0 [hbm:s6], $0xF7A  }
0x23: {  	s9 =	sor.u32 $0xD0000000, s2;
	s6 =	simm.s32 $0x108;
	_ =	swait.ge @!p0 [sflag:s8], $0x0  }
0x24: {  	s3 =	sadd.s32 $0x88, s3;
	s6 =	simm.s32 @!p1 $0x1082;
	[sflag:s4] =	ssyncset.s32 $0xFFFFF086  }
0x25: {  	[simem:s6], [sflag:s4] =	dma.local [hbm:s3], $0xF7A  }
0x26: {  	[smem:$0x3F99] =	sst s1;
	(tag) =	ssettag s2;
	_ =	strace s9  }
0x27: {  	s1 =	sld [smem:$0x3FA9]  }
0x28: {  	s2 =	sld [smem:$0x3FAA]  }
0x29: {  	s4 =	sld [smem:$0x3FAC]  }
0x2a: {  	p0 =	seq.s32 s5, $0x0;
	s5 =	sld [smem:$0x3FAD]  }
0x2b: {  	s6 =	sld [smem:$0x3FAE]  }
0x2c: {  	s7 =	sld [smem:$0x3FAF]  }
0x2d: {  	s3 =	simm.s32 $0x108;
	s8 =	sld [smem:$0x3FB0]  }
0x2e: {  	s3 =	simm.s32 @!p0 $0x1082;
	s9 =	sld [smem:$0x3FB1]  }
0x2f: {  	lr =	sadd.s32 s0, s3;
	s0 =	sld [smem:$0x3FA8]  }
0x30: {  	s3 =	sld [smem:$0x3FAB]  }
0x31: {  	[smem:$0x3FB4] =	sst s10  }
0x32: {  	s10 =	sld [smem:$0x3FB2];
	_ =	sdelay $0x3  }
0x33: {  	p0 =	seq.s32 s10, $0x1;
	s10 =	sld [smem:$0x3FB4];
	_ =	sdelay $0x3  }
0x34: {  	[smem:$0x3FB4] =	sst s10  }
0x35: {  	s10 =	sld [smem:$0x3FB3];
	_ =	sdelay $0x3  }
0x36: {  	p1 =	seq.s32 s10, $0x1;
	s10 =	sld [smem:$0x3FB4];
	_ =	sdelay $0x3  }
0x37: {  	[smem:$0x3FB4] =	sst s10  }
0x38: {  	s10 =	sld [smem:$0x3FB5]  }
0x39: {  	_ = 	snop;
	(pc) =	sbr.ind lr, $3  }
0x3a: {  	_ = 	snop  }
0x3b: {  	_ = 	snop  }
0x3c: {  	p2 =	seq.s32 s10, $0x1;
	s10 =	sld [smem:$0x3FB4]  }
0x3d: {  	_ =	shalt  }
0x3e: {  	_ =	shalt  }
0x3f: {  	_ =	shalt  }
0x40: {  	_ =	shalt  }
0x41: {  	_ =	shalt  }
0x42: {  	_ =	shalt  }
0x43: {  	_ =	shalt  }
0x44: {  	_ =	shalt  }
0x45: {  	_ =	shalt  }
0x46: {  	_ =	shalt  }
0x47: {  	_ =	shalt  }
0x48: {  	_ =	shalt  }
0x49: {  	_ =	shalt  }
0x4a: {  	_ =	shalt  }
0x4b: {  	_ =	shalt  }
0x4c: {  	_ =	shalt  }
0x4d: {  	_ =	shalt  }
0x4e: {  	_ =	shalt  }
0x4f: {  	_ =	shalt  }
0x50: {  	_ =	shalt  }
0x51: {  	_ =	shalt  }
0x52: {  	_ =	shalt  }
0x53: {  	_ =	shalt  }
0x54: {  	_ =	shalt  }
0x55: {  	_ =	shalt  }
0x56: {  	_ =	shalt  }
0x57: {  	_ =	shalt  }
0x58: {  	_ =	shalt  }
0x59: {  	_ =	shalt  }
0x5a: {  	_ =	shalt  }
0x5b: {  	_ =	shalt  }
0x5c: {  	_ =	shalt  }
0x5d: {  	_ =	shalt  }
0x5e: {  	_ =	shalt  }
0x5f: {  	_ =	shalt  }
0x60: {  	_ =	shalt  }
0x61: {  	_ =	shalt  }
0x62: {  	_ =	shalt  }
0x63: {  	_ =	shalt  }
0x64: {  	_ =	shalt  }
0x65: {  	_ =	shalt  }
0x66: {  	_ =	shalt  }
0x67: {  	_ =	shalt  }
0x68: {  	_ =	shalt  }
0x69: {  	_ =	shalt  }
0x6a: {  	_ =	shalt  }
0x6b: {  	_ =	shalt  }
0x6c: {  	_ =	shalt  }
0x6d: {  	_ =	shalt  }
0x6e: {  	_ =	shalt  }
0x6f: {  	_ =	shalt  }
0x70: {  	_ =	shalt  }
0x71: {  	_ =	shalt  }
0x72: {  	_ =	shalt  }
0x73: {  	_ =	shalt  }
0x74: {  	_ =	shalt  }
0x75: {  	_ =	shalt  }
0x76: {  	_ =	shalt  }
0x77: {  	_ =	shalt  }
0x78: {  	_ =	shalt  }
0x79: {  	_ =	shalt  }
0x7a: {  	_ =	shalt  }
0x7b: {  	_ =	shalt  }
0x7c: {  	_ =	shalt  }
0x7d: {  	_ =	shalt  }
0x7e: {  	_ =	shalt  }
0x7f: {  	_ =	shalt  }
0x80: {  	_ =	shalt  }
0x81: {  	_ =	shalt  }
0x82: {  	_ =	shalt  }
0x83: {  	_ =	shalt  }
0x84: {  	_ =	shalt  }
0x85: {  	_ =	shalt  }
0x86: {  	_ =	shalt  }
0x87: {  	_ =	shalt  }
.Lfunc_end0:
.L_simem_size_0:
called_computation.3_lowered:
.L_overlay_start_0:
0x88: {  	s2 =	sld [smem:$0x3FD9]  }
0x89: {  	s3 =	sld [smem:$0x3FFE];
	_ =	sdelay $0x1  }
0x8a: {  	s1 =	srdreg.scid  }
0x8b: {  	s0 =	sand.u32 $0x1, s1  }
0x8c: {  	s17 =	sshll.u32 s0, $0xA;
	s2 =	sadd.s32 s3, s2  }
0x8d: {  	s2 =	sadd.s32 s2, s17  }
0x8e: {  	[smem:$0x3FC0] =	sst s2  }
0x8f: {  	_ = 	snop  }
0x90: {  	s2 =	sld [smem:$0x3FD0];
	(tm) =	ssettm $0x1  }
0x91: {  	s18 =	sld [smem:$0x3FFB];
	_ =	sdelay $0x3  }
0x92: {  	_ =	strace s18  }
0x93: {  	s3 =	sld [smem:$0x3FFC];
	_ =	sdelay $0x3  }
0x94: {  	_ =	strace s3  }
0x95: {  	s3 =	sld [smem:$0x3FFD];
	_ =	sdelay $0x3  }
0x96: {  	_ =	strace s3  }
0x97: {  	_ =	strace $0x8FFFFFFF  }
0x98: {  	s19 =	sld [smem:$0x3FDB];
	_ =	sdelay $0x1  }
0x99: {  	s4 =	simm.s32 $_scs_section_size  }
0x9a: {  	s5 =	simm.s32 $_size__tile_overlayer_lowered;
	s6 =	simm.s32 $_tile_overlayer_lowered  }
0x9b: {  	s22 =	simm.s32 $0x1BFF;
	s21 =	sshll.u32 s6, $0x1;
	s3 =	sadd.s32 s4, s19  }
0x9c: {  	s7 =	simm.s32 $0x0;
	s20 =	sshll.u32 s5, $0x1;
	s5 =	sadd.s32 s21, s3  }
0x9d: {  	[timem:s7], [sflag:s22] =	dma.local [hbm:s5], s20  }
0x9e: {  	_ =	swait.ge [sflag:s22], s20  }
0x9f: {  	s4 =	ssub.s32 $0x0, s20;
	[sflag:s22] =	ssyncset.done $0x0  }
0xa0: {  	[sflag:s22] =	ssyncadd.s32 s4;
	_ =	sdelay $0x1  }
0xa1: {  	s23 =	simm.s32 $0x1B8B  }
0xa2: {  	_ =	swait.ge [sflag:s23], $0x1  }
0xa3: {  	[sflag:s23] =	ssyncset.done $0x0  }
0xa4: {  	s25 =	simm.s32 $0x1B8E;
	s24 =	sld [smem:$0x3FFE];
	[sflag:s23] =	ssyncadd.s32 $0xFFFFFFFF  }
0xa5: {  	s26 =	simm.s32 $execute0_lowered;
	[smem:$0x3FD2] =	sst s25  }
0xa6: {  	s5 =	sshll.u32 s26, $0x1;
	_ =	strace $0x8000004F;
	[dreg:$0x1] =	wrdreg $0xFFFFFFFF  }
0xa7: {  	s28 =	simm.s32 $_size_execute0_lowered;
	s3 =	sadd.s32 s3, s5;
	[dreg:$0x0] =	wrdreg $0x0  }
0xa8: {  	s5 =	sshll.u32 s28, $0x1;
	[dreg:$0x2] =	wrdreg s3  }
0xa9: {  	[dreg:$0x3] =	wrdreg s5  }
0xaa: {  	[dreg:$0x4] =	wrdreg $0xC0  }
0xab: {  	_ =	task [dreg:s7], $0x5FFFF  }
0xac: {  	[dreg:$0x1] =	wrdreg $0xFFFFFFFF  }
0xad: {  	[dreg:$0x0] =	wrdreg $0x60  }
0xae: {  	[dreg:$0x2] =	wrdreg s2  }
0xaf: {  	[dreg:$0x3] =	wrdreg s24  }
0xb0: {  	[dreg:$0x4] =	wrdreg $0xD0000  }
0xb1: {  	[dreg:$0x5] =	wrdreg $0x9  }
0xb2: {  	_ =	task.clear_ibuf [dreg:s7], $0x6FFFF;
	_ =	strace $0x9000004F  }
0xb3: {  	s29 =	simm.s32 $0x9;
	_ =	strace $0x80000051  }
0xb4: {  	_ =	swait.ge [sflag:s29], $0x1  }
0xb5: {  	[sflag:s29] =	ssyncadd.s32 $0xFFFFFFFF  }
0xb6: {  	_ =	strace $0x90000051  }
0xb7: {  	_ =	sfence  }
0xb8: {  	s30 =	sld [smem:$0x0];
	_ =	sdelay $0x2  }
0xb9: {  	s31 =	sshll.u32 s1, $0xD;
	s1 =	sshrl.u32 s1, $0x2  }
0xba: {  	s3 =	sand.u32 $0x4000, s31;
	s1 =	sadd.s32 s1, s30  }
0xbb: {  	s0 =	sor.u32 s3, s0;
	s1 =	sshll.u32 s1, $0x11  }
0xbc: {  	s0 =	sor.u32 s1, s0  }
0xbd: {  	s0 =	sadd.s32 $0x8F2B, s0  }
0xbe: {  	[sflag:s0] =	ssyncadd.remote.s32 $0x1  }
0xbf: {  	_ =	sfence.sel $0xFFFF  }
0xc0: {  	[dreg:$0x0] =	wrdreg $0xFFFFFFFF;
	(pc) =	sbr.abs _section_cstart, $3  }
0xc1: {  	[dreg:$0x1] =	wrdreg $0xFFFFFFFF  }
0xc2: {  	_ =	task.clear_ibuf [dreg:s7], $0x2FFFF;
	_ =	strace $0x9FFFFFFF  }
0xc3: {  	(tm) =	ssettm $0x7FFFFFFF  }
tec
execute0_lowered:
.L_overlay_start_1:
0x0: {  	(tag) =	ssettag $0x1  }
0x1: {  	s0 =	srdreg.scid;
	s1 =	rddreg [dreg:$0x0]  }
0x2: {  	s9 =	stileid.u32;
	s4 =	rddreg [dreg:$0x1]  }
0x3: {  	s3 =	rddreg [dreg:$0x2];
	s6 =	simm.s32 $0x0;
	s12 =	simm.s32 $0x11  }
0x4: {  	s14 =	simm.s32 $0x80;
	s15 =	simm.s32 $0x5000;
	s16 =	simm.s32 $0x6000  }
0x5: {  	s17 =	simm.s32 $0x7000;
	s18 =	simm.s32 $0x8000;
	s19 =	simm.s32 $0x9000  }
0x6: {  	s20 =	simm.s32 $0xA000;
	s21 =	simm.s32 $0xB000;
	s28 =	simm.s32 $0x5  }
0x7: {  	s29 =	simm.s32 $0x6;
	s30 =	simm.s32 $0x7;
	s31 =	simm.s32 $0x8  }
0x8: {  	s11 =	simm.s32 $0xB;
	s0 =	sand.u32 $0x1, s0;
	s2 =	sshll.u32 s9, $0x1  }
0x9: {  	s5 =	smul.u32 $0x5000, s9;
	[smem:$0x7FF] =	sst s6;
	s26 =	sshll.u32 s9, $0x6  }
0xa: {  	s9 =	simm.s32 $0x0;
	s2 =	sor.u32 s0, s2;
	s22 =	smul.u32 $0x50000, s0  }
0xb: {  	_ =	strace $0x80000050;
	s0 =	ssub.s32 $0x2, s0;
	s10 =	sor.u32 $0x1C11, s26  }
0xc: {  	s26 =	simm.s32 $0x4;
	[dreg:$0xb] =	wrdreg s9;
	s2 =	smul.u32 $0x500, s2  }
0xd: {  	s7 =	sshrl.u32 s5, $0x3;
	s8 =	sshrl.u32 s0, $0x1;
	s24 =	sadd.s32 s5, s3  }
0xe: {  	[dreg:$0x9] =	wrdreg s10;
	s6 =	sadd.s32 s5, s22;
	s7 =	sadd.s32 s7, s4  }
0xf: {  	s0 =	ssub.s32 s0, s8;
	s13 =	sshrl.u32 s24, $0x3;
	s22 =	simm.s32 $0xC000  }
0x10: {  	s24 =	simm.s32 $0x2;
	s5 =	simm.s32 $0xD;
	s8 =	simm.s32 $0x10  }
0x11: {  	s2 =	sadd.s32 s2, s4;
	s6 =	sshrl.u32 s6, $0x3;
	s25 =	sadd.s32 $0x17000, s7  }
0x12: {  	s0 =	smax.u32 s0, $0x1;
	s7 =	simm.s32 $0xF;
	[dreg:$0xa] =	wrdreg s13  }
0x13: {  	s4 =	sadd.s32 s6, s4;
	s23 =	sadd.s32 $0xD000, s2;
	[dreg:$0x6] =	wrdreg s25  }
0x14: {  	s2 =	sadd.s32 $0x2A00, s2;
	[dreg:$0x8] =	wrdreg s0;
	s25 =	simm.s32 $0x3  }
0x15: {  	s0 =	simm.s32 $0xA;
	s6 =	simm.s32 $0xE;
	[dreg:$0x4] =	wrdreg s23  }
0x16: {  	[dreg:$0x5] =	wrdreg s2;
	s4 =	sadd.s32 $0x21000, s4;
	s23 =	simm.s32 $0x1  }
0x17: {  	s2 =	simm.s32 $0x9;
	[dreg:$0x7] =	wrdreg s4;
	s4 =	simm.s32 $0xC  }
.LBB2_1:
0x18: {  	s9 =	simm.s32 $0x0;
	s10 =	rddreg [dreg:$0x4]  }
0x19: {  	[tilespmem:s9], [sflag:$0x11] =	stream.linear.gather [hbm4b:s10+s9], $0x2800, $0x38;
	[tilespmem:$0x12000] =	vst v63  }
0x1a: {  	_ =	swait.ge [sflag:s12], $0x2800  }
0x1b: {  	[sflag:s12] =	ssyncset.done $0x0  }
0x1c: {  	s13 =	simm.s32 $0x2800;
	s10 =	rddreg [dreg:$0x5];
	[sflag:s12] =	ssyncadd.s32 $0xFFFFD800  }
0x1d: {  	[tilespmem:s13], [sflag:$0x11] =	stream.linear.gather [hbm4b:s10+s9], $0x2800, $0x38;
	[tilespmem:$0x12000] =	vst v63  }
0x1e: {  	_ =	swait.ge [sflag:s12], $0x2800  }
0x1f: {  	s9 =	rddreg [dreg:$0x6]  }
0x20: {  	[sflag:s12] =	ssyncset.done $0x0;
	s10 =	rddreg [dreg:$0x9]  }
0x21: {  	s13 =	rddreg [dreg:$0xa];
	[sflag:s12] =	ssyncadd.s32 $0xFFFFD800  }
0x22: {  	[spmem:s13], [sflag:s10] =	dma.local [hbm:s9], $0xA00  }
0x23: {  	_ =	swait.ge [sflag:s12], $0xA00  }
0x24: {  	[sflag:s12] =	ssyncset.done $0x0  }
0x25: {  	[sflag:s12] =	ssyncadd.s32 $0xFFFFF600  }
0x26: {  	s13 =	simm.s32 $0x0;
	[bflag:$0x0] =	sbarrier.arrive $0xFFFF  }
0x27: {  	[tilespmem:s15], [sflag:$0x1] =	stream.indirect.gather [hbm4b:s1+s14], $0x20, s13, s14, $0xb8;
	[tilespmem:$0x12000] =	vst v63  }
0x28: {  	s10 =	simm.s32 $0x80  }
0x29: {  	[tilespmem:s16], [sflag:$0x2] =	stream.indirect.gather [hbm4b:s1+s14], $0x20, s10, s14, $0xb8;
	[tilespmem:$0x12000] =	vst v63  }
0x2a: {  	s12 =	simm.s32 $0x100  }
0x2b: {  	[tilespmem:s17], [sflag:$0x3] =	stream.indirect.gather [hbm4b:s1+s14], $0x20, s12, s14, $0xb8;
	[tilespmem:$0x12000] =	vst v63  }
0x2c: {  	s13 =	simm.s32 $0x180  }
0x2d: {  	[tilespmem:s18], [sflag:$0x4] =	stream.indirect.gather [hbm4b:s1+s14], $0x20, s13, s14, $0xb8;
	[tilespmem:$0x12000] =	vst v63  }
0x2e: {  	s10 =	simm.s32 $0x200  }
0x2f: {  	[tilespmem:s19], [sflag:$0x5] =	stream.indirect.gather [hbm4b:s1+s14], $0x20, s10, s14, $0xb8;
	[tilespmem:$0x12000] =	vst v63  }
0x30: {  	s12 =	simm.s32 $0x280  }
0x31: {  	[tilespmem:s20], [sflag:$0x6] =	stream.indirect.gather [hbm4b:s1+s14], $0x20, s12, s14, $0xb8;
	[tilespmem:$0x12000] =	vst v63  }
0x32: {  	s13 =	simm.s32 $0x300  }
0x33: {  	[tilespmem:s21], [sflag:$0x7] =	stream.indirect.gather [hbm4b:s1+s14], $0x20, s13, s14, $0xb8;
	[tilespmem:$0x12000] =	vst v63  }
0x34: {  	s10 =	simm.s32 $0x380  }
0x35: {  	[tilespmem:s22], [sflag:$0x8] =	stream.indirect.gather [hbm4b:s1+s14], $0x20, s10, s14, $0xb8;
	[tilespmem:$0x12000] =	vst v63  }
0x36: {  	_ =	swait.ge [sflag:s23], $0x1000  }
0x37: {  	[sflag:s23] =	ssyncset.done $0x0  }
0x38: {  	s12 =	simm.s32 $0x2800;
	[sflag:s23] =	ssyncadd.s32 $0xFFFFF000  }
0x39: {  	[spmem:s3] =	stream.indirect.scatter.add.f32 [tilespmem:s15], [sflag:$0x9], $0x20, s12, s14, $0xb8;
	[tilespmem:$0x12000] =	vst v63  }
0x3a: {  	_ =	swait.ge [sflag:s24], $0x1000  }
0x3b: {  	[sflag:s24] =	ssyncset.done $0x0  }
0x3c: {  	s13 =	simm.s32 $0x2880;
	[sflag:s24] =	ssyncadd.s32 $0xFFFFF000  }
0x3d: {  	[spmem:s3] =	stream.indirect.scatter.add.f32 [tilespmem:s16], [sflag:$0xA], $0x20, s13, s14, $0xb8;
	[tilespmem:$0x12000] =	vst v63  }
0x3e: {  	_ =	swait.ge [sflag:s25], $0x1000  }
0x3f: {  	[sflag:s25] =	ssyncset.done $0x0  }
0x40: {  	s10 =	simm.s32 $0x2900;
	[sflag:s25] =	ssyncadd.s32 $0xFFFFF000  }
0x41: {  	[spmem:s3] =	stream.indirect.scatter.add.f32 [tilespmem:s17], [sflag:$0xB], $0x20, s10, s14, $0xb8;
	[tilespmem:$0x12000] =	vst v63  }
0x42: {  	_ =	swait.ge [sflag:s26], $0x1000  }
0x43: {  	[sflag:s26] =	ssyncset.done $0x0  }
0x44: {  	s12 =	simm.s32 $0x2980;
	[sflag:s26] =	ssyncadd.s32 $0xFFFFF000  }
0x45: {  	[spmem:s3] =	stream.indirect.scatter.add.f32 [tilespmem:s18], [sflag:$0xC], $0x20, s12, s14, $0xb8;
	[tilespmem:$0x12000] =	vst v63  }
0x46: {  	_ =	swait.ge [sflag:s28], $0x1000  }
0x47: {  	[sflag:s28] =	ssyncset.done $0x0  }
0x48: {  	s13 =	simm.s32 $0x2A00;
	[sflag:s28] =	ssyncadd.s32 $0xFFFFF000  }
0x49: {  	[spmem:s3] =	stream.indirect.scatter.add.f32 [tilespmem:s19], [sflag:$0xD], $0x20, s13, s14, $0xb8;
	[tilespmem:$0x12000] =	vst v63  }
0x4a: {  	_ =	swait.ge [sflag:s29], $0x1000  }
0x4b: {  	[sflag:s29] =	ssyncset.done $0x0  }
0x4c: {  	s10 =	simm.s32 $0x2A80;
	[sflag:s29] =	ssyncadd.s32 $0xFFFFF000  }
0x4d: {  	[spmem:s3] =	stream.indirect.scatter.add.f32 [tilespmem:s20], [sflag:$0xE], $0x20, s10, s14, $0xb8;
	[tilespmem:$0x12000] =	vst v63  }
0x4e: {  	_ =	swait.ge [sflag:s30], $0x1000  }
0x4f: {  	[sflag:s30] =	ssyncset.done $0x0  }
0x50: {  	s12 =	simm.s32 $0x2B00;
	[sflag:s30] =	ssyncadd.s32 $0xFFFFF000  }
0x51: {  	[spmem:s3] =	stream.indirect.scatter.add.f32 [tilespmem:s21], [sflag:$0xF], $0x20, s12, s14, $0xb8;
	[tilespmem:$0x12000] =	vst v63  }
0x52: {  	_ =	swait.ge [sflag:s31], $0x1000  }
0x53: {  	[sflag:s31] =	ssyncset.done $0x0  }
0x54: {  	s13 =	simm.s32 $0x2B80;
	[sflag:s31] =	ssyncadd.s32 $0xFFFFF000  }
0x55: {  	[spmem:s3] =	stream.indirect.scatter.add.f32 [tilespmem:s22], [sflag:$0x10], $0x20, s13, s14, $0xb8;
	[tilespmem:$0x12000] =	vst v63  }
0x56: {  	_ =	swait.ge [sflag:s2], $0x1000  }
0x57: {  	[sflag:s2] =	ssyncset.done $0x0  }
0x58: {  	[sflag:s2] =	ssyncadd.s32 $0xFFFFF000  }
0x59: {  	_ =	swait.ge [sflag:s0], $0x1000  }
0x5a: {  	[sflag:s0] =	ssyncset.done $0x0  }
0x5b: {  	[sflag:s0] =	ssyncadd.s32 $0xFFFFF000  }
0x5c: {  	_ =	swait.ge [sflag:s11], $0x1000  }
0x5d: {  	[sflag:s11] =	ssyncset.done $0x0  }
0x5e: {  	[sflag:s11] =	ssyncadd.s32 $0xFFFFF000  }
0x5f: {  	_ =	swait.ge [sflag:s4], $0x1000  }
0x60: {  	[sflag:s4] =	ssyncset.done $0x0  }
0x61: {  	[sflag:s4] =	ssyncadd.s32 $0xFFFFF000  }
0x62: {  	_ =	swait.ge [sflag:s5], $0x1000  }
0x63: {  	[sflag:s5] =	ssyncset.done $0x0  }
0x64: {  	[sflag:s5] =	ssyncadd.s32 $0xFFFFF000  }
0x65: {  	_ =	swait.ge [sflag:s6], $0x1000  }
0x66: {  	[sflag:s6] =	ssyncset.done $0x0  }
0x67: {  	[sflag:s6] =	ssyncadd.s32 $0xFFFFF000  }
0x68: {  	_ =	swait.ge [sflag:s7], $0x1000  }
0x69: {  	[sflag:s7] =	ssyncset.done $0x0  }
0x6a: {  	[sflag:s7] =	ssyncadd.s32 $0xFFFFF000  }
0x6b: {  	_ =	swait.ge [sflag:s8], $0x1000  }
0x6c: {  	s12 =	simm.s32 $0x1000;
	s13 =	simm.s32 $0x2000;
	[sflag:s8] =	ssyncset.done $0x0  }
.LBB2_2:
0x6d: {  	s10 =	sshra.s32 s12, $0x2  }
0x6e: {  	[sflag:s8] =	ssyncadd.s32 $0xFFFFF000;
	s12 =	smov.u32 s13;
	s9 =	sadd.s32 $0x1000, s13  }
0x6f: {  	[tilespmem:s15], [sflag:$0x1] =	stream.indirect.gather [hbm4b:s1+s14], $0x20, s10, s14, $0xb8;
	[tilespmem:$0x12000] =	vst v63  }
0x70: {  	p0 =	sne.s32 s13, $0x9000;
	s13 =	sadd.s32 $0x80, s10  }
0x71: {  	[tilespmem:s16], [sflag:$0x2] =	stream.indirect.gather [hbm4b:s1+s14], $0x20, s13, s14, $0xb8;
	[tilespmem:$0x12000] =	vst v63  }
0x72: {  	s13 =	sadd.s32 $0x100, s10  }
0x73: {  	[tilespmem:s17], [sflag:$0x3] =	stream.indirect.gather [hbm4b:s1+s14], $0x20, s13, s14, $0xb8;
	[tilespmem:$0x12000] =	vst v63  }
0x74: {  	s13 =	sadd.s32 $0x180, s10  }
0x75: {  	[tilespmem:s18], [sflag:$0x4] =	stream.indirect.gather [hbm4b:s1+s14], $0x20, s13, s14, $0xb8;
	[tilespmem:$0x12000] =	vst v63  }
0x76: {  	s13 =	sadd.s32 $0x200, s10  }
0x77: {  	[tilespmem:s19], [sflag:$0x5] =	stream.indirect.gather [hbm4b:s1+s14], $0x20, s13, s14, $0xb8;
	[tilespmem:$0x12000] =	vst v63  }
0x78: {  	s13 =	sadd.s32 $0x280, s10  }
0x79: {  	[tilespmem:s20], [sflag:$0x6] =	stream.indirect.gather [hbm4b:s1+s14], $0x20, s13, s14, $0xb8;
	[tilespmem:$0x12000] =	vst v63  }
0x7a: {  	s13 =	sadd.s32 $0x300, s10  }
0x7b: {  	[tilespmem:s21], [sflag:$0x7] =	stream.indirect.gather [hbm4b:s1+s14], $0x20, s13, s14, $0xb8;
	[tilespmem:$0x12000] =	vst v63  }
0x7c: {  	s13 =	sadd.s32 $0x380, s10  }
0x7d: {  	[tilespmem:s22], [sflag:$0x8] =	stream.indirect.gather [hbm4b:s1+s14], $0x20, s13, s14, $0xb8;
	[tilespmem:$0x12000] =	vst v63  }
0x7e: {  	_ =	swait.ge [sflag:s23], $0x1000  }
0x7f: {  	[sflag:s23] =	ssyncset.done $0x0  }
0x80: {  	s13 =	sadd.s32 $0x2800, s10;
	[sflag:s23] =	ssyncadd.s32 $0xFFFFF000  }
0x81: {  	[spmem:s3] =	stream.indirect.scatter.add.f32 [tilespmem:s15], [sflag:$0x9], $0x20, s13, s14, $0xb8;
	[tilespmem:$0x12000] =	vst v63  }
0x82: {  	_ =	swait.ge [sflag:s24], $0x1000  }
0x83: {  	[sflag:s24] =	ssyncset.done $0x0  }
0x84: {  	s13 =	sadd.s32 $0x2880, s10;
	[sflag:s24] =	ssyncadd.s32 $0xFFFFF000  }
0x85: {  	[spmem:s3] =	stream.indirect.scatter.add.f32 [tilespmem:s16], [sflag:$0xA], $0x20, s13, s14, $0xb8;
	[tilespmem:$0x12000] =	vst v63  }
0x86: {  	_ =	swait.ge [sflag:s25], $0x1000  }
0x87: {  	[sflag:s25] =	ssyncset.done $0x0  }
0x88: {  	s13 =	sadd.s32 $0x2900, s10;
	[sflag:s25] =	ssyncadd.s32 $0xFFFFF000  }
0x89: {  	[spmem:s3] =	stream.indirect.scatter.add.f32 [tilespmem:s17], [sflag:$0xB], $0x20, s13, s14, $0xb8;
	[tilespmem:$0x12000] =	vst v63  }
0x8a: {  	_ =	swait.ge [sflag:s26], $0x1000  }
0x8b: {  	[sflag:s26] =	ssyncset.done $0x0  }
0x8c: {  	s13 =	sadd.s32 $0x2980, s10;
	[sflag:s26] =	ssyncadd.s32 $0xFFFFF000  }
0x8d: {  	[spmem:s3] =	stream.indirect.scatter.add.f32 [tilespmem:s18], [sflag:$0xC], $0x20, s13, s14, $0xb8;
	[tilespmem:$0x12000] =	vst v63  }
0x8e: {  	_ =	swait.ge [sflag:s28], $0x1000  }
0x8f: {  	[sflag:s28] =	ssyncset.done $0x0  }
0x90: {  	s13 =	sadd.s32 $0x2A00, s10;
	[sflag:s28] =	ssyncadd.s32 $0xFFFFF000  }
0x91: {  	[spmem:s3] =	stream.indirect.scatter.add.f32 [tilespmem:s19], [sflag:$0xD], $0x20, s13, s14, $0xb8;
	[tilespmem:$0x12000] =	vst v63  }
0x92: {  	_ =	swait.ge [sflag:s29], $0x1000  }
0x93: {  	[sflag:s29] =	ssyncset.done $0x0  }
0x94: {  	s13 =	sadd.s32 $0x2A80, s10;
	[sflag:s29] =	ssyncadd.s32 $0xFFFFF000  }
0x95: {  	[spmem:s3] =	stream.indirect.scatter.add.f32 [tilespmem:s20], [sflag:$0xE], $0x20, s13, s14, $0xb8;
	[tilespmem:$0x12000] =	vst v63  }
0x96: {  	_ =	swait.ge [sflag:s30], $0x1000  }
0x97: {  	[sflag:s30] =	ssyncset.done $0x0  }
0x98: {  	s13 =	sadd.s32 $0x2B00, s10;
	[sflag:s30] =	ssyncadd.s32 $0xFFFFF000  }
0x99: {  	[spmem:s3] =	stream.indirect.scatter.add.f32 [tilespmem:s21], [sflag:$0xF], $0x20, s13, s14, $0xb8;
	[tilespmem:$0x12000] =	vst v63  }
0x9a: {  	_ =	swait.ge [sflag:s31], $0x1000  }
0x9b: {  	[sflag:s31] =	ssyncset.done $0x0  }
0x9c: {  	s10 =	sadd.s32 $0x2B80, s10;
	[sflag:s31] =	ssyncadd.s32 $0xFFFFF000  }
0x9d: {  	[spmem:s3] =	stream.indirect.scatter.add.f32 [tilespmem:s22], [sflag:$0x10], $0x20, s10, s14, $0xb8;
	[tilespmem:$0x12000] =	vst v63  }
0x9e: {  	_ =	swait.ge [sflag:s2], $0x1000  }
0x9f: {  	[sflag:s2] =	ssyncset.done $0x0  }
0xa0: {  	[sflag:s2] =	ssyncadd.s32 $0xFFFFF000  }
0xa1: {  	_ =	swait.ge [sflag:s0], $0x1000  }
0xa2: {  	[sflag:s0] =	ssyncset.done $0x0  }
0xa3: {  	[sflag:s0] =	ssyncadd.s32 $0xFFFFF000  }
0xa4: {  	_ =	swait.ge [sflag:s11], $0x1000  }
0xa5: {  	[sflag:s11] =	ssyncset.done $0x0  }
0xa6: {  	[sflag:s11] =	ssyncadd.s32 $0xFFFFF000  }
0xa7: {  	_ =	swait.ge [sflag:s4], $0x1000  }
0xa8: {  	[sflag:s4] =	ssyncset.done $0x0  }
0xa9: {  	[sflag:s4] =	ssyncadd.s32 $0xFFFFF000  }
0xaa: {  	_ =	swait.ge [sflag:s5], $0x1000  }
0xab: {  	[sflag:s5] =	ssyncset.done $0x0  }
0xac: {  	[sflag:s5] =	ssyncadd.s32 $0xFFFFF000  }
0xad: {  	_ =	swait.ge [sflag:s6], $0x1000  }
0xae: {  	[sflag:s6] =	ssyncset.done $0x0  }
0xaf: {  	[sflag:s6] =	ssyncadd.s32 $0xFFFFF000  }
.Ltmp0:
0xb0: {  	_ =	swait.ge [sflag:s7], $0x1000;
	(pc) =	sbr.rel @p0 .LBB2_2-.Ltmp0, $4  }
0xb1: {  	[sflag:s7] =	ssyncset.done $0x0  }
0xb2: {  	[sflag:s7] =	ssyncadd.s32 $0xFFFFF000  }
0xb3: {  	_ =	swait.ge [sflag:s8], $0x1000  }
0xb4: {  	s13 =	smov.u32 s9;
	[sflag:s8] =	ssyncset.done $0x0  }
0xb5: {  	s9 =	sshra.s32 s12, $0x2;
	[sflag:s8] =	ssyncadd.s32 $0xFFFFF000  }
0xb6: {  	[tilespmem:s15], [sflag:$0x1] =	stream.indirect.gather [hbm4b:s1+s14], $0x20, s9, s14, $0xb8;
	[tilespmem:$0x12000] =	vst v63  }
0xb7: {  	s10 =	sadd.s32 $0x80, s9  }
0xb8: {  	[tilespmem:s16], [sflag:$0x2] =	stream.indirect.gather [hbm4b:s1+s14], $0x20, s10, s14, $0xb8;
	[tilespmem:$0x12000] =	vst v63  }
0xb9: {  	s13 =	sadd.s32 $0x100, s9  }
0xba: {  	[tilespmem:s17], [sflag:$0x3] =	stream.indirect.gather [hbm4b:s1+s14], $0x20, s13, s14, $0xb8;
	[tilespmem:$0x12000] =	vst v63  }
0xbb: {  	s12 =	sadd.s32 $0x180, s9  }
0xbc: {  	[tilespmem:s18], [sflag:$0x4] =	stream.indirect.gather [hbm4b:s1+s14], $0x20, s12, s14, $0xb8;
	[tilespmem:$0x12000] =	vst v63  }
0xbd: {  	s13 =	sadd.s32 $0x200, s9  }
0xbe: {  	[tilespmem:s19], [sflag:$0x5] =	stream.indirect.gather [hbm4b:s1+s14], $0x20, s13, s14, $0xb8;
	[tilespmem:$0x12000] =	vst v63  }
0xbf: {  	s12 =	sadd.s32 $0x280, s9  }
0xc0: {  	[tilespmem:s20], [sflag:$0x6] =	stream.indirect.gather [hbm4b:s1+s14], $0x20, s12, s14, $0xb8;
	[tilespmem:$0x12000] =	vst v63  }
0xc1: {  	s13 =	sadd.s32 $0x300, s9  }
0xc2: {  	[tilespmem:s21], [sflag:$0x7] =	stream.indirect.gather [hbm4b:s1+s14], $0x20, s13, s14, $0xb8;
	[tilespmem:$0x12000] =	vst v63  }
0xc3: {  	s12 =	sadd.s32 $0x380, s9  }
0xc4: {  	[tilespmem:s22], [sflag:$0x8] =	stream.indirect.gather [hbm4b:s1+s14], $0x20, s12, s14, $0xb8;
	[tilespmem:$0x12000] =	vst v63  }
0xc5: {  	_ =	swait.ge [sflag:s23], $0x1000  }
0xc6: {  	[sflag:s23] =	ssyncset.done $0x0  }
0xc7: {  	s13 =	sadd.s32 $0x2800, s9;
	[sflag:s23] =	ssyncadd.s32 $0xFFFFF000  }
0xc8: {  	[spmem:s3] =	stream.indirect.scatter.add.f32 [tilespmem:s15], [sflag:$0x9], $0x20, s13, s14, $0xb8;
	[tilespmem:$0x12000] =	vst v63  }
0xc9: {  	_ =	swait.ge [sflag:s24], $0x1000  }
0xca: {  	[sflag:s24] =	ssyncset.done $0x0  }
0xcb: {  	s12 =	sadd.s32 $0x2880, s9;
	[sflag:s24] =	ssyncadd.s32 $0xFFFFF000  }
0xcc: {  	[spmem:s3] =	stream.indirect.scatter.add.f32 [tilespmem:s16], [sflag:$0xA], $0x20, s12, s14, $0xb8;
	[tilespmem:$0x12000] =	vst v63  }
0xcd: {  	_ =	swait.ge [sflag:s25], $0x1000  }
0xce: {  	[sflag:s25] =	ssyncset.done $0x0  }
0xcf: {  	s13 =	sadd.s32 $0x2900, s9;
	[sflag:s25] =	ssyncadd.s32 $0xFFFFF000  }
0xd0: {  	[spmem:s3] =	stream.indirect.scatter.add.f32 [tilespmem:s17], [sflag:$0xB], $0x20, s13, s14, $0xb8;
	[tilespmem:$0x12000] =	vst v63  }
0xd1: {  	_ =	swait.ge [sflag:s26], $0x1000  }
0xd2: {  	[sflag:s26] =	ssyncset.done $0x0  }
0xd3: {  	s12 =	sadd.s32 $0x2980, s9;
	[sflag:s26] =	ssyncadd.s32 $0xFFFFF000  }
0xd4: {  	[spmem:s3] =	stream.indirect.scatter.add.f32 [tilespmem:s18], [sflag:$0xC], $0x20, s12, s14, $0xb8;
	[tilespmem:$0x12000] =	vst v63  }
0xd5: {  	_ =	swait.ge [sflag:s28], $0x1000  }
0xd6: {  	[sflag:s28] =	ssyncset.done $0x0  }
0xd7: {  	s13 =	sadd.s32 $0x2A00, s9;
	[sflag:s28] =	ssyncadd.s32 $0xFFFFF000  }
0xd8: {  	[spmem:s3] =	stream.indirect.scatter.add.f32 [tilespmem:s19], [sflag:$0xD], $0x20, s13, s14, $0xb8;
	[tilespmem:$0x12000] =	vst v63  }
0xd9: {  	_ =	swait.ge [sflag:s29], $0x1000  }
0xda: {  	[sflag:s29] =	ssyncset.done $0x0  }
0xdb: {  	s12 =	sadd.s32 $0x2A80, s9;
	[sflag:s29] =	ssyncadd.s32 $0xFFFFF000  }
0xdc: {  	[spmem:s3] =	stream.indirect.scatter.add.f32 [tilespmem:s20], [sflag:$0xE], $0x20, s12, s14, $0xb8;
	[tilespmem:$0x12000] =	vst v63  }
0xdd: {  	_ =	swait.ge [sflag:s30], $0x1000  }
0xde: {  	[sflag:s30] =	ssyncset.done $0x0  }
0xdf: {  	s13 =	sadd.s32 $0x2B00, s9;
	[sflag:s30] =	ssyncadd.s32 $0xFFFFF000  }
0xe0: {  	[spmem:s3] =	stream.indirect.scatter.add.f32 [tilespmem:s21], [sflag:$0xF], $0x20, s13, s14, $0xb8;
	[tilespmem:$0x12000] =	vst v63  }
0xe1: {  	_ =	swait.ge [sflag:s31], $0x1000  }
0xe2: {  	[sflag:s31] =	ssyncset.done $0x0  }
0xe3: {  	s9 =	sadd.s32 $0x2B80, s9;
	[sflag:s31] =	ssyncadd.s32 $0xFFFFF000  }
0xe4: {  	[spmem:s3] =	stream.indirect.scatter.add.f32 [tilespmem:s22], [sflag:$0x10], $0x20, s9, s14, $0xb8;
	[tilespmem:$0x12000] =	vst v63  }
0xe5: {  	_ =	swait.ge [sflag:s2], $0x1000  }
0xe6: {  	[sflag:s2] =	ssyncset.done $0x0  }
0xe7: {  	[sflag:s2] =	ssyncadd.s32 $0xFFFFF000  }
0xe8: {  	_ =	swait.ge [sflag:s0], $0x1000  }
0xe9: {  	[sflag:s0] =	ssyncset.done $0x0  }
0xea: {  	[sflag:s0] =	ssyncadd.s32 $0xFFFFF000  }
0xeb: {  	_ =	swait.ge [sflag:s11], $0x1000  }
0xec: {  	[sflag:s11] =	ssyncset.done $0x0  }
0xed: {  	[sflag:s11] =	ssyncadd.s32 $0xFFFFF000  }
0xee: {  	_ =	swait.ge [sflag:s4], $0x1000  }
0xef: {  	[sflag:s4] =	ssyncset.done $0x0  }
0xf0: {  	[sflag:s4] =	ssyncadd.s32 $0xFFFFF000  }
0xf1: {  	_ =	swait.ge [sflag:s5], $0x1000  }
0xf2: {  	[sflag:s5] =	ssyncset.done $0x0  }
0xf3: {  	[sflag:s5] =	ssyncadd.s32 $0xFFFFF000  }
0xf4: {  	_ =	swait.ge [sflag:s6], $0x1000  }
0xf5: {  	[sflag:s6] =	ssyncset.done $0x0  }
0xf6: {  	[sflag:s6] =	ssyncadd.s32 $0xFFFFF000  }
0xf7: {  	_ =	swait.ge [sflag:s7], $0x1000  }
0xf8: {  	[sflag:s7] =	ssyncset.done $0x0  }
0xf9: {  	[sflag:s7] =	ssyncadd.s32 $0xFFFFF000  }
0xfa: {  	_ =	swait.ge [sflag:s8], $0x1000  }
0xfb: {  	[sflag:s8] =	ssyncset.done $0x0  }
0xfc: {  	[sflag:s8] =	ssyncadd.s32 $0xFFFFF000  }
0xfd: {  	[bflag:$0x0] =	sbarrier.arrive $0xFFFF  }
0xfe: {  	s12 =	rddreg [dreg:$0x7]  }
0xff: {  	s10 =	rddreg [dreg:$0x9]  }
0x100: {  	s13 =	rddreg [dreg:$0xa]  }
0x101: {  	[hbm:s12], [sflag:s10] =	dma.local [spmem:s13], $0xA00  }
0x102: {  	s12 =	simm.s32 $0x11  }
0x103: {  	_ =	swait.ge [sflag:s12], $0xA00  }
0x104: {  	s13 =	rddreg [dreg:$0xb]  }
0x105: {  	s10 =	rddreg [dreg:$0x8];
	s13 =	sadd.s32 $0x1, s13  }
0x106: {  	p0 =	sne.s32 s13, s10  }
.Ltmp1:
0x107: {  	_ = 	snop;
	(pc) =	sbr.rel @p0 .LBB2_1-.Ltmp1, $3  }
0x108: {  	_ =	sdelay $0x1  }
0x109: {  	[sflag:s12] =	ssyncset.done $0x0  }
0x10a: {  	[sflag:s12] =	ssyncadd.s32 $0xFFFFF600;
	[dreg:$0xb] =	wrdreg s13  }
0x10b: {  	_ =	sfence.sel $0x180000  }
0x10c: {  	[bflag:$0x0] =	sbarrier.arrive $0xFFFF  }
0x10d: {  	_ =	strace $0x90000050  }
0x10e: {  	s0 =	stileid.u32;
	[bflag:$0x2] =	sbarrier.arrive $0xFFFF  }
0x10f: {  	p0 =	sne.s32 s0, $0x0;
	s0 =	rddreg [dreg:$0x3]  }
0x110: {  	s0 =	sadd.s32 @!p0 $0x100000, s0  }
0x111: {  	[sflag:s0] =	ssyncadd.tile.s32 @!p0 $0x1;
	_ =	shalt  }
.Lfunc_end2:
_tile_overlayer_lowered:
.L_overlay_start_2:
0x112: {  	(tag) =	ssettag $0x2  }
0x113: {  	s0 =	rddreg [dreg:$0x0];
	s2 =	stileid.u32  }
0x114: {  	s1 =	rddreg [dreg:$0x1];
	p0 =	sne.s32 s2, $0x0  }
0x115: {  	s3 =	rddreg [dreg:$0x2];
	[bflag:$0x3] =	sbarrier.arrive $0xFFFF;
	s2 =	simm.s32 @!p0 $0x1C11  }
0x116: {  	[timem:s3], [sflag:s2] =	dma.local @!p0 [hbm:s0], s1  }
0x117: {  	s0 =	simm.s32 @!p0 $0x11  }
0x118: {  	_ =	swait.ge @!p0 [sflag:s0], s1  }
0x119: {  	s1 =	ssub.s32 @!p0 $0x0, s1;
	[sflag:s0] =	ssyncset.done @!p0 $0x0  }
0x11a: {  	[sflag:s0] =	ssyncadd.s32 @!p0 s1  }
0x11b: {  	[bflag:$0x3] =	sbarrier.arrive $0xFFFF  }
0x11c: {  	_ =	shalt  }

</sc_bundles>
